<compile_context>
chip_gen: v7x
topology: tpu7x:2x2x1
jax: 0.10.2.dev20260603
libtpu: 0.0.44.dev20260713+nightly
codegen_flags: <defaults>
</compile_context>

<pallas_src>
import functools

import jax
import jax.numpy as jnp
from jax import lax
from jax.experimental import pallas as pl
from jax.experimental.pallas import tpu as pltpu
from jax.experimental.pallas import tpu_sc as plsc

_N = 10000
_E = 320000
_H = 128
_NC = 2
_NS = 16
_NW = _NC * _NS
_RNG = 316
_NACC = _NW * _RNG
_LTRASH = _RNG
_ACCR = 320
_CH = 128
_NCH = 97
_CAP = _NCH * _CH
_SCH = 2048
_NSC = 157
_EPAD = _NSC * _SCH
_FARDST = 16000
_EPS = 1e-5


def _sc_bin(srcp, dstp):
    mesh = plsc.VectorSubcoreMesh(core_axis_name="c", subcore_axis_name="s")

    @functools.partial(
        pl.kernel,
        out_type=(
            jax.ShapeDtypeStruct((_NW, _NCH, _CH), jnp.int32),
            jax.ShapeDtypeStruct((_NW, _NCH, _CH), jnp.int32),
            jax.ShapeDtypeStruct((_NW * 16,), jnp.int32),
        ),
        mesh=mesh,
        scratch_types=[
            pltpu.VMEM((2, _SCH), jnp.int32),
            pltpu.VMEM((2, _SCH), jnp.int32),
            pltpu.VMEM((_NCH, _CH), jnp.int32),
            pltpu.VMEM((_NCH, _CH), jnp.int32),
            pltpu.VMEM((16,), jnp.int32),
            pltpu.SemaphoreType.DMA((2,)),
            pltpu.SemaphoreType.DMA((2,)),
        ],
        compiler_params=pltpu.CompilerParams(needs_layout_passes=False),
    )
    def k(src_hbm, dst_hbm,
          sbin_hbm, dbin_hbm, counts_hbm,
          srcb, dstb, sbin_v, dbin_v, cnt_v, sems, semd):
        c = lax.axis_index("c")
        s = lax.axis_index("s")
        wid = c * _NS + s
        lo = wid * _RNG
        base = s * _ACCR

        pltpu.async_copy(src_hbm.at[pl.ds(0, _SCH)], srcb.at[0], sems.at[0])
        pltpu.async_copy(dst_hbm.at[pl.ds(0, _SCH)], dstb.at[0], semd.at[0])

        def scan_chunk(ci, off_v):
            p = ci & 1
            pltpu.make_async_copy(src_hbm.at[pl.ds(ci * _SCH, _SCH)],
                                  srcb.at[p], sems.at[p]).wait()
            pltpu.make_async_copy(dst_hbm.at[pl.ds(ci * _SCH, _SCH)],
                                  dstb.at[p], semd.at[p]).wait()

            @pl.when(ci + 1 < _NSC)
            def _():
                nxt = (ci + 1) * _SCH
                pltpu.async_copy(src_hbm.at[pl.ds(nxt, _SCH)],
                                 srcb.at[1 - p], sems.at[1 - p])
                pltpu.async_copy(dst_hbm.at[pl.ds(nxt, _SCH)],
                                 dstb.at[1 - p], semd.at[1 - p])

            @plsc.parallel_loop(0, _SCH // 16, unroll=4, carry=off_v)
            def step(j, off):
                d = dstb[p, pl.ds(j * 16, 16)]
                sv = srcb[p, pl.ds(j * 16, 16)]
                m = (d >= lo) & (d < lo + _RNG)
                pos = off + plsc.cumsum(m.astype(jnp.int32)) - 1
                prow = lax.shift_right_logical(pos, 7)
                pcol = pos & (_CH - 1)
                plsc.store_scatter(sbin_v, [prow, pcol], sv, mask=m)
                plsc.store_scatter(dbin_v, [prow, pcol], d - lo + base, mask=m)
                return off + plsc.all_reduce_population_count(m)

            return step

        off_v = lax.fori_loop(0, _NSC, scan_chunk,
                              jnp.zeros((16,), jnp.int32))

        iota = lax.iota(jnp.int32, 16)
        for kk in range(_CH // 16):
            pos = off_v + iota + (kk * 16)
            prow = lax.shift_right_logical(pos, 7)
            pcol = pos & (_CH - 1)
            plsc.store_scatter(sbin_v, [prow, pcol],
                               jnp.zeros((16,), jnp.int32))
            plsc.store_scatter(dbin_v, [prow, pcol],
                               jnp.full((16,), _LTRASH, jnp.int32) + base)

        cnt_v[...] = off_v
        pltpu.sync_copy(sbin_v, sbin_hbm.at[wid])
        pltpu.sync_copy(dbin_v, dbin_hbm.at[wid])
        pltpu.sync_copy(cnt_v, counts_hbm.at[pl.ds(wid * 16, 16)])

    return k(srcp, dstp)


def _sc_degree(dbin, counts, zeros128, ones128):
    mesh = plsc.VectorSubcoreMesh(core_axis_name="c", subcore_axis_name="s")

    @functools.partial(
        pl.kernel,
        out_type=jax.ShapeDtypeStruct((_NW, _RNG, _H), jnp.float32),
        mesh=mesh,
        scratch_types=[
            pltpu.VMEM((_NCH, _CH), jnp.int32),
            pltpu.VMEM((16,), jnp.int32),
            pltpu.VMEM((_CH, _H), jnp.float32),
            pltpu.VMEM_SHARED((_NS * _ACCR, _H), jnp.float32),
        ],
        compiler_params=pltpu.CompilerParams(needs_layout_passes=False),
    )
    def k(dbin_hbm, counts_hbm, zeros_hbm, ones_hbm, out_hbm,
          didx, cnt_v, ones_v, acc):
        c = lax.axis_index("c")
        s = lax.axis_index("s")
        wid = c * _NS + s
        base = s * _ACCR
        pltpu.sync_copy(dbin_hbm.at[wid], didx)
        pltpu.sync_copy(counts_hbm.at[pl.ds(wid * 16, 16)], cnt_v)
        pltpu.sync_copy(zeros_hbm, acc.at[pl.ds(base, _ACCR)])
        pltpu.sync_copy(ones_hbm, ones_v)
        count = cnt_v[...][0]
        nch = (count + _CH - 1) >> 7

        def body(j, carry):
            pltpu.sync_copy(ones_v, acc.at[didx.at[j]], add=True)
            return carry

        lax.fori_loop(0, nch, body, 0)
        pltpu.sync_copy(acc.at[pl.ds(base, _RNG)], out_hbm.at[wid])

    return k(dbin, counts, zeros128, ones128)


def _sc_spmm(table, sbin, dbin, counts, zeros128):
    mesh = plsc.VectorSubcoreMesh(core_axis_name="c", subcore_axis_name="s")

    @functools.partial(
        pl.kernel,
        out_type=jax.ShapeDtypeStruct((_NW, _RNG, _H), jnp.float32),
        mesh=mesh,
        scratch_types=[
            pltpu.VMEM((_NCH, _CH), jnp.int32),
            pltpu.VMEM((_NCH, _CH), jnp.int32),
            pltpu.VMEM((16,), jnp.int32),
            pltpu.VMEM((2, _CH, _H), jnp.float32),
            pltpu.VMEM_SHARED((_NS * _ACCR, _H), jnp.float32),
            pltpu.SemaphoreType.DMA((2,)),
        ],
        compiler_params=pltpu.CompilerParams(needs_layout_passes=False),
    )
    def k(table_hbm, sbin_hbm, dbin_hbm, counts_hbm, zeros_hbm, out_hbm,
          sidx, didx, cnt_v, rbuf, acc, sem):
        c = lax.axis_index("c")
        s = lax.axis_index("s")
        wid = c * _NS + s
        base = s * _ACCR
        pltpu.sync_copy(sbin_hbm.at[wid], sidx)
        pltpu.sync_copy(dbin_hbm.at[wid], didx)
        pltpu.sync_copy(counts_hbm.at[pl.ds(wid * 16, 16)], cnt_v)
        pltpu.sync_copy(zeros_hbm, acc.at[pl.ds(base, _ACCR)])
        count = cnt_v[...][0]
        nch = (count + _CH - 1) >> 7

        @pl.when(nch > 0)
        def _():
            pltpu.async_copy(table_hbm.at[sidx.at[0]], rbuf.at[0], sem.at[0])

        def body(j, carry):
            p = j & 1
            pltpu.make_async_copy(table_hbm.at[sidx.at[j]], rbuf.at[p],
                                  sem.at[p]).wait()

            @pl.when(j + 1 < nch)
            def _():
                pltpu.async_copy(table_hbm.at[sidx.at[j + 1]],
                                 rbuf.at[1 - p], sem.at[1 - p])

            pltpu.sync_copy(rbuf.at[p], acc.at[didx.at[j]], add=True)
            return carry

        lax.fori_loop(0, nch, body, 0)
        pltpu.sync_copy(acc.at[pl.ds(base, _RNG)], out_hbm.at[wid])

    return k(table, sbin, dbin, counts, zeros128)


_R = 2000
_G = _N // _R


def _tc_head(cnt, x, W0):
    def body(cnt_ref, x_ref, w_ref, dinv_ref, hp_ref):
        deg = cnt_ref[...][:, 0:1] + 1.0
        dinv = 1.0 / jnp.sqrt(deg)
        dinv_ref[...] = dinv
        hp_ref[...] = jnp.dot(x_ref[...], w_ref[...],
                              preferred_element_type=jnp.float32) * dinv

    return pl.pallas_call(
        body,
        grid=(_G,),
        in_specs=[
            pl.BlockSpec((_R, _H), lambda i: (i, 0)),
            pl.BlockSpec((_R, _H), lambda i: (i, 0)),
            pl.BlockSpec((_H, _H), lambda i: (0, 0)),
        ],
        out_specs=[
            pl.BlockSpec((_R, 1), lambda i: (i, 0)),
            pl.BlockSpec((_R, _H), lambda i: (i, 0)),
        ],
        out_shape=[
            jax.ShapeDtypeStruct((_N, 1), jnp.float32),
            jax.ShapeDtypeStruct((_N, _H), jnp.float32),
        ],
    )(cnt, x, W0)


def _ln_relu(t, g, be):
    mu = jnp.mean(t, axis=-1, keepdims=True)
    var = jnp.mean((t - mu) ** 2, axis=-1, keepdims=True)
    return jnp.maximum((t - mu) / jnp.sqrt(var + _EPS) * g + be, 0.0)


def _tc_mid(sacc, hp, dinv, b, g, be, Wn):
    def body(s_ref, hp_ref, dinv_ref, b_ref, g_ref, be_ref, w_ref, out_ref):
        dinv = dinv_ref[...]
        t = (s_ref[...] + hp_ref[...]) * dinv + b_ref[...]
        xx = _ln_relu(t, g_ref[...], be_ref[...])
        out_ref[...] = jnp.dot(xx, w_ref[...],
                               preferred_element_type=jnp.float32) * dinv

    return pl.pallas_call(
        body,
        grid=(_G,),
        in_specs=[
            pl.BlockSpec((_R, _H), lambda i: (i, 0)),
            pl.BlockSpec((_R, _H), lambda i: (i, 0)),
            pl.BlockSpec((_R, 1), lambda i: (i, 0)),
            pl.BlockSpec((1, _H), lambda i: (0, 0)),
            pl.BlockSpec((1, _H), lambda i: (0, 0)),
            pl.BlockSpec((1, _H), lambda i: (0, 0)),
            pl.BlockSpec((_H, _H), lambda i: (0, 0)),
        ],
        out_specs=pl.BlockSpec((_R, _H), lambda i: (i, 0)),
        out_shape=jax.ShapeDtypeStruct((_N, _H), jnp.float32),
    )(sacc, hp, dinv, b, g, be, Wn)


def _tc_final(sacc, hp, dinv, b, g, be, fc1_w, fc1_b, fc2_w, fc2_b):
    def body(s_ref, hp_ref, dinv_ref, b_ref, g_ref, be_ref,
             w1_ref, b1_ref, w2_ref, b2_ref, out_ref, acc_ref):
        i = pl.program_id(0)
        t = (s_ref[...] + hp_ref[...]) * dinv_ref[...] + b_ref[...]
        xx = _ln_relu(t, g_ref[...], be_ref[...])
        ps = jnp.sum(xx, axis=0, keepdims=True)

        @pl.when(i == 0)
        def _():
            acc_ref[...] = ps

        @pl.when(i > 0)
        def _():
            acc_ref[...] = acc_ref[...] + ps

        @pl.when(i == _G - 1)
        def _():
            pooled = acc_ref[...] * (1.0 / _N)
            z = jnp.maximum(
                jnp.dot(pooled, w1_ref[...],
                        preferred_element_type=jnp.float32) + b1_ref[...], 0.0)
            out_ref[...] = jnp.dot(z, w2_ref[...],
                                   preferred_element_type=jnp.float32) + b2_ref[...]

    return pl.pallas_call(
        body,
        grid=(_G,),
        in_specs=[
            pl.BlockSpec((_R, _H), lambda i: (i, 0)),
            pl.BlockSpec((_R, _H), lambda i: (i, 0)),
            pl.BlockSpec((_R, 1), lambda i: (i, 0)),
            pl.BlockSpec((1, _H), lambda i: (0, 0)),
            pl.BlockSpec((1, _H), lambda i: (0, 0)),
            pl.BlockSpec((1, _H), lambda i: (0, 0)),
            pl.BlockSpec((_H, _H // 2), lambda i: (0, 0)),
            pl.BlockSpec((1, _H // 2), lambda i: (0, 0)),
            pl.BlockSpec((_H // 2, 2), lambda i: (0, 0)),
            pl.BlockSpec((1, 2), lambda i: (0, 0)),
        ],
        out_specs=pl.BlockSpec((1, 2), lambda i: (0, 0)),
        out_shape=jax.ShapeDtypeStruct((1, 2), jnp.float32),
        scratch_shapes=[pltpu.VMEM((1, _H), jnp.float32)],
    )(sacc, hp, dinv, b, g, be, fc1_w, fc1_b, fc2_w, fc2_b)


def kernel(x, edge_index, W0, b0, W1, b1, W2, b2,
           g0, be0, g1, be1, g2, be2, fc1_w, fc1_b, fc2_w, fc2_b):
    src = edge_index[0].astype(jnp.int32)
    dst = edge_index[1].astype(jnp.int32)
    pad = _EPAD - _E
    srcp = jnp.concatenate([src, jnp.zeros((pad,), jnp.int32)])
    dstp = jnp.concatenate([dst, jnp.full((pad,), _FARDST, jnp.int32)])
    zeros128 = jnp.zeros((_ACCR, _H), jnp.float32)

    b0r, b1r, b2r = (v.reshape(1, _H) for v in (b0, b1, b2))
    g0r, g1r, g2r = (v.reshape(1, _H) for v in (g0, g1, g2))
    be0r, be1r, be2r = (v.reshape(1, _H) for v in (be0, be1, be2))

    sbin, dbin, counts = _sc_bin(srcp, dstp)
    ones128 = jnp.ones((_CH, _H), jnp.float32)
    cnt2 = _sc_degree(dbin, counts, zeros128, ones128).reshape(_NACC, _H)
    dinv, hp = _tc_head(cnt2, x, W0)
    s = _sc_spmm(hp, sbin, dbin, counts, zeros128).reshape(_NACC, _H)
    hp = _tc_mid(s, hp, dinv, b0r, g0r, be0r, W1)
    s = _sc_spmm(hp, sbin, dbin, counts, zeros128).reshape(_NACC, _H)
    hp = _tc_mid(s, hp, dinv, b1r, g1r, be1r, W2)
    s = _sc_spmm(hp, sbin, dbin, counts, zeros128).reshape(_NACC, _H)
    return _tc_final(s, hp, dinv, b2r, g2r, be2r,
                     fc1_w, fc1_b.reshape(1, _H // 2),
                     fc2_w, fc2_b.reshape(1, 2))

# --- scband reference (transcript-rebuilt; emitter-appended) ---
"""Pipeline reference for scband-fake-news-detector-18545668784934 (READ-ONLY COPY).

The authoritative reference and input builder live on the scoring server;
editing this copy changes nothing except your own understanding.
"""

import jax, jax.numpy as jnp
import numpy as np

N = 10000
E = 320000
D = 128
H = 128

def _glorot(key, shape):
    fan_in, fan_out = shape[0], shape[1]
    lim = np.sqrt(6.0 / (fan_in + fan_out))
    return jax.random.uniform(key, shape, dtype=jnp.float32, minval=-lim, maxval=lim)

def setup_inputs(seed: int = 0):
    key = jax.random.key(seed)
    ks = jax.random.split(key, 12)
    x = jax.random.normal(ks[0], (N, D), dtype=jnp.float32)
    edge_index = jax.random.randint(ks[1], (2, E), 0, N)
    W0 = _glorot(ks[2], (D, H)); b0 = jnp.zeros((H,), jnp.float32)
    W1 = _glorot(ks[3], (H, H)); b1 = jnp.zeros((H,), jnp.float32)
    W2 = _glorot(ks[4], (H, H)); b2 = jnp.zeros((H,), jnp.float32)
    g0 = jnp.ones((H,), jnp.float32); be0 = jnp.zeros((H,), jnp.float32)
    g1 = jnp.ones((H,), jnp.float32); be1 = jnp.zeros((H,), jnp.float32)
    g2 = jnp.ones((H,), jnp.float32); be2 = jnp.zeros((H,), jnp.float32)
    fc1_w = _glorot(ks[5], (H, H // 2)); fc1_b = jnp.zeros((H // 2,), jnp.float32)
    fc2_w = _glorot(ks[6], (H // 2, 2)); fc2_b = jnp.zeros((2,), jnp.float32)
    return {"x": x, "edge_index": edge_index,
            "W0": W0, "b0": b0, "W1": W1, "b1": b1, "W2": W2, "b2": b2,
            "g0": g0, "be0": be0, "g1": g1, "be1": be1, "g2": g2, "be2": be2,
            "fc1_w": fc1_w, "fc1_b": fc1_b, "fc2_w": fc2_w, "fc2_b": fc2_b}

def _gcn_conv(x, edge_index, W, b):
    n = x.shape[0]
    loop = jnp.arange(n)
    src = jnp.concatenate([edge_index[0], loop])
    dst = jnp.concatenate([edge_index[1], loop])
    deg = jax.ops.segment_sum(jnp.ones_like(src, dtype=x.dtype), dst, num_segments=n)
    dinv = 1.0 / jnp.sqrt(jnp.clip(deg, 1.0))
    norm = dinv[src] * dinv[dst]
    h = x @ W
    msg = h[src] * norm[:, None]
    out = jax.ops.segment_sum(msg, dst, num_segments=n)
    return out + b

def _layer_norm(h, g, b, eps=1e-5):
    mu = h.mean(-1, keepdims=True)
    var = ((h - mu) ** 2).mean(-1, keepdims=True)
    return (h - mu) / jnp.sqrt(var + eps) * g + b

def reference(x, edge_index, W0, b0, W1, b1, W2, b2, g0, be0, g1, be1, g2, be2, fc1_w, fc1_b, fc2_w, fc2_b):
    # eval mode: dropout is identity
    h = _gcn_conv(x, edge_index, W0, b0)
    h = jax.nn.relu(_layer_norm(h, g0, be0))
    h = _gcn_conv(h, edge_index, W1, b1)
    h = jax.nn.relu(_layer_norm(h, g1, be1))
    h = _gcn_conv(h, edge_index, W2, b2)
    h = jax.nn.relu(_layer_norm(h, g2, be2))
    pooled = h.mean(axis=0, keepdims=True)  # batch=None -> global mean pool
    z = jax.nn.relu(pooled @ fc1_w + fc1_b)
    logits = z @ fc2_w + fc2_b
    return logits

if __name__ == "__main__":
    import jax
    _d = setup_inputs()
    print(jax.jit(kernel)(*tuple(_d.values())))

</pallas_src>

<mosaic_0001>
#map = affine_map<(d0, d1) -> (0, 0)>
#map1 = affine_map<(d0, d1) -> (0, 0, 0)>
#map2 = affine_map<(d0, d1) -> (0)>
module attributes {stable_mosaic.version = 14 : i64} {
  func.func @k(%arg0: i32, %arg1: i32, %arg2: memref<10000x128xf32, #tpu.memory_space<hbm>>, %arg3: memref<32x97x128xi32, #tpu.memory_space<hbm>>, %arg4: memref<32x97x128xi32, #tpu.memory_space<hbm>>, %arg5: memref<512xi32, #tpu.memory_space<hbm>>, %arg6: memref<320x128xf32, #tpu.memory_space<hbm>>, %arg7: memref<32x316x128xf32, #tpu.memory_space<hbm>>, %arg8: memref<97x128xi32, #tpu.memory_space<vmem>>, %arg9: memref<97x128xi32, #tpu.memory_space<vmem>>, %arg10: memref<16xi32, #tpu.memory_space<vmem>>, %arg11: memref<2x128x128xf32, #tpu.memory_space<vmem>>, %arg12: memref<5120x128xf32, #tpu.memory_space<vmem_shared>>, %arg13: memref<2x!tpu.dma_semaphore, #tpu.memory_space<semaphore_mem>>) attributes {dimension_semantics = [#tpu.dimension_semantics<core_parallel>, #tpu.dimension_semantics<subcore_parallel>], iteration_bounds = array<i64: 2, 16>, scalar_prefetch = 0 : i64, scratch_operands = 6 : i64, tpu.core_type = #tpu.core_type<sc_vector_subcore>, window_params = [{transform_indices = #map}, {transform_indices = #map1}, {transform_indices = #map1}, {transform_indices = #map2}, {transform_indices = #map}, {transform_indices = #map1}]} {
    %mul3A = arith.constant 16 : i32
    %mul3A_0 = arith.muli %arg0, %mul3A : i32
    %add3A = arith.addi %mul3A_0, %arg1 : i32
    %mul3A_1 = arith.constant 320 : i32
    %mul3A_2 = arith.muli %arg1, %mul3A_1 : i32
    "tpu.region"() ({
      %run_scoped3A = tpu.sem_alloc : memref<!tpu.dma_semaphore, #tpu.memory_space<semaphore_mem>>
      %dma_start3A = arith.constant 0 : i32
      %dma_start3A_21 = arith.constant 0 : i32
      %dma_start3A_22 = tpu.memref_slice %arg3[%add3A, %dma_start3A, %dma_start3A_21] : memref<32x97x128xi32, #tpu.memory_space<hbm>> -> memref<1x97x128xi32, #tpu.memory_space<hbm>>
      %dma_start3A_23 = tpu.memref_squeeze %dma_start3A_22 : memref<1x97x128xi32, #tpu.memory_space<hbm>> -> memref<97x128xi32, #tpu.memory_space<hbm>>
      %dma_start3A_24 = arith.constant 0 : i32
      %dma_start3A_25 = arith.constant 0 : i32
      %dma_start3A_26 = tpu.memref_slice %arg3[%add3A, %dma_start3A_24, %dma_start3A_25] : memref<32x97x128xi32, #tpu.memory_space<hbm>> -> memref<1x97x128xi32, #tpu.memory_space<hbm>>
      %dma_start3A_27 = tpu.memref_squeeze %dma_start3A_26 : memref<1x97x128xi32, #tpu.memory_space<hbm>> -> memref<97x128xi32, #tpu.memory_space<hbm>>
      tpu.enqueue_dma source(%dma_start3A_27 : memref<97x128xi32, #tpu.memory_space<hbm>>) target(%arg8 : memref<97x128xi32, #tpu.memory_space<vmem>>) target_semaphore(%run_scoped3A : memref<!tpu.dma_semaphore, #tpu.memory_space<semaphore_mem>>)
      %dma_wait3A = arith.constant 0 : i32
      %dma_wait3A_28 = arith.constant 0 : i32
      %dma_wait3A_29 = tpu.memref_slice %arg3[%add3A, %dma_wait3A, %dma_wait3A_28] : memref<32x97x128xi32, #tpu.memory_space<hbm>> -> memref<1x97x128xi32, #tpu.memory_space<hbm>>
      %dma_wait3A_30 = tpu.memref_squeeze %dma_wait3A_29 : memref<1x97x128xi32, #tpu.memory_space<hbm>> -> memref<97x128xi32, #tpu.memory_space<hbm>>
      %dma_wait3A_31 = arith.constant 0 : i32
      %dma_wait3A_32 = arith.constant 0 : i32
      %dma_wait3A_33 = tpu.memref_slice %arg3[%add3A, %dma_wait3A_31, %dma_wait3A_32] : memref<32x97x128xi32, #tpu.memory_space<hbm>> -> memref<1x97x128xi32, #tpu.memory_space<hbm>>
      %dma_wait3A_34 = tpu.memref_squeeze %dma_wait3A_33 : memref<1x97x128xi32, #tpu.memory_space<hbm>> -> memref<97x128xi32, #tpu.memory_space<hbm>>
      tpu.wait_dma2 semaphore(%run_scoped3A : memref<!tpu.dma_semaphore, #tpu.memory_space<semaphore_mem>>) src(%dma_wait3A_34 : memref<97x128xi32, #tpu.memory_space<hbm>>) dst(%arg8 : memref<97x128xi32, #tpu.memory_space<vmem>>)
      tpu.yield
    }) : () -> ()
    "tpu.region"() ({
      %run_scoped3A = tpu.sem_alloc : memref<!tpu.dma_semaphore, #tpu.memory_space<semaphore_mem>>
      %dma_start3A = arith.constant 0 : i32
      %dma_start3A_21 = arith.constant 0 : i32
      %dma_start3A_22 = tpu.memref_slice %arg4[%add3A, %dma_start3A, %dma_start3A_21] : memref<32x97x128xi32, #tpu.memory_space<hbm>> -> memref<1x97x128xi32, #tpu.memory_space<hbm>>
      %dma_start3A_23 = tpu.memref_squeeze %dma_start3A_22 : memref<1x97x128xi32, #tpu.memory_space<hbm>> -> memref<97x128xi32, #tpu.memory_space<hbm>>
      %dma_start3A_24 = arith.constant 0 : i32
      %dma_start3A_25 = arith.constant 0 : i32
      %dma_start3A_26 = tpu.memref_slice %arg4[%add3A, %dma_start3A_24, %dma_start3A_25] : memref<32x97x128xi32, #tpu.memory_space<hbm>> -> memref<1x97x128xi32, #tpu.memory_space<hbm>>
      %dma_start3A_27 = tpu.memref_squeeze %dma_start3A_26 : memref<1x97x128xi32, #tpu.memory_space<hbm>> -> memref<97x128xi32, #tpu.memory_space<hbm>>
      tpu.enqueue_dma source(%dma_start3A_27 : memref<97x128xi32, #tpu.memory_space<hbm>>) target(%arg9 : memref<97x128xi32, #tpu.memory_space<vmem>>) target_semaphore(%run_scoped3A : memref<!tpu.dma_semaphore, #tpu.memory_space<semaphore_mem>>)
      %dma_wait3A = arith.constant 0 : i32
      %dma_wait3A_28 = arith.constant 0 : i32
      %dma_wait3A_29 = tpu.memref_slice %arg4[%add3A, %dma_wait3A, %dma_wait3A_28] : memref<32x97x128xi32, #tpu.memory_space<hbm>> -> memref<1x97x128xi32, #tpu.memory_space<hbm>>
      %dma_wait3A_30 = tpu.memref_squeeze %dma_wait3A_29 : memref<1x97x128xi32, #tpu.memory_space<hbm>> -> memref<97x128xi32, #tpu.memory_space<hbm>>
      %dma_wait3A_31 = arith.constant 0 : i32
      %dma_wait3A_32 = arith.constant 0 : i32
      %dma_wait3A_33 = tpu.memref_slice %arg4[%add3A, %dma_wait3A_31, %dma_wait3A_32] : memref<32x97x128xi32, #tpu.memory_space<hbm>> -> memref<1x97x128xi32, #tpu.memory_space<hbm>>
      %dma_wait3A_34 = tpu.memref_squeeze %dma_wait3A_33 : memref<1x97x128xi32, #tpu.memory_space<hbm>> -> memref<97x128xi32, #tpu.memory_space<hbm>>
      tpu.wait_dma2 semaphore(%run_scoped3A : memref<!tpu.dma_semaphore, #tpu.memory_space<semaphore_mem>>) src(%dma_wait3A_34 : memref<97x128xi32, #tpu.memory_space<hbm>>) dst(%arg9 : memref<97x128xi32, #tpu.memory_space<vmem>>)
      tpu.yield
    }) : () -> ()
    %mul3A_3 = arith.constant 16 : i32
    %mul3A_4 = arith.muli %add3A, %mul3A_3 : i32
    "tpu.region"() ({
      %run_scoped3A = tpu.sem_alloc : memref<!tpu.dma_semaphore, #tpu.memory_space<semaphore_mem>>
      %dma_start3A = tpu.memref_slice %arg5[%mul3A_4] : memref<512xi32, #tpu.memory_space<hbm>> -> memref<16xi32, #tpu.memory_space<hbm>>
      %dma_start3A_21 = tpu.memref_slice %arg5[%mul3A_4] : memref<512xi32, #tpu.memory_space<hbm>> -> memref<16xi32, #tpu.memory_space<hbm>>
      tpu.enqueue_dma source(%dma_start3A_21 : memref<16xi32, #tpu.memory_space<hbm>>) target(%arg10 : memref<16xi32, #tpu.memory_space<vmem>>) target_semaphore(%run_scoped3A : memref<!tpu.dma_semaphore, #tpu.memory_space<semaphore_mem>>)
      %dma_wait3A = tpu.memref_slice %arg5[%mul3A_4] : memref<512xi32, #tpu.memory_space<hbm>> -> memref<16xi32, #tpu.memory_space<hbm>>
      %dma_wait3A_22 = tpu.memref_slice %arg5[%mul3A_4] : memref<512xi32, #tpu.memory_space<hbm>> -> memref<16xi32, #tpu.memory_space<hbm>>
      tpu.wait_dma2 semaphore(%run_scoped3A : memref<!tpu.dma_semaphore, #tpu.memory_space<semaphore_mem>>) src(%dma_wait3A_22 : memref<16xi32, #tpu.memory_space<hbm>>) dst(%arg10 : memref<16xi32, #tpu.memory_space<vmem>>)
      tpu.yield
    }) : () -> ()
    "tpu.region"() ({
      %run_scoped3A = tpu.sem_alloc : memref<!tpu.dma_semaphore, #tpu.memory_space<semaphore_mem>>
      %dma_start3A = arith.constant 0 : i32
      %dma_start3A_21 = tpu.memref_slice %arg12[%mul3A_2, %dma_start3A] : memref<5120x128xf32, #tpu.memory_space<vmem_shared>> -> memref<320x128xf32, #tpu.memory_space<vmem_shared>>
      tpu.enqueue_dma source(%arg6 : memref<320x128xf32, #tpu.memory_space<hbm>>) target(%dma_start3A_21 : memref<320x128xf32, #tpu.memory_space<vmem_shared>>) target_semaphore(%run_scoped3A : memref<!tpu.dma_semaphore, #tpu.memory_space<semaphore_mem>>)
      %dma_wait3A = arith.constant 0 : i32
      %dma_wait3A_22 = tpu.memref_slice %arg12[%mul3A_2, %dma_wait3A] : memref<5120x128xf32, #tpu.memory_space<vmem_shared>> -> memref<320x128xf32, #tpu.memory_space<vmem_shared>>
      tpu.wait_dma2 semaphore(%run_scoped3A : memref<!tpu.dma_semaphore, #tpu.memory_space<semaphore_mem>>) src(%arg6 : memref<320x128xf32, #tpu.memory_space<hbm>>) dst(%dma_wait3A_22 : memref<320x128xf32, #tpu.memory_space<vmem_shared>>)
      tpu.yield
    }) : () -> ()
    %get3A = arith.constant 0 : index
    %get3A_5 = tpu.vector_load %arg10[%get3A] {strides = array<i32>} : memref<16xi32, #tpu.memory_space<vmem>>, vector<16xi32>,
    %slice3A = vector.extract_strided_slice %get3A_5 {offsets = [0], sizes = [1], strides = [1]} : vector<16xi32> to vector<1xi32>
    %squeeze3A = vector.extract %slice3A[0] : i32 from vector<1xi32>
    %add3A_6 = arith.constant 128 : i32
    %add3A_7 = arith.addi %squeeze3A, %add3A_6 : i32
    %sub3A = arith.constant 1 : i32
    %sub3A_8 = arith.subi %add3A_7, %sub3A : i32
    %shift_right_arithmetic3A = arith.constant 7 : i32
    %shift_right_arithmetic3A_9 = arith.shrsi %sub3A_8, %shift_right_arithmetic3A : i32
    %gt3A = arith.constant 0 : i32
    %gt3A_10 = arith.cmpi sgt, %shift_right_arithmetic3A_9, %gt3A : i32
    %convert_element_type3A = arith.extui %gt3A_10 : i1 to i32
    %cond3A = arith.constant 0 : i32
    %cond3A_11 = arith.cmpi ne, %convert_element_type3A, %cond3A : i32
    scf.if %cond3A_11 {
      %dma_start3A = arith.constant 0 : i32
      %dma_start3A_21 = arith.constant 0 : i32
      %dma_start3A_22 = arith.constant 0 : i32
      %dma_start3A_23 = arith.constant 0 : i32
      %dma_start3A_24 = arith.constant 0 : i32
      %dma_start3A_25 = tpu.memref_slice %arg11[%dma_start3A_21, %dma_start3A_23, %dma_start3A_24] : memref<2x128x128xf32, #tpu.memory_space<vmem>> -> memref<1x128x128xf32, #tpu.memory_space<vmem>>
      %dma_start3A_26 = tpu.memref_squeeze %dma_start3A_25 : memref<1x128x128xf32, #tpu.memory_space<vmem>> -> memref<128x128xf32, #tpu.memory_space<vmem>>
      %dma_start3A_27 = arith.constant 0 : i32
      %dma_start3A_28 = tpu.memref_slice %arg8[%dma_start3A, %dma_start3A_27] : memref<97x128xi32, #tpu.memory_space<vmem>> -> memref<1x128xi32, #tpu.memory_space<vmem>>
      %dma_start3A_29 = tpu.memref_squeeze %dma_start3A_28 : memref<1x128xi32, #tpu.memory_space<vmem>> -> memref<128xi32, #tpu.memory_space<vmem>>
      %dma_start3A_30 = arith.constant 0 : i32
      %dma_start3A_31 = arith.constant 0 : i32
      %dma_start3A_32 = tpu.memref_slice %arg2[%dma_start3A_30, %dma_start3A_31] : memref<10000x128xf32, #tpu.memory_space<hbm>> -> memref<10000x128xf32, #tpu.memory_space<hbm>>
      %dma_start3A_33 = tpu.memref_slice %arg13[%dma_start3A_22] : memref<2x!tpu.dma_semaphore, #tpu.memory_space<semaphore_mem>> -> memref<1x!tpu.dma_semaphore, #tpu.memory_space<semaphore_mem>>
      %dma_start3A_34 = tpu.memref_squeeze %dma_start3A_33 : memref<1x!tpu.dma_semaphore, #tpu.memory_space<semaphore_mem>> -> memref<!tpu.dma_semaphore, #tpu.memory_space<semaphore_mem>>
      tpu.enqueue_indirect_dma source(%dma_start3A_32 : memref<10000x128xf32, #tpu.memory_space<hbm>>) target(%dma_start3A_26 : memref<128x128xf32, #tpu.memory_space<vmem>>) offsets(%dma_start3A_29 : memref<128xi32, #tpu.memory_space<vmem>>) semaphore(%dma_start3A_34 : memref<!tpu.dma_semaphore, #tpu.memory_space<semaphore_mem>>)
    } else {
    }
    %while3A = arith.constant 0 : i32
    %while3A_12 = arith.constant 0 : i32
    %while3A_13 = arith.subi %shift_right_arithmetic3A_9, %while3A_12 : i32
    %while3A_14 = arith.addi %while3A_12, %while3A_13 : i32
    %while3A_15 = arith.constant 1 : i32
    %while3A_16 = arith.divsi %while3A_13, %while3A_15 : i32
    %while3A_17 = arith.muli %while3A_16, %while3A_15 : i32
    %while3A_18 = arith.addi %while3A_12, %while3A_17 : i32
    %while3A_19 = arith.constant 1 : i32
    scf.for %while3A_21 = %while3A_12 to %while3A_18 step %while3A_19  : i32 {
      %and3A = arith.constant 1 : i32
      %and3A_22 = arith.andi %while3A_21, %and3A : i32
      %dma_wait3A = arith.constant 0 : i32
      %dma_wait3A_23 = arith.constant 0 : i32
      %dma_wait3A_24 = tpu.memref_slice %arg11[%and3A_22, %dma_wait3A, %dma_wait3A_23] : memref<2x128x128xf32, #tpu.memory_space<vmem>> -> memref<1x128x128xf32, #tpu.memory_space<vmem>>
      %dma_wait3A_25 = tpu.memref_squeeze %dma_wait3A_24 : memref<1x128x128xf32, #tpu.memory_space<vmem>> -> memref<128x128xf32, #tpu.memory_space<vmem>>
      %dma_wait3A_26 = arith.constant 0 : i32
      %dma_wait3A_27 = tpu.memref_slice %arg8[%while3A_21, %dma_wait3A_26] : memref<97x128xi32, #tpu.memory_space<vmem>> -> memref<1x128xi32, #tpu.memory_space<vmem>>
      %dma_wait3A_28 = tpu.memref_squeeze %dma_wait3A_27 : memref<1x128xi32, #tpu.memory_space<vmem>> -> memref<128xi32, #tpu.memory_space<vmem>>
      %dma_wait3A_29 = arith.constant 0 : i32
      %dma_wait3A_30 = arith.constant 0 : i32
      %dma_wait3A_31 = tpu.memref_slice %arg2[%dma_wait3A_29, %dma_wait3A_30] : memref<10000x128xf32, #tpu.memory_space<hbm>> -> memref<10000x128xf32, #tpu.memory_space<hbm>>
      %dma_wait3A_32 = tpu.memref_slice %arg13[%and3A_22] : memref<2x!tpu.dma_semaphore, #tpu.memory_space<semaphore_mem>> -> memref<1x!tpu.dma_semaphore, #tpu.memory_space<semaphore_mem>>
      %dma_wait3A_33 = tpu.memref_squeeze %dma_wait3A_32 : memref<1x!tpu.dma_semaphore, #tpu.memory_space<semaphore_mem>> -> memref<!tpu.dma_semaphore, #tpu.memory_space<semaphore_mem>>
      tpu.wait_indirect_dma semaphore(%dma_wait3A_33 : memref<!tpu.dma_semaphore, #tpu.memory_space<semaphore_mem>>) src(%dma_wait3A_31 : memref<10000x128xf32, #tpu.memory_space<hbm>>) dst(%dma_wait3A_25 : memref<128x128xf32, #tpu.memory_space<vmem>>)
      %add3A_34 = arith.constant 1 : i32
      %add3A_35 = arith.addi %while3A_21, %add3A_34 : i32
      %lt3A = arith.cmpi slt, %add3A_35, %shift_right_arithmetic3A_9 : i32
      %convert_element_type3A_36 = arith.extui %lt3A : i1 to i32
      %cond3A_37 = arith.constant 0 : i32
      %cond3A_38 = arith.cmpi ne, %convert_element_type3A_36, %cond3A_37 : i32
      scf.if %cond3A_38 {
        %add3A_39 = arith.constant 1 : i32
        %add3A_40 = arith.addi %while3A_21, %add3A_39 : i32
        %sub3A_41 = arith.constant 1 : i32
        %sub3A_42 = arith.subi %sub3A_41, %and3A_22 : i32
        %sub3A_43 = arith.constant 1 : i32
        %sub3A_44 = arith.subi %sub3A_43, %and3A_22 : i32
        %dma_start3A = arith.constant 0 : i32
        %dma_start3A_45 = arith.constant 0 : i32
        %dma_start3A_46 = tpu.memref_slice %arg11[%sub3A_42, %dma_start3A, %dma_start3A_45] : memref<2x128x128xf32, #tpu.memory_space<vmem>> -> memref<1x128x128xf32, #tpu.memory_space<vmem>>
        %dma_start3A_47 = tpu.memref_squeeze %dma_start3A_46 : memref<1x128x128xf32, #tpu.memory_space<vmem>> -> memref<128x128xf32, #tpu.memory_space<vmem>>
        %dma_start3A_48 = arith.constant 0 : i32
        %dma_start3A_49 = tpu.memref_slice %arg8[%add3A_40, %dma_start3A_48] : memref<97x128xi32, #tpu.memory_space<vmem>> -> memref<1x128xi32, #tpu.memory_space<vmem>>
        %dma_start3A_50 = tpu.memref_squeeze %dma_start3A_49 : memref<1x128xi32, #tpu.memory_space<vmem>> -> memref<128xi32, #tpu.memory_space<vmem>>
        %dma_start3A_51 = arith.constant 0 : i32
        %dma_start3A_52 = arith.constant 0 : i32
        %dma_start3A_53 = tpu.memref_slice %arg2[%dma_start3A_51, %dma_start3A_52] : memref<10000x128xf32, #tpu.memory_space<hbm>> -> memref<10000x128xf32, #tpu.memory_space<hbm>>
        %dma_start3A_54 = tpu.memref_slice %arg13[%sub3A_44] : memref<2x!tpu.dma_semaphore, #tpu.memory_space<semaphore_mem>> -> memref<1x!tpu.dma_semaphore, #tpu.memory_space<semaphore_mem>>
        %dma_start3A_55 = tpu.memref_squeeze %dma_start3A_54 : memref<1x!tpu.dma_semaphore, #tpu.memory_space<semaphore_mem>> -> memref<!tpu.dma_semaphore, #tpu.memory_space<semaphore_mem>>
        tpu.enqueue_indirect_dma source(%dma_start3A_53 : memref<10000x128xf32, #tpu.memory_space<hbm>>) target(%dma_start3A_47 : memref<128x128xf32, #tpu.memory_space<vmem>>) offsets(%dma_start3A_50 : memref<128xi32, #tpu.memory_space<vmem>>) semaphore(%dma_start3A_55 : memref<!tpu.dma_semaphore, #tpu.memory_space<semaphore_mem>>)
      } else {
      }
      "tpu.region"() ({
        %run_scoped3A = tpu.sem_alloc : memref<!tpu.dma_semaphore, #tpu.memory_space<semaphore_mem>>
        %dma_start3A = arith.constant 0 : i32
        %dma_start3A_39 = arith.constant 0 : i32
        %dma_start3A_40 = tpu.memref_slice %arg11[%and3A_22, %dma_start3A, %dma_start3A_39] : memref<2x128x128xf32, #tpu.memory_space<vmem>> -> memref<1x128x128xf32, #tpu.memory_space<vmem>>
        %dma_start3A_41 = tpu.memref_squeeze %dma_start3A_40 : memref<1x128x128xf32, #tpu.memory_space<vmem>> -> memref<128x128xf32, #tpu.memory_space<vmem>>
        %dma_start3A_42 = arith.constant 0 : i32
        %dma_start3A_43 = tpu.memref_slice %arg9[%while3A_21, %dma_start3A_42] : memref<97x128xi32, #tpu.memory_space<vmem>> -> memref<1x128xi32, #tpu.memory_space<vmem>>
        %dma_start3A_44 = tpu.memref_squeeze %dma_start3A_43 : memref<1x128xi32, #tpu.memory_space<vmem>> -> memref<128xi32, #tpu.memory_space<vmem>>
        %dma_start3A_45 = arith.constant 0 : i32
        %dma_start3A_46 = arith.constant 0 : i32
        %dma_start3A_47 = tpu.memref_slice %arg12[%dma_start3A_45, %dma_start3A_46] : memref<5120x128xf32, #tpu.memory_space<vmem_shared>> -> memref<5120x128xf32, #tpu.memory_space<vmem_shared>>
        tpu.enqueue_indirect_dma source(%dma_start3A_41 : memref<128x128xf32, #tpu.memory_space<vmem>>) target(%dma_start3A_47 : memref<5120x128xf32, #tpu.memory_space<vmem_shared>>) offsets(%dma_start3A_44 : memref<128xi32, #tpu.memory_space<vmem>>) semaphore(%run_scoped3A : memref<!tpu.dma_semaphore, #tpu.memory_space<semaphore_mem>>) {add = true}
        %dma_wait3A_48 = arith.constant 0 : i32
        %dma_wait3A_49 = arith.constant 0 : i32
        %dma_wait3A_50 = tpu.memref_slice %arg11[%and3A_22, %dma_wait3A_48, %dma_wait3A_49] : memref<2x128x128xf32, #tpu.memory_space<vmem>> -> memref<1x128x128xf32, #tpu.memory_space<vmem>>
        %dma_wait3A_51 = tpu.memref_squeeze %dma_wait3A_50 : memref<1x128x128xf32, #tpu.memory_space<vmem>> -> memref<128x128xf32, #tpu.memory_space<vmem>>
        %dma_wait3A_52 = arith.constant 0 : i32
        %dma_wait3A_53 = tpu.memref_slice %arg9[%while3A_21, %dma_wait3A_52] : memref<97x128xi32, #tpu.memory_space<vmem>> -> memref<1x128xi32, #tpu.memory_space<vmem>>
        %dma_wait3A_54 = tpu.memref_squeeze %dma_wait3A_53 : memref<1x128xi32, #tpu.memory_space<vmem>> -> memref<128xi32, #tpu.memory_space<vmem>>
        %dma_wait3A_55 = arith.constant 0 : i32
        %dma_wait3A_56 = arith.constant 0 : i32
        %dma_wait3A_57 = tpu.memref_slice %arg12[%dma_wait3A_55, %dma_wait3A_56] : memref<5120x128xf32, #tpu.memory_space<vmem_shared>> -> memref<5120x128xf32, #tpu.memory_space<vmem_shared>>
        tpu.wait_indirect_dma semaphore(%run_scoped3A : memref<!tpu.dma_semaphore, #tpu.memory_space<semaphore_mem>>) src(%dma_wait3A_51 : memref<128x128xf32, #tpu.memory_space<vmem>>) dst(%dma_wait3A_57 : memref<5120x128xf32, #tpu.memory_space<vmem_shared>>)
        tpu.yield
      }) : () -> ()
    }
    %while3A_20 = arith.constant 1 : i32
    scf.for %while3A_21 = %while3A_18 to %while3A_14 step %while3A_20  : i32 {
      %and3A = arith.constant 1 : i32
      %and3A_22 = arith.andi %while3A_21, %and3A : i32
      %dma_wait3A = arith.constant 0 : i32
      %dma_wait3A_23 = arith.constant 0 : i32
      %dma_wait3A_24 = tpu.memref_slice %arg11[%and3A_22, %dma_wait3A, %dma_wait3A_23] : memref<2x128x128xf32, #tpu.memory_space<vmem>> -> memref<1x128x128xf32, #tpu.memory_space<vmem>>
      %dma_wait3A_25 = tpu.memref_squeeze %dma_wait3A_24 : memref<1x128x128xf32, #tpu.memory_space<vmem>> -> memref<128x128xf32, #tpu.memory_space<vmem>>
      %dma_wait3A_26 = arith.constant 0 : i32
      %dma_wait3A_27 = tpu.memref_slice %arg8[%while3A_21, %dma_wait3A_26] : memref<97x128xi32, #tpu.memory_space<vmem>> -> memref<1x128xi32, #tpu.memory_space<vmem>>
      %dma_wait3A_28 = tpu.memref_squeeze %dma_wait3A_27 : memref<1x128xi32, #tpu.memory_space<vmem>> -> memref<128xi32, #tpu.memory_space<vmem>>
      %dma_wait3A_29 = arith.constant 0 : i32
      %dma_wait3A_30 = arith.constant 0 : i32
      %dma_wait3A_31 = tpu.memref_slice %arg2[%dma_wait3A_29, %dma_wait3A_30] : memref<10000x128xf32, #tpu.memory_space<hbm>> -> memref<10000x128xf32, #tpu.memory_space<hbm>>
      %dma_wait3A_32 = tpu.memref_slice %arg13[%and3A_22] : memref<2x!tpu.dma_semaphore, #tpu.memory_space<semaphore_mem>> -> memref<1x!tpu.dma_semaphore, #tpu.memory_space<semaphore_mem>>
      %dma_wait3A_33 = tpu.memref_squeeze %dma_wait3A_32 : memref<1x!tpu.dma_semaphore, #tpu.memory_space<semaphore_mem>> -> memref<!tpu.dma_semaphore, #tpu.memory_space<semaphore_mem>>
      tpu.wait_indirect_dma semaphore(%dma_wait3A_33 : memref<!tpu.dma_semaphore, #tpu.memory_space<semaphore_mem>>) src(%dma_wait3A_31 : memref<10000x128xf32, #tpu.memory_space<hbm>>) dst(%dma_wait3A_25 : memref<128x128xf32, #tpu.memory_space<vmem>>)
      %add3A_34 = arith.constant 1 : i32
      %add3A_35 = arith.addi %while3A_21, %add3A_34 : i32
      %lt3A = arith.cmpi slt, %add3A_35, %shift_right_arithmetic3A_9 : i32
      %convert_element_type3A_36 = arith.extui %lt3A : i1 to i32
      %cond3A_37 = arith.constant 0 : i32
      %cond3A_38 = arith.cmpi ne, %convert_element_type3A_36, %cond3A_37 : i32
      scf.if %cond3A_38 {
        %add3A_39 = arith.constant 1 : i32
        %add3A_40 = arith.addi %while3A_21, %add3A_39 : i32
        %sub3A_41 = arith.constant 1 : i32
        %sub3A_42 = arith.subi %sub3A_41, %and3A_22 : i32
        %sub3A_43 = arith.constant 1 : i32
        %sub3A_44 = arith.subi %sub3A_43, %and3A_22 : i32
        %dma_start3A = arith.constant 0 : i32
        %dma_start3A_45 = arith.constant 0 : i32
        %dma_start3A_46 = tpu.memref_slice %arg11[%sub3A_42, %dma_start3A, %dma_start3A_45] : memref<2x128x128xf32, #tpu.memory_space<vmem>> -> memref<1x128x128xf32, #tpu.memory_space<vmem>>
        %dma_start3A_47 = tpu.memref_squeeze %dma_start3A_46 : memref<1x128x128xf32, #tpu.memory_space<vmem>> -> memref<128x128xf32, #tpu.memory_space<vmem>>
        %dma_start3A_48 = arith.constant 0 : i32
        %dma_start3A_49 = tpu.memref_slice %arg8[%add3A_40, %dma_start3A_48] : memref<97x128xi32, #tpu.memory_space<vmem>> -> memref<1x128xi32, #tpu.memory_space<vmem>>
        %dma_start3A_50 = tpu.memref_squeeze %dma_start3A_49 : memref<1x128xi32, #tpu.memory_space<vmem>> -> memref<128xi32, #tpu.memory_space<vmem>>
        %dma_start3A_51 = arith.constant 0 : i32
        %dma_start3A_52 = arith.constant 0 : i32
        %dma_start3A_53 = tpu.memref_slice %arg2[%dma_start3A_51, %dma_start3A_52] : memref<10000x128xf32, #tpu.memory_space<hbm>> -> memref<10000x128xf32, #tpu.memory_space<hbm>>
        %dma_start3A_54 = tpu.memref_slice %arg13[%sub3A_44] : memref<2x!tpu.dma_semaphore, #tpu.memory_space<semaphore_mem>> -> memref<1x!tpu.dma_semaphore, #tpu.memory_space<semaphore_mem>>
        %dma_start3A_55 = tpu.memref_squeeze %dma_start3A_54 : memref<1x!tpu.dma_semaphore, #tpu.memory_space<semaphore_mem>> -> memref<!tpu.dma_semaphore, #tpu.memory_space<semaphore_mem>>
        tpu.enqueue_indirect_dma source(%dma_start3A_53 : memref<10000x128xf32, #tpu.memory_space<hbm>>) target(%dma_start3A_47 : memref<128x128xf32, #tpu.memory_space<vmem>>) offsets(%dma_start3A_50 : memref<128xi32, #tpu.memory_space<vmem>>) semaphore(%dma_start3A_55 : memref<!tpu.dma_semaphore, #tpu.memory_space<semaphore_mem>>)
      } else {
      }
      "tpu.region"() ({
        %run_scoped3A = tpu.sem_alloc : memref<!tpu.dma_semaphore, #tpu.memory_space<semaphore_mem>>
        %dma_start3A = arith.constant 0 : i32
        %dma_start3A_39 = arith.constant 0 : i32
        %dma_start3A_40 = tpu.memref_slice %arg11[%and3A_22, %dma_start3A, %dma_start3A_39] : memref<2x128x128xf32, #tpu.memory_space<vmem>> -> memref<1x128x128xf32, #tpu.memory_space<vmem>>
        %dma_start3A_41 = tpu.memref_squeeze %dma_start3A_40 : memref<1x128x128xf32, #tpu.memory_space<vmem>> -> memref<128x128xf32, #tpu.memory_space<vmem>>
        %dma_start3A_42 = arith.constant 0 : i32
        %dma_start3A_43 = tpu.memref_slice %arg9[%while3A_21, %dma_start3A_42] : memref<97x128xi32, #tpu.memory_space<vmem>> -> memref<1x128xi32, #tpu.memory_space<vmem>>
        %dma_start3A_44 = tpu.memref_squeeze %dma_start3A_43 : memref<1x128xi32, #tpu.memory_space<vmem>> -> memref<128xi32, #tpu.memory_space<vmem>>
        %dma_start3A_45 = arith.constant 0 : i32
        %dma_start3A_46 = arith.constant 0 : i32
        %dma_start3A_47 = tpu.memref_slice %arg12[%dma_start3A_45, %dma_start3A_46] : memref<5120x128xf32, #tpu.memory_space<vmem_shared>> -> memref<5120x128xf32, #tpu.memory_space<vmem_shared>>
        tpu.enqueue_indirect_dma source(%dma_start3A_41 : memref<128x128xf32, #tpu.memory_space<vmem>>) target(%dma_start3A_47 : memref<5120x128xf32, #tpu.memory_space<vmem_shared>>) offsets(%dma_start3A_44 : memref<128xi32, #tpu.memory_space<vmem>>) semaphore(%run_scoped3A : memref<!tpu.dma_semaphore, #tpu.memory_space<semaphore_mem>>) {add = true}
        %dma_wait3A_48 = arith.constant 0 : i32
        %dma_wait3A_49 = arith.constant 0 : i32
        %dma_wait3A_50 = tpu.memref_slice %arg11[%and3A_22, %dma_wait3A_48, %dma_wait3A_49] : memref<2x128x128xf32, #tpu.memory_space<vmem>> -> memref<1x128x128xf32, #tpu.memory_space<vmem>>
        %dma_wait3A_51 = tpu.memref_squeeze %dma_wait3A_50 : memref<1x128x128xf32, #tpu.memory_space<vmem>> -> memref<128x128xf32, #tpu.memory_space<vmem>>
        %dma_wait3A_52 = arith.constant 0 : i32
        %dma_wait3A_53 = tpu.memref_slice %arg9[%while3A_21, %dma_wait3A_52] : memref<97x128xi32, #tpu.memory_space<vmem>> -> memref<1x128xi32, #tpu.memory_space<vmem>>
        %dma_wait3A_54 = tpu.memref_squeeze %dma_wait3A_53 : memref<1x128xi32, #tpu.memory_space<vmem>> -> memref<128xi32, #tpu.memory_space<vmem>>
        %dma_wait3A_55 = arith.constant 0 : i32
        %dma_wait3A_56 = arith.constant 0 : i32
        %dma_wait3A_57 = tpu.memref_slice %arg12[%dma_wait3A_55, %dma_wait3A_56] : memref<5120x128xf32, #tpu.memory_space<vmem_shared>> -> memref<5120x128xf32, #tpu.memory_space<vmem_shared>>
        tpu.wait_indirect_dma semaphore(%run_scoped3A : memref<!tpu.dma_semaphore, #tpu.memory_space<semaphore_mem>>) src(%dma_wait3A_51 : memref<128x128xf32, #tpu.memory_space<vmem>>) dst(%dma_wait3A_57 : memref<5120x128xf32, #tpu.memory_space<vmem_shared>>)
        tpu.yield
      }) : () -> ()
    }
    "tpu.region"() ({
      %run_scoped3A = tpu.sem_alloc : memref<!tpu.dma_semaphore, #tpu.memory_space<semaphore_mem>>
      %dma_start3A = arith.constant 0 : i32
      %dma_start3A_21 = arith.constant 0 : i32
      %dma_start3A_22 = tpu.memref_slice %arg7[%add3A, %dma_start3A, %dma_start3A_21] : memref<32x316x128xf32, #tpu.memory_space<hbm>> -> memref<1x316x128xf32, #tpu.memory_space<hbm>>
      %dma_start3A_23 = tpu.memref_squeeze %dma_start3A_22 : memref<1x316x128xf32, #tpu.memory_space<hbm>> -> memref<316x128xf32, #tpu.memory_space<hbm>>
      %dma_start3A_24 = arith.constant 0 : i32
      %dma_start3A_25 = tpu.memref_slice %arg12[%mul3A_2, %dma_start3A_24] : memref<5120x128xf32, #tpu.memory_space<vmem_shared>> -> memref<316x128xf32, #tpu.memory_space<vmem_shared>>
      tpu.enqueue_dma source(%dma_start3A_25 : memref<316x128xf32, #tpu.memory_space<vmem_shared>>) target(%dma_start3A_23 : memref<316x128xf32, #tpu.memory_space<hbm>>) target_semaphore(%run_scoped3A : memref<!tpu.dma_semaphore, #tpu.memory_space<semaphore_mem>>)
      %dma_wait3A = arith.constant 0 : i32
      %dma_wait3A_26 = arith.constant 0 : i32
      %dma_wait3A_27 = tpu.memref_slice %arg7[%add3A, %dma_wait3A, %dma_wait3A_26] : memref<32x316x128xf32, #tpu.memory_space<hbm>> -> memref<1x316x128xf32, #tpu.memory_space<hbm>>
      %dma_wait3A_28 = tpu.memref_squeeze %dma_wait3A_27 : memref<1x316x128xf32, #tpu.memory_space<hbm>> -> memref<316x128xf32, #tpu.memory_space<hbm>>
      %dma_wait3A_29 = arith.constant 0 : i32
      %dma_wait3A_30 = tpu.memref_slice %arg12[%mul3A_2, %dma_wait3A_29] : memref<5120x128xf32, #tpu.memory_space<vmem_shared>> -> memref<316x128xf32, #tpu.memory_space<vmem_shared>>
      tpu.wait_dma2 semaphore(%run_scoped3A : memref<!tpu.dma_semaphore, #tpu.memory_space<semaphore_mem>>) src(%dma_wait3A_30 : memref<316x128xf32, #tpu.memory_space<vmem_shared>>) dst(%dma_wait3A_28 : memref<316x128xf32, #tpu.memory_space<hbm>>)
      tpu.yield
    }) : () -> ()
    return
  }
}

#map = affine_map<(d0, d1) -> (0)>
#map1 = affine_map<(d0, d1) -> (0, 0, 0)>
module attributes {stable_mosaic.version = 14 : i64} {
  func.func @k(%arg0: i32, %arg1: i32, %arg2: memref<321536xi32, #tpu.memory_space<hbm>>, %arg3: memref<321536xi32, #tpu.memory_space<hbm>>, %arg4: memref<32x97x128xi32, #tpu.memory_space<hbm>>, %arg5: memref<32x97x128xi32, #tpu.memory_space<hbm>>, %arg6: memref<512xi32, #tpu.memory_space<hbm>>, %arg7: memref<2x2048xi32, #tpu.memory_space<vmem>>, %arg8: memref<2x2048xi32, #tpu.memory_space<vmem>>, %arg9: memref<97x128xi32, #tpu.memory_space<vmem>>, %arg10: memref<97x128xi32, #tpu.memory_space<vmem>>, %arg11: memref<16xi32, #tpu.memory_space<vmem>>, %arg12: memref<2x!tpu.dma_semaphore, #tpu.memory_space<semaphore_mem>>, %arg13: memref<2x!tpu.dma_semaphore, #tpu.memory_space<semaphore_mem>>) attributes {dimension_semantics = [#tpu.dimension_semantics<core_parallel>, #tpu.dimension_semantics<subcore_parallel>], iteration_bounds = array<i64: 2, 16>, scalar_prefetch = 0 : i64, scratch_operands = 7 : i64, tpu.core_type = #tpu.core_type<sc_vector_subcore>, window_params = [{transform_indices = #map}, {transform_indices = #map}, {transform_indices = #map1}, {transform_indices = #map1}, {transform_indices = #map}]} {
    %mul3A = arith.constant 16 : i32
    %mul3A_0 = arith.muli %arg0, %mul3A : i32
    %add3A = arith.addi %mul3A_0, %arg1 : i32
    %mul3A_1 = arith.constant 316 : i32
    %mul3A_2 = arith.muli %add3A, %mul3A_1 : i32
    %mul3A_3 = arith.constant 320 : i32
    %mul3A_4 = arith.muli %arg1, %mul3A_3 : i32
    %dma_start3A = arith.constant 0 : i32
    %dma_start3A_5 = arith.constant 0 : i32
    %dma_start3A_6 = arith.constant 0 : i32
    %dma_start3A_7 = tpu.memref_slice %arg7[%dma_start3A, %dma_start3A_6] : memref<2x2048xi32, #tpu.memory_space<vmem>> -> memref<1x2048xi32, #tpu.memory_space<vmem>>
    %dma_start3A_8 = tpu.memref_squeeze %dma_start3A_7 : memref<1x2048xi32, #tpu.memory_space<vmem>> -> memref<2048xi32, #tpu.memory_space<vmem>>
    %dma_start3A_9 = arith.constant 0 : i32
    %dma_start3A_10 = tpu.memref_slice %arg2[%dma_start3A_9] : memref<321536xi32, #tpu.memory_space<hbm>> -> memref<2048xi32, #tpu.memory_space<hbm>>
    %dma_start3A_11 = tpu.memref_slice %arg12[%dma_start3A_5] : memref<2x!tpu.dma_semaphore, #tpu.memory_space<semaphore_mem>> -> memref<1x!tpu.dma_semaphore, #tpu.memory_space<semaphore_mem>>
    %dma_start3A_12 = tpu.memref_squeeze %dma_start3A_11 : memref<1x!tpu.dma_semaphore, #tpu.memory_space<semaphore_mem>> -> memref<!tpu.dma_semaphore, #tpu.memory_space<semaphore_mem>>
    %dma_start3A_13 = arith.constant 0 : i32
    %dma_start3A_14 = tpu.memref_slice %arg7[%dma_start3A, %dma_start3A_13] : memref<2x2048xi32, #tpu.memory_space<vmem>> -> memref<1x2048xi32, #tpu.memory_space<vmem>>
    %dma_start3A_15 = tpu.memref_squeeze %dma_start3A_14 : memref<1x2048xi32, #tpu.memory_space<vmem>> -> memref<2048xi32, #tpu.memory_space<vmem>>
    %dma_start3A_16 = arith.constant 0 : i32
    %dma_start3A_17 = tpu.memref_slice %arg2[%dma_start3A_16] : memref<321536xi32, #tpu.memory_space<hbm>> -> memref<2048xi32, #tpu.memory_space<hbm>>
    tpu.enqueue_dma source(%dma_start3A_17 : memref<2048xi32, #tpu.memory_space<hbm>>) target(%dma_start3A_15 : memref<2048xi32, #tpu.memory_space<vmem>>) target_semaphore(%dma_start3A_12 : memref<!tpu.dma_semaphore, #tpu.memory_space<semaphore_mem>>)
    %dma_start3A_18 = arith.constant 0 : i32
    %dma_start3A_19 = arith.constant 0 : i32
    %dma_start3A_20 = arith.constant 0 : i32
    %dma_start3A_21 = tpu.memref_slice %arg8[%dma_start3A_18, %dma_start3A_20] : memref<2x2048xi32, #tpu.memory_space<vmem>> -> memref<1x2048xi32, #tpu.memory_space<vmem>>
    %dma_start3A_22 = tpu.memref_squeeze %dma_start3A_21 : memref<1x2048xi32, #tpu.memory_space<vmem>> -> memref<2048xi32, #tpu.memory_space<vmem>>
    %dma_start3A_23 = arith.constant 0 : i32
    %dma_start3A_24 = tpu.memref_slice %arg3[%dma_start3A_23] : memref<321536xi32, #tpu.memory_space<hbm>> -> memref<2048xi32, #tpu.memory_space<hbm>>
    %dma_start3A_25 = tpu.memref_slice %arg13[%dma_start3A_19] : memref<2x!tpu.dma_semaphore, #tpu.memory_space<semaphore_mem>> -> memref<1x!tpu.dma_semaphore, #tpu.memory_space<semaphore_mem>>
    %dma_start3A_26 = tpu.memref_squeeze %dma_start3A_25 : memref<1x!tpu.dma_semaphore, #tpu.memory_space<semaphore_mem>> -> memref<!tpu.dma_semaphore, #tpu.memory_space<semaphore_mem>>
    %dma_start3A_27 = arith.constant 0 : i32
    %dma_start3A_28 = tpu.memref_slice %arg8[%dma_start3A_18, %dma_start3A_27] : memref<2x2048xi32, #tpu.memory_space<vmem>> -> memref<1x2048xi32, #tpu.memory_space<vmem>>
    %dma_start3A_29 = tpu.memref_squeeze %dma_start3A_28 : memref<1x2048xi32, #tpu.memory_space<vmem>> -> memref<2048xi32, #tpu.memory_space<vmem>>
    %dma_start3A_30 = arith.constant 0 : i32
    %dma_start3A_31 = tpu.memref_slice %arg3[%dma_start3A_30] : memref<321536xi32, #tpu.memory_space<hbm>> -> memref<2048xi32, #tpu.memory_space<hbm>>
    tpu.enqueue_dma source(%dma_start3A_31 : memref<2048xi32, #tpu.memory_space<hbm>>) target(%dma_start3A_29 : memref<2048xi32, #tpu.memory_space<vmem>>) target_semaphore(%dma_start3A_26 : memref<!tpu.dma_semaphore, #tpu.memory_space<semaphore_mem>>)
    %broadcast_in_dim3A = arith.constant 0 : i32
    %broadcast_in_dim3A_32 = vector.broadcast %broadcast_in_dim3A : i32 to vector<16xi32>
    %scan3A = arith.constant 0 : i32
    %scan3A_33 = arith.constant 157 : i32
    %scan3A_34 = arith.addi %scan3A, %scan3A_33 : i32
    %scan3A_35 = arith.constant 1 : i32
    %scan3A_36 = scf.for %scan3A_167 = %scan3A to %scan3A_34 step %scan3A_35 iter_args(%scan3A_168 = %broadcast_in_dim3A_32) -> (vector<16xi32>)  : i32 {
      %and3A_169 = arith.constant 1 : i32
      %and3A_170 = arith.andi %scan3A_167, %and3A_169 : i32
      %mul3A_171 = arith.constant 2048 : i32
      %mul3A_172 = arith.muli %scan3A_167, %mul3A_171 : i32
      %dma_wait3A = arith.constant 0 : i32
      %dma_wait3A_173 = tpu.memref_slice %arg7[%and3A_170, %dma_wait3A] : memref<2x2048xi32, #tpu.memory_space<vmem>> -> memref<1x2048xi32, #tpu.memory_space<vmem>>
      %dma_wait3A_174 = tpu.memref_squeeze %dma_wait3A_173 : memref<1x2048xi32, #tpu.memory_space<vmem>> -> memref<2048xi32, #tpu.memory_space<vmem>>
      %dma_wait3A_175 = tpu.memref_slice %arg2[%mul3A_172] : memref<321536xi32, #tpu.memory_space<hbm>> -> memref<2048xi32, #tpu.memory_space<hbm>>
      %dma_wait3A_176 = tpu.memref_slice %arg12[%and3A_170] : memref<2x!tpu.dma_semaphore, #tpu.memory_space<semaphore_mem>> -> memref<1x!tpu.dma_semaphore, #tpu.memory_space<semaphore_mem>>
      %dma_wait3A_177 = tpu.memref_squeeze %dma_wait3A_176 : memref<1x!tpu.dma_semaphore, #tpu.memory_space<semaphore_mem>> -> memref<!tpu.dma_semaphore, #tpu.memory_space<semaphore_mem>>
      %dma_wait3A_178 = arith.constant 0 : i32
      %dma_wait3A_179 = tpu.memref_slice %arg7[%and3A_170, %dma_wait3A_178] : memref<2x2048xi32, #tpu.memory_space<vmem>> -> memref<1x2048xi32, #tpu.memory_space<vmem>>
      %dma_wait3A_180 = tpu.memref_squeeze %dma_wait3A_179 : memref<1x2048xi32, #tpu.memory_space<vmem>> -> memref<2048xi32, #tpu.memory_space<vmem>>
      %dma_wait3A_181 = tpu.memref_slice %arg2[%mul3A_172] : memref<321536xi32, #tpu.memory_space<hbm>> -> memref<2048xi32, #tpu.memory_space<hbm>>
      tpu.wait_dma2 semaphore(%dma_wait3A_177 : memref<!tpu.dma_semaphore, #tpu.memory_space<semaphore_mem>>) src(%dma_wait3A_181 : memref<2048xi32, #tpu.memory_space<hbm>>) dst(%dma_wait3A_180 : memref<2048xi32, #tpu.memory_space<vmem>>)
      %mul3A_182 = arith.constant 2048 : i32
      %mul3A_183 = arith.muli %scan3A_167, %mul3A_182 : i32
      %dma_wait3A_184 = arith.constant 0 : i32
      %dma_wait3A_185 = tpu.memref_slice %arg8[%and3A_170, %dma_wait3A_184] : memref<2x2048xi32, #tpu.memory_space<vmem>> -> memref<1x2048xi32, #tpu.memory_space<vmem>>
      %dma_wait3A_186 = tpu.memref_squeeze %dma_wait3A_185 : memref<1x2048xi32, #tpu.memory_space<vmem>> -> memref<2048xi32, #tpu.memory_space<vmem>>
      %dma_wait3A_187 = tpu.memref_slice %arg3[%mul3A_183] : memref<321536xi32, #tpu.memory_space<hbm>> -> memref<2048xi32, #tpu.memory_space<hbm>>
      %dma_wait3A_188 = tpu.memref_slice %arg13[%and3A_170] : memref<2x!tpu.dma_semaphore, #tpu.memory_space<semaphore_mem>> -> memref<1x!tpu.dma_semaphore, #tpu.memory_space<semaphore_mem>>
      %dma_wait3A_189 = tpu.memref_squeeze %dma_wait3A_188 : memref<1x!tpu.dma_semaphore, #tpu.memory_space<semaphore_mem>> -> memref<!tpu.dma_semaphore, #tpu.memory_space<semaphore_mem>>
      %dma_wait3A_190 = arith.constant 0 : i32
      %dma_wait3A_191 = tpu.memref_slice %arg8[%and3A_170, %dma_wait3A_190] : memref<2x2048xi32, #tpu.memory_space<vmem>> -> memref<1x2048xi32, #tpu.memory_space<vmem>>
      %dma_wait3A_192 = tpu.memref_squeeze %dma_wait3A_191 : memref<1x2048xi32, #tpu.memory_space<vmem>> -> memref<2048xi32, #tpu.memory_space<vmem>>
      %dma_wait3A_193 = tpu.memref_slice %arg3[%mul3A_183] : memref<321536xi32, #tpu.memory_space<hbm>> -> memref<2048xi32, #tpu.memory_space<hbm>>
      tpu.wait_dma2 semaphore(%dma_wait3A_189 : memref<!tpu.dma_semaphore, #tpu.memory_space<semaphore_mem>>) src(%dma_wait3A_193 : memref<2048xi32, #tpu.memory_space<hbm>>) dst(%dma_wait3A_192 : memref<2048xi32, #tpu.memory_space<vmem>>)
      %add3A_194 = arith.constant 1 : i32
      %add3A_195 = arith.addi %scan3A_167, %add3A_194 : i32
      %lt3A = arith.constant 157 : i32
      %lt3A_196 = arith.cmpi slt, %add3A_195, %lt3A : i32
      %convert_element_type3A = arith.extui %lt3A_196 : i1 to i32
      %cond3A = arith.constant 0 : i32
      %cond3A_197 = arith.cmpi ne, %convert_element_type3A, %cond3A : i32
      scf.if %cond3A_197 {
        %add3A_201 = arith.constant 1 : i32
        %add3A_202 = arith.addi %scan3A_167, %add3A_201 : i32
        %mul3A_203 = arith.constant 2048 : i32
        %mul3A_204 = arith.muli %add3A_202, %mul3A_203 : i32
        %sub3A = arith.constant 1 : i32
        %sub3A_205 = arith.subi %sub3A, %and3A_170 : i32
        %sub3A_206 = arith.constant 1 : i32
        %sub3A_207 = arith.subi %sub3A_206, %and3A_170 : i32
        %dma_start3A_208 = arith.constant 0 : i32
        %dma_start3A_209 = tpu.memref_slice %arg7[%sub3A_205, %dma_start3A_208] : memref<2x2048xi32, #tpu.memory_space<vmem>> -> memref<1x2048xi32, #tpu.memory_space<vmem>>
        %dma_start3A_210 = tpu.memref_squeeze %dma_start3A_209 : memref<1x2048xi32, #tpu.memory_space<vmem>> -> memref<2048xi32, #tpu.memory_space<vmem>>
        %dma_start3A_211 = tpu.memref_slice %arg2[%mul3A_204] : memref<321536xi32, #tpu.memory_space<hbm>> -> memref<2048xi32, #tpu.memory_space<hbm>>
        %dma_start3A_212 = tpu.memref_slice %arg12[%sub3A_207] : memref<2x!tpu.dma_semaphore, #tpu.memory_space<semaphore_mem>> -> memref<1x!tpu.dma_semaphore, #tpu.memory_space<semaphore_mem>>
        %dma_start3A_213 = tpu.memref_squeeze %dma_start3A_212 : memref<1x!tpu.dma_semaphore, #tpu.memory_space<semaphore_mem>> -> memref<!tpu.dma_semaphore, #tpu.memory_space<semaphore_mem>>
        %dma_start3A_214 = arith.constant 0 : i32
        %dma_start3A_215 = tpu.memref_slice %arg7[%sub3A_205, %dma_start3A_214] : memref<2x2048xi32, #tpu.memory_space<vmem>> -> memref<1x2048xi32, #tpu.memory_space<vmem>>
        %dma_start3A_216 = tpu.memref_squeeze %dma_start3A_215 : memref<1x2048xi32, #tpu.memory_space<vmem>> -> memref<2048xi32, #tpu.memory_space<vmem>>
        %dma_start3A_217 = tpu.memref_slice %arg2[%mul3A_204] : memref<321536xi32, #tpu.memory_space<hbm>> -> memref<2048xi32, #tpu.memory_space<hbm>>
        tpu.enqueue_dma source(%dma_start3A_217 : memref<2048xi32, #tpu.memory_space<hbm>>) target(%dma_start3A_216 : memref<2048xi32, #tpu.memory_space<vmem>>) target_semaphore(%dma_start3A_213 : memref<!tpu.dma_semaphore, #tpu.memory_space<semaphore_mem>>)
        %sub3A_218 = arith.constant 1 : i32
        %sub3A_219 = arith.subi %sub3A_218, %and3A_170 : i32
        %sub3A_220 = arith.constant 1 : i32
        %sub3A_221 = arith.subi %sub3A_220, %and3A_170 : i32
        %dma_start3A_222 = arith.constant 0 : i32
        %dma_start3A_223 = tpu.memref_slice %arg8[%sub3A_219, %dma_start3A_222] : memref<2x2048xi32, #tpu.memory_space<vmem>> -> memref<1x2048xi32, #tpu.memory_space<vmem>>
        %dma_start3A_224 = tpu.memref_squeeze %dma_start3A_223 : memref<1x2048xi32, #tpu.memory_space<vmem>> -> memref<2048xi32, #tpu.memory_space<vmem>>
        %dma_start3A_225 = tpu.memref_slice %arg3[%mul3A_204] : memref<321536xi32, #tpu.memory_space<hbm>> -> memref<2048xi32, #tpu.memory_space<hbm>>
        %dma_start3A_226 = tpu.memref_slice %arg13[%sub3A_221] : memref<2x!tpu.dma_semaphore, #tpu.memory_space<semaphore_mem>> -> memref<1x!tpu.dma_semaphore, #tpu.memory_space<semaphore_mem>>
        %dma_start3A_227 = tpu.memref_squeeze %dma_start3A_226 : memref<1x!tpu.dma_semaphore, #tpu.memory_space<semaphore_mem>> -> memref<!tpu.dma_semaphore, #tpu.memory_space<semaphore_mem>>
        %dma_start3A_228 = arith.constant 0 : i32
        %dma_start3A_229 = tpu.memref_slice %arg8[%sub3A_219, %dma_start3A_228] : memref<2x2048xi32, #tpu.memory_space<vmem>> -> memref<1x2048xi32, #tpu.memory_space<vmem>>
        %dma_start3A_230 = tpu.memref_squeeze %dma_start3A_229 : memref<1x2048xi32, #tpu.memory_space<vmem>> -> memref<2048xi32, #tpu.memory_space<vmem>>
        %dma_start3A_231 = tpu.memref_slice %arg3[%mul3A_204] : memref<321536xi32, #tpu.memory_space<hbm>> -> memref<2048xi32, #tpu.memory_space<hbm>>
        tpu.enqueue_dma source(%dma_start3A_231 : memref<2048xi32, #tpu.memory_space<hbm>>) target(%dma_start3A_230 : memref<2048xi32, #tpu.memory_space<vmem>>) target_semaphore(%dma_start3A_227 : memref<!tpu.dma_semaphore, #tpu.memory_space<semaphore_mem>>)
      } else {
      }
      %parallel_loop3A = arith.constant 0 : i32
      %parallel_loop3A_198 = arith.constant 128 : i32
      %parallel_loop3A_199 = arith.constant 1 : i32
      %parallel_loop3A_200 = scf.for %parallel_loop3A_201 = %parallel_loop3A to %parallel_loop3A_198 step %parallel_loop3A_199 iter_args(%parallel_loop3A_202 = %scan3A_168) -> (vector<16xi32>)  : i32 {
        %parallel_loop3A_203 = arith.constant 16 : i32
        %parallel_loop3A_204 = arith.muli %parallel_loop3A_201, %parallel_loop3A_203 : i32
        %parallel_loop3A_205 = arith.index_cast %and3A_170 : i32 to index
        %parallel_loop3A_206 = arith.index_cast %parallel_loop3A_204 : i32 to index
        %parallel_loop3A_207 = tpu.vector_load %arg8[%parallel_loop3A_205, %parallel_loop3A_206] {strides = array<i32>} : memref<2x2048xi32, #tpu.memory_space<vmem>>, vector<16xi32>,
        %parallel_loop3A_208 = arith.constant 16 : i32
        %parallel_loop3A_209 = arith.muli %parallel_loop3A_201, %parallel_loop3A_208 : i32
        %parallel_loop3A_210 = arith.index_cast %and3A_170 : i32 to index
        %parallel_loop3A_211 = arith.index_cast %parallel_loop3A_209 : i32 to index
        %parallel_loop3A_212 = tpu.vector_load %arg7[%parallel_loop3A_210, %parallel_loop3A_211] {strides = array<i32>} : memref<2x2048xi32, #tpu.memory_space<vmem>>, vector<16xi32>,
        %parallel_loop3A_213 = vector.broadcast %mul3A_2 : i32 to vector<16xi32>
        %parallel_loop3A_214 = arith.cmpi sge, %parallel_loop3A_207, %parallel_loop3A_213 : vector<16xi32>
        %parallel_loop3A_215 = arith.constant 316 : i32
        %parallel_loop3A_216 = arith.addi %mul3A_2, %parallel_loop3A_215 : i32
        %parallel_loop3A_217 = vector.broadcast %parallel_loop3A_216 : i32 to vector<16xi32>
        %parallel_loop3A_218 = arith.cmpi slt, %parallel_loop3A_207, %parallel_loop3A_217 : vector<16xi32>
        %parallel_loop3A_219 = arith.andi %parallel_loop3A_214, %parallel_loop3A_218 : vector<16xi1>
        %parallel_loop3A_220 = arith.extui %parallel_loop3A_219 : vector<16xi1> to vector<16xi32>
        %parallel_loop3A_221 = arith.constant true
        %parallel_loop3A_222 = vector.broadcast %parallel_loop3A_221 : i1 to vector<16xi1>
        %parallel_loop3A_223 = tpu.scan <sum>, %parallel_loop3A_220 masked %parallel_loop3A_222 : vector<16xi32>, vector<16xi1> -> vector<16xi32>
        %parallel_loop3A_224 = arith.addi %parallel_loop3A_202, %parallel_loop3A_223 : vector<16xi32>
        %parallel_loop3A_225 = arith.constant 1 : i32
        %parallel_loop3A_226 = vector.broadcast %parallel_loop3A_225 : i32 to vector<16xi32>
        %parallel_loop3A_227 = arith.subi %parallel_loop3A_224, %parallel_loop3A_226 : vector<16xi32>
        %parallel_loop3A_228 = arith.constant 7 : i32
        %parallel_loop3A_229 = vector.broadcast %parallel_loop3A_228 : i32 to vector<16xi32>
        %parallel_loop3A_230 = arith.shrui %parallel_loop3A_227, %parallel_loop3A_229 : vector<16xi32>
        %parallel_loop3A_231 = arith.constant 127 : i32
        %parallel_loop3A_232 = vector.broadcast %parallel_loop3A_231 : i32 to vector<16xi32>
        %parallel_loop3A_233 = arith.andi %parallel_loop3A_227, %parallel_loop3A_232 : vector<16xi32>
        tpu.vector_store_idx %arg9[%parallel_loop3A_230, %parallel_loop3A_233], %parallel_loop3A_212 masked %parallel_loop3A_219 : memref<97x128xi32, #tpu.memory_space<vmem>>[vector<16xi32>, vector<16xi32>], vector<16xi32>, vector<16xi1>
        %parallel_loop3A_234 = vector.broadcast %mul3A_2 : i32 to vector<16xi32>
        %parallel_loop3A_235 = arith.subi %parallel_loop3A_207, %parallel_loop3A_234 : vector<16xi32>
        %parallel_loop3A_236 = vector.broadcast %mul3A_4 : i32 to vector<16xi32>
        %parallel_loop3A_237 = arith.addi %parallel_loop3A_235, %parallel_loop3A_236 : vector<16xi32>
        tpu.vector_store_idx %arg10[%parallel_loop3A_230, %parallel_loop3A_233], %parallel_loop3A_237 masked %parallel_loop3A_219 : memref<97x128xi32, #tpu.memory_space<vmem>>[vector<16xi32>, vector<16xi32>], vector<16xi32>, vector<16xi1>
        %parallel_loop3A_238 = tpu.all_reduce %parallel_loop3A_219 {dim = 0 : i64, kind = #tpu.reduction_kind<sum>} : vector<16xi1> -> vector<16xi32>
        %parallel_loop3A_239 = arith.addi %parallel_loop3A_202, %parallel_loop3A_238 : vector<16xi32>
        scf.yield %parallel_loop3A_239 : vector<16xi32>
      } {sc.loop_unroll_factor = 4 : i64, sc.parallel_access}
      scf.yield %parallel_loop3A_200 : vector<16xi32>
    }
    %scan3A_37 = arith.constant 157 : i32
    %iota3A = tpu.iota {dimensions = array<i32: 0>} : vector<16xi32>
    %add3A_38 = arith.addi %scan3A_36, %iota3A : vector<16xi32>
    %add3A_39 = arith.constant 0 : i32
    %add3A_40 = vector.broadcast %add3A_39 : i32 to vector<16xi32>
    %add3A_41 = arith.addi %add3A_38, %add3A_40 : vector<16xi32>
    %shift_right_logical3A = arith.constant 7 : i32
    %shift_right_logical3A_42 = vector.broadcast %shift_right_logical3A : i32 to vector<16xi32>
    %shift_right_logical3A_43 = arith.shrui %add3A_41, %shift_right_logical3A_42 : vector<16xi32>
    %and3A = arith.constant 127 : i32
    %and3A_44 = vector.broadcast %and3A : i32 to vector<16xi32>
    %and3A_45 = arith.andi %add3A_41, %and3A_44 : vector<16xi32>
    %broadcast_in_dim3A_46 = arith.constant 0 : i32
    %broadcast_in_dim3A_47 = vector.broadcast %broadcast_in_dim3A_46 : i32 to vector<16xi32>
    tpu.vector_store_idx %arg9[%shift_right_logical3A_43, %and3A_45], %broadcast_in_dim3A_47 : memref<97x128xi32, #tpu.memory_space<vmem>>[vector<16xi32>, vector<16xi32>], vector<16xi32>,
    %broadcast_in_dim3A_48 = arith.constant 316 : i32
    %broadcast_in_dim3A_49 = vector.broadcast %broadcast_in_dim3A_48 : i32 to vector<16xi32>
    %add3A_50 = vector.broadcast %mul3A_4 : i32 to vector<16xi32>
    %add3A_51 = arith.addi %broadcast_in_dim3A_49, %add3A_50 : vector<16xi32>
    tpu.vector_store_idx %arg10[%shift_right_logical3A_43, %and3A_45], %add3A_51 : memref<97x128xi32, #tpu.memory_space<vmem>>[vector<16xi32>, vector<16xi32>], vector<16xi32>,
    %add3A_52 = arith.addi %scan3A_36, %iota3A : vector<16xi32>
    %add3A_53 = arith.constant 16 : i32
    %add3A_54 = vector.broadcast %add3A_53 : i32 to vector<16xi32>
    %add3A_55 = arith.addi %add3A_52, %add3A_54 : vector<16xi32>
    %shift_right_logical3A_56 = arith.constant 7 : i32
    %shift_right_logical3A_57 = vector.broadcast %shift_right_logical3A_56 : i32 to vector<16xi32>
    %shift_right_logical3A_58 = arith.shrui %add3A_55, %shift_right_logical3A_57 : vector<16xi32>
    %and3A_59 = arith.constant 127 : i32
    %and3A_60 = vector.broadcast %and3A_59 : i32 to vector<16xi32>
    %and3A_61 = arith.andi %add3A_55, %and3A_60 : vector<16xi32>
    %broadcast_in_dim3A_62 = arith.constant 0 : i32
    %broadcast_in_dim3A_63 = vector.broadcast %broadcast_in_dim3A_62 : i32 to vector<16xi32>
    tpu.vector_store_idx %arg9[%shift_right_logical3A_58, %and3A_61], %broadcast_in_dim3A_63 : memref<97x128xi32, #tpu.memory_space<vmem>>[vector<16xi32>, vector<16xi32>], vector<16xi32>,
    %broadcast_in_dim3A_64 = arith.constant 316 : i32
    %broadcast_in_dim3A_65 = vector.broadcast %broadcast_in_dim3A_64 : i32 to vector<16xi32>
    %add3A_66 = vector.broadcast %mul3A_4 : i32 to vector<16xi32>
    %add3A_67 = arith.addi %broadcast_in_dim3A_65, %add3A_66 : vector<16xi32>
    tpu.vector_store_idx %arg10[%shift_right_logical3A_58, %and3A_61], %add3A_67 : memref<97x128xi32, #tpu.memory_space<vmem>>[vector<16xi32>, vector<16xi32>], vector<16xi32>,
    %add3A_68 = arith.addi %scan3A_36, %iota3A : vector<16xi32>
    %add3A_69 = arith.constant 32 : i32
    %add3A_70 = vector.broadcast %add3A_69 : i32 to vector<16xi32>
    %add3A_71 = arith.addi %add3A_68, %add3A_70 : vector<16xi32>
    %shift_right_logical3A_72 = arith.constant 7 : i32
    %shift_right_logical3A_73 = vector.broadcast %shift_right_logical3A_72 : i32 to vector<16xi32>
    %shift_right_logical3A_74 = arith.shrui %add3A_71, %shift_right_logical3A_73 : vector<16xi32>
    %and3A_75 = arith.constant 127 : i32
    %and3A_76 = vector.broadcast %and3A_75 : i32 to vector<16xi32>
    %and3A_77 = arith.andi %add3A_71, %and3A_76 : vector<16xi32>
    %broadcast_in_dim3A_78 = arith.constant 0 : i32
    %broadcast_in_dim3A_79 = vector.broadcast %broadcast_in_dim3A_78 : i32 to vector<16xi32>
    tpu.vector_store_idx %arg9[%shift_right_logical3A_74, %and3A_77], %broadcast_in_dim3A_79 : memref<97x128xi32, #tpu.memory_space<vmem>>[vector<16xi32>, vector<16xi32>], vector<16xi32>,
    %broadcast_in_dim3A_80 = arith.constant 316 : i32
    %broadcast_in_dim3A_81 = vector.broadcast %broadcast_in_dim3A_80 : i32 to vector<16xi32>
    %add3A_82 = vector.broadcast %mul3A_4 : i32 to vector<16xi32>
    %add3A_83 = arith.addi %broadcast_in_dim3A_81, %add3A_82 : vector<16xi32>
    tpu.vector_store_idx %arg10[%shift_right_logical3A_74, %and3A_77], %add3A_83 : memref<97x128xi32, #tpu.memory_space<vmem>>[vector<16xi32>, vector<16xi32>], vector<16xi32>,
    %add3A_84 = arith.addi %scan3A_36, %iota3A : vector<16xi32>
    %add3A_85 = arith.constant 48 : i32
    %add3A_86 = vector.broadcast %add3A_85 : i32 to vector<16xi32>
    %add3A_87 = arith.addi %add3A_84, %add3A_86 : vector<16xi32>
    %shift_right_logical3A_88 = arith.constant 7 : i32
    %shift_right_logical3A_89 = vector.broadcast %shift_right_logical3A_88 : i32 to vector<16xi32>
    %shift_right_logical3A_90 = arith.shrui %add3A_87, %shift_right_logical3A_89 : vector<16xi32>
    %and3A_91 = arith.constant 127 : i32
    %and3A_92 = vector.broadcast %and3A_91 : i32 to vector<16xi32>
    %and3A_93 = arith.andi %add3A_87, %and3A_92 : vector<16xi32>
    %broadcast_in_dim3A_94 = arith.constant 0 : i32
    %broadcast_in_dim3A_95 = vector.broadcast %broadcast_in_dim3A_94 : i32 to vector<16xi32>
    tpu.vector_store_idx %arg9[%shift_right_logical3A_90, %and3A_93], %broadcast_in_dim3A_95 : memref<97x128xi32, #tpu.memory_space<vmem>>[vector<16xi32>, vector<16xi32>], vector<16xi32>,
    %broadcast_in_dim3A_96 = arith.constant 316 : i32
    %broadcast_in_dim3A_97 = vector.broadcast %broadcast_in_dim3A_96 : i32 to vector<16xi32>
    %add3A_98 = vector.broadcast %mul3A_4 : i32 to vector<16xi32>
    %add3A_99 = arith.addi %broadcast_in_dim3A_97, %add3A_98 : vector<16xi32>
    tpu.vector_store_idx %arg10[%shift_right_logical3A_90, %and3A_93], %add3A_99 : memref<97x128xi32, #tpu.memory_space<vmem>>[vector<16xi32>, vector<16xi32>], vector<16xi32>,
    %add3A_100 = arith.addi %scan3A_36, %iota3A : vector<16xi32>
    %add3A_101 = arith.constant 64 : i32
    %add3A_102 = vector.broadcast %add3A_101 : i32 to vector<16xi32>
    %add3A_103 = arith.addi %add3A_100, %add3A_102 : vector<16xi32>
    %shift_right_logical3A_104 = arith.constant 7 : i32
    %shift_right_logical3A_105 = vector.broadcast %shift_right_logical3A_104 : i32 to vector<16xi32>
    %shift_right_logical3A_106 = arith.shrui %add3A_103, %shift_right_logical3A_105 : vector<16xi32>
    %and3A_107 = arith.constant 127 : i32
    %and3A_108 = vector.broadcast %and3A_107 : i32 to vector<16xi32>
    %and3A_109 = arith.andi %add3A_103, %and3A_108 : vector<16xi32>
    %broadcast_in_dim3A_110 = arith.constant 0 : i32
    %broadcast_in_dim3A_111 = vector.broadcast %broadcast_in_dim3A_110 : i32 to vector<16xi32>
    tpu.vector_store_idx %arg9[%shift_right_logical3A_106, %and3A_109], %broadcast_in_dim3A_111 : memref<97x128xi32, #tpu.memory_space<vmem>>[vector<16xi32>, vector<16xi32>], vector<16xi32>,
    %broadcast_in_dim3A_112 = arith.constant 316 : i32
    %broadcast_in_dim3A_113 = vector.broadcast %broadcast_in_dim3A_112 : i32 to vector<16xi32>
    %add3A_114 = vector.broadcast %mul3A_4 : i32 to vector<16xi32>
    %add3A_115 = arith.addi %broadcast_in_dim3A_113, %add3A_114 : vector<16xi32>
    tpu.vector_store_idx %arg10[%shift_right_logical3A_106, %and3A_109], %add3A_115 : memref<97x128xi32, #tpu.memory_space<vmem>>[vector<16xi32>, vector<16xi32>], vector<16xi32>,
    %add3A_116 = arith.addi %scan3A_36, %iota3A : vector<16xi32>
    %add3A_117 = arith.constant 80 : i32
    %add3A_118 = vector.broadcast %add3A_117 : i32 to vector<16xi32>
    %add3A_119 = arith.addi %add3A_116, %add3A_118 : vector<16xi32>
    %shift_right_logical3A_120 = arith.constant 7 : i32
    %shift_right_logical3A_121 = vector.broadcast %shift_right_logical3A_120 : i32 to vector<16xi32>
    %shift_right_logical3A_122 = arith.shrui %add3A_119, %shift_right_logical3A_121 : vector<16xi32>
    %and3A_123 = arith.constant 127 : i32
    %and3A_124 = vector.broadcast %and3A_123 : i32 to vector<16xi32>
    %and3A_125 = arith.andi %add3A_119, %and3A_124 : vector<16xi32>
    %broadcast_in_dim3A_126 = arith.constant 0 : i32
    %broadcast_in_dim3A_127 = vector.broadcast %broadcast_in_dim3A_126 : i32 to vector<16xi32>
    tpu.vector_store_idx %arg9[%shift_right_logical3A_122, %and3A_125], %broadcast_in_dim3A_127 : memref<97x128xi32, #tpu.memory_space<vmem>>[vector<16xi32>, vector<16xi32>], vector<16xi32>,
    %broadcast_in_dim3A_128 = arith.constant 316 : i32
    %broadcast_in_dim3A_129 = vector.broadcast %broadcast_in_dim3A_128 : i32 to vector<16xi32>
    %add3A_130 = vector.broadcast %mul3A_4 : i32 to vector<16xi32>
    %add3A_131 = arith.addi %broadcast_in_dim3A_129, %add3A_130 : vector<16xi32>
    tpu.vector_store_idx %arg10[%shift_right_logical3A_122, %and3A_125], %add3A_131 : memref<97x128xi32, #tpu.memory_space<vmem>>[vector<16xi32>, vector<16xi32>], vector<16xi32>,
    %add3A_132 = arith.addi %scan3A_36, %iota3A : vector<16xi32>
    %add3A_133 = arith.constant 96 : i32
    %add3A_134 = vector.broadcast %add3A_133 : i32 to vector<16xi32>
    %add3A_135 = arith.addi %add3A_132, %add3A_134 : vector<16xi32>
    %shift_right_logical3A_136 = arith.constant 7 : i32
    %shift_right_logical3A_137 = vector.broadcast %shift_right_logical3A_136 : i32 to vector<16xi32>
    %shift_right_logical3A_138 = arith.shrui %add3A_135, %shift_right_logical3A_137 : vector<16xi32>
    %and3A_139 = arith.constant 127 : i32
    %and3A_140 = vector.broadcast %and3A_139 : i32 to vector<16xi32>
    %and3A_141 = arith.andi %add3A_135, %and3A_140 : vector<16xi32>
    %broadcast_in_dim3A_142 = arith.constant 0 : i32
    %broadcast_in_dim3A_143 = vector.broadcast %broadcast_in_dim3A_142 : i32 to vector<16xi32>
    tpu.vector_store_idx %arg9[%shift_right_logical3A_138, %and3A_141], %broadcast_in_dim3A_143 : memref<97x128xi32, #tpu.memory_space<vmem>>[vector<16xi32>, vector<16xi32>], vector<16xi32>,
    %broadcast_in_dim3A_144 = arith.constant 316 : i32
    %broadcast_in_dim3A_145 = vector.broadcast %broadcast_in_dim3A_144 : i32 to vector<16xi32>
    %add3A_146 = vector.broadcast %mul3A_4 : i32 to vector<16xi32>
    %add3A_147 = arith.addi %broadcast_in_dim3A_145, %add3A_146 : vector<16xi32>
    tpu.vector_store_idx %arg10[%shift_right_logical3A_138, %and3A_141], %add3A_147 : memref<97x128xi32, #tpu.memory_space<vmem>>[vector<16xi32>, vector<16xi32>], vector<16xi32>,
    %add3A_148 = arith.addi %scan3A_36, %iota3A : vector<16xi32>
    %add3A_149 = arith.constant 112 : i32
    %add3A_150 = vector.broadcast %add3A_149 : i32 to vector<16xi32>
    %add3A_151 = arith.addi %add3A_148, %add3A_150 : vector<16xi32>
    %shift_right_logical3A_152 = arith.constant 7 : i32
    %shift_right_logical3A_153 = vector.broadcast %shift_right_logical3A_152 : i32 to vector<16xi32>
    %shift_right_logical3A_154 = arith.shrui %add3A_151, %shift_right_logical3A_153 : vector<16xi32>
    %and3A_155 = arith.constant 127 : i32
    %and3A_156 = vector.broadcast %and3A_155 : i32 to vector<16xi32>
    %and3A_157 = arith.andi %add3A_151, %and3A_156 : vector<16xi32>
    %broadcast_in_dim3A_158 = arith.constant 0 : i32
    %broadcast_in_dim3A_159 = vector.broadcast %broadcast_in_dim3A_158 : i32 to vector<16xi32>
    tpu.vector_store_idx %arg9[%shift_right_logical3A_154, %and3A_157], %broadcast_in_dim3A_159 : memref<97x128xi32, #tpu.memory_space<vmem>>[vector<16xi32>, vector<16xi32>], vector<16xi32>,
    %broadcast_in_dim3A_160 = arith.constant 316 : i32
    %broadcast_in_dim3A_161 = vector.broadcast %broadcast_in_dim3A_160 : i32 to vector<16xi32>
    %add3A_162 = vector.broadcast %mul3A_4 : i32 to vector<16xi32>
    %add3A_163 = arith.addi %broadcast_in_dim3A_161, %add3A_162 : vector<16xi32>
    tpu.vector_store_idx %arg10[%shift_right_logical3A_154, %and3A_157], %add3A_163 : memref<97x128xi32, #tpu.memory_space<vmem>>[vector<16xi32>, vector<16xi32>], vector<16xi32>,
    %swap3A = arith.constant 0 : index
    %swap3A_164 = tpu.vector_load %arg11[%swap3A] {strides = array<i32>} : memref<16xi32, #tpu.memory_space<vmem>>, vector<16xi32>,
    tpu.vector_store %arg11[%swap3A], %scan3A_36 {strides = array<i32>} : memref<16xi32, #tpu.memory_space<vmem>>, vector<16xi32>,
    "tpu.region"() ({
      %run_scoped3A = tpu.sem_alloc : memref<!tpu.dma_semaphore, #tpu.memory_space<semaphore_mem>>
      %dma_start3A_167 = arith.constant 0 : i32
      %dma_start3A_168 = arith.constant 0 : i32
      %dma_start3A_169 = tpu.memref_slice %arg4[%add3A, %dma_start3A_167, %dma_start3A_168] : memref<32x97x128xi32, #tpu.memory_space<hbm>> -> memref<1x97x128xi32, #tpu.memory_space<hbm>>
      %dma_start3A_170 = tpu.memref_squeeze %dma_start3A_169 : memref<1x97x128xi32, #tpu.memory_space<hbm>> -> memref<97x128xi32, #tpu.memory_space<hbm>>
      %dma_start3A_171 = arith.constant 0 : i32
      %dma_start3A_172 = arith.constant 0 : i32
      %dma_start3A_173 = tpu.memref_slice %arg4[%add3A, %dma_start3A_171, %dma_start3A_172] : memref<32x97x128xi32, #tpu.memory_space<hbm>> -> memref<1x97x128xi32, #tpu.memory_space<hbm>>
      %dma_start3A_174 = tpu.memref_squeeze %dma_start3A_173 : memref<1x97x128xi32, #tpu.memory_space<hbm>> -> memref<97x128xi32, #tpu.memory_space<hbm>>
      tpu.enqueue_dma source(%arg9 : memref<97x128xi32, #tpu.memory_space<vmem>>) target(%dma_start3A_174 : memref<97x128xi32, #tpu.memory_space<hbm>>) target_semaphore(%run_scoped3A : memref<!tpu.dma_semaphore, #tpu.memory_space<semaphore_mem>>)
      %dma_wait3A = arith.constant 0 : i32
      %dma_wait3A_175 = arith.constant 0 : i32
      %dma_wait3A_176 = tpu.memref_slice %arg4[%add3A, %dma_wait3A, %dma_wait3A_175] : memref<32x97x128xi32, #tpu.memory_space<hbm>> -> memref<1x97x128xi32, #tpu.memory_space<hbm>>
      %dma_wait3A_177 = tpu.memref_squeeze %dma_wait3A_176 : memref<1x97x128xi32, #tpu.memory_space<hbm>> -> memref<97x128xi32, #tpu.memory_space<hbm>>
      %dma_wait3A_178 = arith.constant 0 : i32
      %dma_wait3A_179 = arith.constant 0 : i32
      %dma_wait3A_180 = tpu.memref_slice %arg4[%add3A, %dma_wait3A_178, %dma_wait3A_179] : memref<32x97x128xi32, #tpu.memory_space<hbm>> -> memref<1x97x128xi32, #tpu.memory_space<hbm>>
      %dma_wait3A_181 = tpu.memref_squeeze %dma_wait3A_180 : memref<1x97x128xi32, #tpu.memory_space<hbm>> -> memref<97x128xi32, #tpu.memory_space<hbm>>
      tpu.wait_dma2 semaphore(%run_scoped3A : memref<!tpu.dma_semaphore, #tpu.memory_space<semaphore_mem>>) src(%arg9 : memref<97x128xi32, #tpu.memory_space<vmem>>) dst(%dma_wait3A_181 : memref<97x128xi32, #tpu.memory_space<hbm>>)
      tpu.yield
    }) : () -> ()
    "tpu.region"() ({
      %run_scoped3A = tpu.sem_alloc : memref<!tpu.dma_semaphore, #tpu.memory_space<semaphore_mem>>
      %dma_start3A_167 = arith.constant 0 : i32
      %dma_start3A_168 = arith.constant 0 : i32
      %dma_start3A_169 = tpu.memref_slice %arg5[%add3A, %dma_start3A_167, %dma_start3A_168] : memref<32x97x128xi32, #tpu.memory_space<hbm>> -> memref<1x97x128xi32, #tpu.memory_space<hbm>>
      %dma_start3A_170 = tpu.memref_squeeze %dma_start3A_169 : memref<1x97x128xi32, #tpu.memory_space<hbm>> -> memref<97x128xi32, #tpu.memory_space<hbm>>
      %dma_start3A_171 = arith.constant 0 : i32
      %dma_start3A_172 = arith.constant 0 : i32
      %dma_start3A_173 = tpu.memref_slice %arg5[%add3A, %dma_start3A_171, %dma_start3A_172] : memref<32x97x128xi32, #tpu.memory_space<hbm>> -> memref<1x97x128xi32, #tpu.memory_space<hbm>>
      %dma_start3A_174 = tpu.memref_squeeze %dma_start3A_173 : memref<1x97x128xi32, #tpu.memory_space<hbm>> -> memref<97x128xi32, #tpu.memory_space<hbm>>
      tpu.enqueue_dma source(%arg10 : memref<97x128xi32, #tpu.memory_space<vmem>>) target(%dma_start3A_174 : memref<97x128xi32, #tpu.memory_space<hbm>>) target_semaphore(%run_scoped3A : memref<!tpu.dma_semaphore, #tpu.memory_space<semaphore_mem>>)
      %dma_wait3A = arith.constant 0 : i32
      %dma_wait3A_175 = arith.constant 0 : i32
      %dma_wait3A_176 = tpu.memref_slice %arg5[%add3A, %dma_wait3A, %dma_wait3A_175] : memref<32x97x128xi32, #tpu.memory_space<hbm>> -> memref<1x97x128xi32, #tpu.memory_space<hbm>>
      %dma_wait3A_177 = tpu.memref_squeeze %dma_wait3A_176 : memref<1x97x128xi32, #tpu.memory_space<hbm>> -> memref<97x128xi32, #tpu.memory_space<hbm>>
      %dma_wait3A_178 = arith.constant 0 : i32
      %dma_wait3A_179 = arith.constant 0 : i32
      %dma_wait3A_180 = tpu.memref_slice %arg5[%add3A, %dma_wait3A_178, %dma_wait3A_179] : memref<32x97x128xi32, #tpu.memory_space<hbm>> -> memref<1x97x128xi32, #tpu.memory_space<hbm>>
      %dma_wait3A_181 = tpu.memref_squeeze %dma_wait3A_180 : memref<1x97x128xi32, #tpu.memory_space<hbm>> -> memref<97x128xi32, #tpu.memory_space<hbm>>
      tpu.wait_dma2 semaphore(%run_scoped3A : memref<!tpu.dma_semaphore, #tpu.memory_space<semaphore_mem>>) src(%arg10 : memref<97x128xi32, #tpu.memory_space<vmem>>) dst(%dma_wait3A_181 : memref<97x128xi32, #tpu.memory_space<hbm>>)
      tpu.yield
    }) : () -> ()
    %mul3A_165 = arith.constant 16 : i32
    %mul3A_166 = arith.muli %add3A, %mul3A_165 : i32
    "tpu.region"() ({
      %run_scoped3A = tpu.sem_alloc : memref<!tpu.dma_semaphore, #tpu.memory_space<semaphore_mem>>
      %dma_start3A_167 = tpu.memref_slice %arg6[%mul3A_166] : memref<512xi32, #tpu.memory_space<hbm>> -> memref<16xi32, #tpu.memory_space<hbm>>
      %dma_start3A_168 = tpu.memref_slice %arg6[%mul3A_166] : memref<512xi32, #tpu.memory_space<hbm>> -> memref<16xi32, #tpu.memory_space<hbm>>
      tpu.enqueue_dma source(%arg11 : memref<16xi32, #tpu.memory_space<vmem>>) target(%dma_start3A_168 : memref<16xi32, #tpu.memory_space<hbm>>) target_semaphore(%run_scoped3A : memref<!tpu.dma_semaphore, #tpu.memory_space<semaphore_mem>>)
      %dma_wait3A = tpu.memref_slice %arg6[%mul3A_166] : memref<512xi32, #tpu.memory_space<hbm>> -> memref<16xi32, #tpu.memory_space<hbm>>
      %dma_wait3A_169 = tpu.memref_slice %arg6[%mul3A_166] : memref<512xi32, #tpu.memory_space<hbm>> -> memref<16xi32, #tpu.memory_space<hbm>>
      tpu.wait_dma2 semaphore(%run_scoped3A : memref<!tpu.dma_semaphore, #tpu.memory_space<semaphore_mem>>) src(%arg11 : memref<16xi32, #tpu.memory_space<vmem>>) dst(%dma_wait3A_169 : memref<16xi32, #tpu.memory_space<hbm>>)
      tpu.yield
    }) : () -> ()
    return
  }
}

#map = affine_map<(d0, d1) -> (0, 0, 0)>
#map1 = affine_map<(d0, d1) -> (0)>
#map2 = affine_map<(d0, d1) -> (0, 0)>
module attributes {stable_mosaic.version = 14 : i64} {
  func.func @k(%arg0: i32, %arg1: i32, %arg2: memref<32x97x128xi32, #tpu.memory_space<hbm>>, %arg3: memref<512xi32, #tpu.memory_space<hbm>>, %arg4: memref<320x128xf32, #tpu.memory_space<hbm>>, %arg5: memref<128x128xf32, #tpu.memory_space<hbm>>, %arg6: memref<32x316x128xf32, #tpu.memory_space<hbm>>, %arg7: memref<97x128xi32, #tpu.memory_space<vmem>>, %arg8: memref<16xi32, #tpu.memory_space<vmem>>, %arg9: memref<128x128xf32, #tpu.memory_space<vmem>>, %arg10: memref<5120x128xf32, #tpu.memory_space<vmem_shared>>) attributes {dimension_semantics = [#tpu.dimension_semantics<core_parallel>, #tpu.dimension_semantics<subcore_parallel>], iteration_bounds = array<i64: 2, 16>, scalar_prefetch = 0 : i64, scratch_operands = 4 : i64, tpu.core_type = #tpu.core_type<sc_vector_subcore>, window_params = [{transform_indices = #map}, {transform_indices = #map1}, {transform_indices = #map2}, {transform_indices = #map2}, {transform_indices = #map}]} {
    %mul3A = arith.constant 16 : i32
    %mul3A_0 = arith.muli %arg0, %mul3A : i32
    %add3A = arith.addi %mul3A_0, %arg1 : i32
    %mul3A_1 = arith.constant 320 : i32
    %mul3A_2 = arith.muli %arg1, %mul3A_1 : i32
    "tpu.region"() ({
      %run_scoped3A = tpu.sem_alloc : memref<!tpu.dma_semaphore, #tpu.memory_space<semaphore_mem>>
      %dma_start3A = arith.constant 0 : i32
      %dma_start3A_19 = arith.constant 0 : i32
      %dma_start3A_20 = tpu.memref_slice %arg2[%add3A, %dma_start3A, %dma_start3A_19] : memref<32x97x128xi32, #tpu.memory_space<hbm>> -> memref<1x97x128xi32, #tpu.memory_space<hbm>>
      %dma_start3A_21 = tpu.memref_squeeze %dma_start3A_20 : memref<1x97x128xi32, #tpu.memory_space<hbm>> -> memref<97x128xi32, #tpu.memory_space<hbm>>
      %dma_start3A_22 = arith.constant 0 : i32
      %dma_start3A_23 = arith.constant 0 : i32
      %dma_start3A_24 = tpu.memref_slice %arg2[%add3A, %dma_start3A_22, %dma_start3A_23] : memref<32x97x128xi32, #tpu.memory_space<hbm>> -> memref<1x97x128xi32, #tpu.memory_space<hbm>>
      %dma_start3A_25 = tpu.memref_squeeze %dma_start3A_24 : memref<1x97x128xi32, #tpu.memory_space<hbm>> -> memref<97x128xi32, #tpu.memory_space<hbm>>
      tpu.enqueue_dma source(%dma_start3A_25 : memref<97x128xi32, #tpu.memory_space<hbm>>) target(%arg7 : memref<97x128xi32, #tpu.memory_space<vmem>>) target_semaphore(%run_scoped3A : memref<!tpu.dma_semaphore, #tpu.memory_space<semaphore_mem>>)
      %dma_wait3A = arith.constant 0 : i32
      %dma_wait3A_26 = arith.constant 0 : i32
      %dma_wait3A_27 = tpu.memref_slice %arg2[%add3A, %dma_wait3A, %dma_wait3A_26] : memref<32x97x128xi32, #tpu.memory_space<hbm>> -> memref<1x97x128xi32, #tpu.memory_space<hbm>>
      %dma_wait3A_28 = tpu.memref_squeeze %dma_wait3A_27 : memref<1x97x128xi32, #tpu.memory_space<hbm>> -> memref<97x128xi32, #tpu.memory_space<hbm>>
      %dma_wait3A_29 = arith.constant 0 : i32
      %dma_wait3A_30 = arith.constant 0 : i32
      %dma_wait3A_31 = tpu.memref_slice %arg2[%add3A, %dma_wait3A_29, %dma_wait3A_30] : memref<32x97x128xi32, #tpu.memory_space<hbm>> -> memref<1x97x128xi32, #tpu.memory_space<hbm>>
      %dma_wait3A_32 = tpu.memref_squeeze %dma_wait3A_31 : memref<1x97x128xi32, #tpu.memory_space<hbm>> -> memref<97x128xi32, #tpu.memory_space<hbm>>
      tpu.wait_dma2 semaphore(%run_scoped3A : memref<!tpu.dma_semaphore, #tpu.memory_space<semaphore_mem>>) src(%dma_wait3A_32 : memref<97x128xi32, #tpu.memory_space<hbm>>) dst(%arg7 : memref<97x128xi32, #tpu.memory_space<vmem>>)
      tpu.yield
    }) : () -> ()
    %mul3A_3 = arith.constant 16 : i32
    %mul3A_4 = arith.muli %add3A, %mul3A_3 : i32
    "tpu.region"() ({
      %run_scoped3A = tpu.sem_alloc : memref<!tpu.dma_semaphore, #tpu.memory_space<semaphore_mem>>
      %dma_start3A = tpu.memref_slice %arg3[%mul3A_4] : memref<512xi32, #tpu.memory_space<hbm>> -> memref<16xi32, #tpu.memory_space<hbm>>
      %dma_start3A_19 = tpu.memref_slice %arg3[%mul3A_4] : memref<512xi32, #tpu.memory_space<hbm>> -> memref<16xi32, #tpu.memory_space<hbm>>
      tpu.enqueue_dma source(%dma_start3A_19 : memref<16xi32, #tpu.memory_space<hbm>>) target(%arg8 : memref<16xi32, #tpu.memory_space<vmem>>) target_semaphore(%run_scoped3A : memref<!tpu.dma_semaphore, #tpu.memory_space<semaphore_mem>>)
      %dma_wait3A = tpu.memref_slice %arg3[%mul3A_4] : memref<512xi32, #tpu.memory_space<hbm>> -> memref<16xi32, #tpu.memory_space<hbm>>
      %dma_wait3A_20 = tpu.memref_slice %arg3[%mul3A_4] : memref<512xi32, #tpu.memory_space<hbm>> -> memref<16xi32, #tpu.memory_space<hbm>>
      tpu.wait_dma2 semaphore(%run_scoped3A : memref<!tpu.dma_semaphore, #tpu.memory_space<semaphore_mem>>) src(%dma_wait3A_20 : memref<16xi32, #tpu.memory_space<hbm>>) dst(%arg8 : memref<16xi32, #tpu.memory_space<vmem>>)
      tpu.yield
    }) : () -> ()
    "tpu.region"() ({
      %run_scoped3A = tpu.sem_alloc : memref<!tpu.dma_semaphore, #tpu.memory_space<semaphore_mem>>
      %dma_start3A = arith.constant 0 : i32
      %dma_start3A_19 = tpu.memref_slice %arg10[%mul3A_2, %dma_start3A] : memref<5120x128xf32, #tpu.memory_space<vmem_shared>> -> memref<320x128xf32, #tpu.memory_space<vmem_shared>>
      tpu.enqueue_dma source(%arg4 : memref<320x128xf32, #tpu.memory_space<hbm>>) target(%dma_start3A_19 : memref<320x128xf32, #tpu.memory_space<vmem_shared>>) target_semaphore(%run_scoped3A : memref<!tpu.dma_semaphore, #tpu.memory_space<semaphore_mem>>)
      %dma_wait3A = arith.constant 0 : i32
      %dma_wait3A_20 = tpu.memref_slice %arg10[%mul3A_2, %dma_wait3A] : memref<5120x128xf32, #tpu.memory_space<vmem_shared>> -> memref<320x128xf32, #tpu.memory_space<vmem_shared>>
      tpu.wait_dma2 semaphore(%run_scoped3A : memref<!tpu.dma_semaphore, #tpu.memory_space<semaphore_mem>>) src(%arg4 : memref<320x128xf32, #tpu.memory_space<hbm>>) dst(%dma_wait3A_20 : memref<320x128xf32, #tpu.memory_space<vmem_shared>>)
      tpu.yield
    }) : () -> ()
    "tpu.region"() ({
      %run_scoped3A = tpu.sem_alloc : memref<!tpu.dma_semaphore, #tpu.memory_space<semaphore_mem>>
      tpu.enqueue_dma source(%arg5 : memref<128x128xf32, #tpu.memory_space<hbm>>) target(%arg9 : memref<128x128xf32, #tpu.memory_space<vmem>>) target_semaphore(%run_scoped3A : memref<!tpu.dma_semaphore, #tpu.memory_space<semaphore_mem>>)
      tpu.wait_dma2 semaphore(%run_scoped3A : memref<!tpu.dma_semaphore, #tpu.memory_space<semaphore_mem>>) src(%arg5 : memref<128x128xf32, #tpu.memory_space<hbm>>) dst(%arg9 : memref<128x128xf32, #tpu.memory_space<vmem>>)
      tpu.yield
    }) : () -> ()
    %get3A = arith.constant 0 : index
    %get3A_5 = tpu.vector_load %arg8[%get3A] {strides = array<i32>} : memref<16xi32, #tpu.memory_space<vmem>>, vector<16xi32>,
    %slice3A = vector.extract_strided_slice %get3A_5 {offsets = [0], sizes = [1], strides = [1]} : vector<16xi32> to vector<1xi32>
    %squeeze3A = vector.extract %slice3A[0] : i32 from vector<1xi32>
    %add3A_6 = arith.constant 128 : i32
    %add3A_7 = arith.addi %squeeze3A, %add3A_6 : i32
    %sub3A = arith.constant 1 : i32
    %sub3A_8 = arith.subi %add3A_7, %sub3A : i32
    %shift_right_arithmetic3A = arith.constant 7 : i32
    %shift_right_arithmetic3A_9 = arith.shrsi %sub3A_8, %shift_right_arithmetic3A : i32
    %while3A = arith.constant 0 : i32
    %while3A_10 = arith.constant 0 : i32
    %while3A_11 = arith.subi %shift_right_arithmetic3A_9, %while3A_10 : i32
    %while3A_12 = arith.addi %while3A_10, %while3A_11 : i32
    %while3A_13 = arith.constant 1 : i32
    %while3A_14 = arith.divsi %while3A_11, %while3A_13 : i32
    %while3A_15 = arith.muli %while3A_14, %while3A_13 : i32
    %while3A_16 = arith.addi %while3A_10, %while3A_15 : i32
    %while3A_17 = arith.constant 1 : i32
    scf.for %while3A_19 = %while3A_10 to %while3A_16 step %while3A_17  : i32 {
      "tpu.region"() ({
        %run_scoped3A = tpu.sem_alloc : memref<!tpu.dma_semaphore, #tpu.memory_space<semaphore_mem>>
        %dma_start3A = arith.constant 0 : i32
        %dma_start3A_20 = tpu.memref_slice %arg7[%while3A_19, %dma_start3A] : memref<97x128xi32, #tpu.memory_space<vmem>> -> memref<1x128xi32, #tpu.memory_space<vmem>>
        %dma_start3A_21 = tpu.memref_squeeze %dma_start3A_20 : memref<1x128xi32, #tpu.memory_space<vmem>> -> memref<128xi32, #tpu.memory_space<vmem>>
        %dma_start3A_22 = arith.constant 0 : i32
        %dma_start3A_23 = arith.constant 0 : i32
        %dma_start3A_24 = tpu.memref_slice %arg10[%dma_start3A_22, %dma_start3A_23] : memref<5120x128xf32, #tpu.memory_space<vmem_shared>> -> memref<5120x128xf32, #tpu.memory_space<vmem_shared>>
        tpu.enqueue_indirect_dma source(%arg9 : memref<128x128xf32, #tpu.memory_space<vmem>>) target(%dma_start3A_24 : memref<5120x128xf32, #tpu.memory_space<vmem_shared>>) offsets(%dma_start3A_21 : memref<128xi32, #tpu.memory_space<vmem>>) semaphore(%run_scoped3A : memref<!tpu.dma_semaphore, #tpu.memory_space<semaphore_mem>>) {add = true}
        %dma_wait3A = arith.constant 0 : i32
        %dma_wait3A_25 = tpu.memref_slice %arg7[%while3A_19, %dma_wait3A] : memref<97x128xi32, #tpu.memory_space<vmem>> -> memref<1x128xi32, #tpu.memory_space<vmem>>
        %dma_wait3A_26 = tpu.memref_squeeze %dma_wait3A_25 : memref<1x128xi32, #tpu.memory_space<vmem>> -> memref<128xi32, #tpu.memory_space<vmem>>
        %dma_wait3A_27 = arith.constant 0 : i32
        %dma_wait3A_28 = arith.constant 0 : i32
        %dma_wait3A_29 = tpu.memref_slice %arg10[%dma_wait3A_27, %dma_wait3A_28] : memref<5120x128xf32, #tpu.memory_space<vmem_shared>> -> memref<5120x128xf32, #tpu.memory_space<vmem_shared>>
        tpu.wait_indirect_dma semaphore(%run_scoped3A : memref<!tpu.dma_semaphore, #tpu.memory_space<semaphore_mem>>) src(%arg9 : memref<128x128xf32, #tpu.memory_space<vmem>>) dst(%dma_wait3A_29 : memref<5120x128xf32, #tpu.memory_space<vmem_shared>>)
        tpu.yield
      }) : () -> ()
    }
    %while3A_18 = arith.constant 1 : i32
    scf.for %while3A_19 = %while3A_16 to %while3A_12 step %while3A_18  : i32 {
      "tpu.region"() ({
        %run_scoped3A = tpu.sem_alloc : memref<!tpu.dma_semaphore, #tpu.memory_space<semaphore_mem>>
        %dma_start3A = arith.constant 0 : i32
        %dma_start3A_20 = tpu.memref_slice %arg7[%while3A_19, %dma_start3A] : memref<97x128xi32, #tpu.memory_space<vmem>> -> memref<1x128xi32, #tpu.memory_space<vmem>>
        %dma_start3A_21 = tpu.memref_squeeze %dma_start3A_20 : memref<1x128xi32, #tpu.memory_space<vmem>> -> memref<128xi32, #tpu.memory_space<vmem>>
        %dma_start3A_22 = arith.constant 0 : i32
        %dma_start3A_23 = arith.constant 0 : i32
        %dma_start3A_24 = tpu.memref_slice %arg10[%dma_start3A_22, %dma_start3A_23] : memref<5120x128xf32, #tpu.memory_space<vmem_shared>> -> memref<5120x128xf32, #tpu.memory_space<vmem_shared>>
        tpu.enqueue_indirect_dma source(%arg9 : memref<128x128xf32, #tpu.memory_space<vmem>>) target(%dma_start3A_24 : memref<5120x128xf32, #tpu.memory_space<vmem_shared>>) offsets(%dma_start3A_21 : memref<128xi32, #tpu.memory_space<vmem>>) semaphore(%run_scoped3A : memref<!tpu.dma_semaphore, #tpu.memory_space<semaphore_mem>>) {add = true}
        %dma_wait3A = arith.constant 0 : i32
        %dma_wait3A_25 = tpu.memref_slice %arg7[%while3A_19, %dma_wait3A] : memref<97x128xi32, #tpu.memory_space<vmem>> -> memref<1x128xi32, #tpu.memory_space<vmem>>
        %dma_wait3A_26 = tpu.memref_squeeze %dma_wait3A_25 : memref<1x128xi32, #tpu.memory_space<vmem>> -> memref<128xi32, #tpu.memory_space<vmem>>
        %dma_wait3A_27 = arith.constant 0 : i32
        %dma_wait3A_28 = arith.constant 0 : i32
        %dma_wait3A_29 = tpu.memref_slice %arg10[%dma_wait3A_27, %dma_wait3A_28] : memref<5120x128xf32, #tpu.memory_space<vmem_shared>> -> memref<5120x128xf32, #tpu.memory_space<vmem_shared>>
        tpu.wait_indirect_dma semaphore(%run_scoped3A : memref<!tpu.dma_semaphore, #tpu.memory_space<semaphore_mem>>) src(%arg9 : memref<128x128xf32, #tpu.memory_space<vmem>>) dst(%dma_wait3A_29 : memref<5120x128xf32, #tpu.memory_space<vmem_shared>>)
        tpu.yield
      }) : () -> ()
    }
    "tpu.region"() ({
      %run_scoped3A = tpu.sem_alloc : memref<!tpu.dma_semaphore, #tpu.memory_space<semaphore_mem>>
      %dma_start3A = arith.constant 0 : i32
      %dma_start3A_19 = arith.constant 0 : i32
      %dma_start3A_20 = tpu.memref_slice %arg6[%add3A, %dma_start3A, %dma_start3A_19] : memref<32x316x128xf32, #tpu.memory_space<hbm>> -> memref<1x316x128xf32, #tpu.memory_space<hbm>>
      %dma_start3A_21 = tpu.memref_squeeze %dma_start3A_20 : memref<1x316x128xf32, #tpu.memory_space<hbm>> -> memref<316x128xf32, #tpu.memory_space<hbm>>
      %dma_start3A_22 = arith.constant 0 : i32
      %dma_start3A_23 = tpu.memref_slice %arg10[%mul3A_2, %dma_start3A_22] : memref<5120x128xf32, #tpu.memory_space<vmem_shared>> -> memref<316x128xf32, #tpu.memory_space<vmem_shared>>
      tpu.enqueue_dma source(%dma_start3A_23 : memref<316x128xf32, #tpu.memory_space<vmem_shared>>) target(%dma_start3A_21 : memref<316x128xf32, #tpu.memory_space<hbm>>) target_semaphore(%run_scoped3A : memref<!tpu.dma_semaphore, #tpu.memory_space<semaphore_mem>>)
      %dma_wait3A = arith.constant 0 : i32
      %dma_wait3A_24 = arith.constant 0 : i32
      %dma_wait3A_25 = tpu.memref_slice %arg6[%add3A, %dma_wait3A, %dma_wait3A_24] : memref<32x316x128xf32, #tpu.memory_space<hbm>> -> memref<1x316x128xf32, #tpu.memory_space<hbm>>
      %dma_wait3A_26 = tpu.memref_squeeze %dma_wait3A_25 : memref<1x316x128xf32, #tpu.memory_space<hbm>> -> memref<316x128xf32, #tpu.memory_space<hbm>>
      %dma_wait3A_27 = arith.constant 0 : i32
      %dma_wait3A_28 = tpu.memref_slice %arg10[%mul3A_2, %dma_wait3A_27] : memref<5120x128xf32, #tpu.memory_space<vmem_shared>> -> memref<316x128xf32, #tpu.memory_space<vmem_shared>>
      tpu.wait_dma2 semaphore(%run_scoped3A : memref<!tpu.dma_semaphore, #tpu.memory_space<semaphore_mem>>) src(%dma_wait3A_28 : memref<316x128xf32, #tpu.memory_space<vmem_shared>>) dst(%dma_wait3A_26 : memref<316x128xf32, #tpu.memory_space<hbm>>)
      tpu.yield
    }) : () -> ()
    return
  }
}

#map = affine_map<(d0, d1) -> (0, 0)>
#map1 = affine_map<(d0, d1) -> (0, 0, 0)>
#map2 = affine_map<(d0, d1) -> (0)>
module attributes {stable_mosaic.version = 14 : i64} {
  func.func @k(%arg0: i32, %arg1: i32, %arg2: memref<10000x128xf32, #tpu.memory_space<hbm>>, %arg3: memref<32x97x128xi32, #tpu.memory_space<hbm>>, %arg4: memref<32x97x128xi32, #tpu.memory_space<hbm>>, %arg5: memref<512xi32, #tpu.memory_space<hbm>>, %arg6: memref<320x128xf32, #tpu.memory_space<hbm>>, %arg7: memref<32x316x128xf32, #tpu.memory_space<hbm>>, %arg8: memref<97x128xi32, #tpu.memory_space<vmem>>, %arg9: memref<97x128xi32, #tpu.memory_space<vmem>>, %arg10: memref<16xi32, #tpu.memory_space<vmem>>, %arg11: memref<2x128x128xf32, #tpu.memory_space<vmem>>, %arg12: memref<5120x128xf32, #tpu.memory_space<vmem_shared>>, %arg13: memref<2x!tpu.dma_semaphore, #tpu.memory_space<semaphore_mem>>) attributes {dimension_semantics = [#tpu.dimension_semantics<core_parallel>, #tpu.dimension_semantics<subcore_parallel>], iteration_bounds = array<i64: 2, 16>, scalar_prefetch = 0 : i64, scratch_operands = 6 : i64, tpu.core_type = #tpu.core_type<sc_vector_subcore>, window_params = [{transform_indices = #map}, {transform_indices = #map1}, {transform_indices = #map1}, {transform_indices = #map2}, {transform_indices = #map}, {transform_indices = #map1}]} {
    %mul3A = arith.constant 16 : i32
    %mul3A_0 = arith.muli %arg0, %mul3A : i32
    %add3A = arith.addi %mul3A_0, %arg1 : i32
    %mul3A_1 = arith.constant 320 : i32
    %mul3A_2 = arith.muli %arg1, %mul3A_1 : i32
    "tpu.region"() ({
      %run_scoped3A = tpu.sem_alloc : memref<!tpu.dma_semaphore, #tpu.memory_space<semaphore_mem>>
      %dma_start3A = arith.constant 0 : i32
      %dma_start3A_21 = arith.constant 0 : i32
      %dma_start3A_22 = tpu.memref_slice %arg3[%add3A, %dma_start3A, %dma_start3A_21] : memref<32x97x128xi32, #tpu.memory_space<hbm>> -> memref<1x97x128xi32, #tpu.memory_space<hbm>>
      %dma_start3A_23 = tpu.memref_squeeze %dma_start3A_22 : memref<1x97x128xi32, #tpu.memory_space<hbm>> -> memref<97x128xi32, #tpu.memory_space<hbm>>
      %dma_start3A_24 = arith.constant 0 : i32
      %dma_start3A_25 = arith.constant 0 : i32
      %dma_start3A_26 = tpu.memref_slice %arg3[%add3A, %dma_start3A_24, %dma_start3A_25] : memref<32x97x128xi32, #tpu.memory_space<hbm>> -> memref<1x97x128xi32, #tpu.memory_space<hbm>>
      %dma_start3A_27 = tpu.memref_squeeze %dma_start3A_26 : memref<1x97x128xi32, #tpu.memory_space<hbm>> -> memref<97x128xi32, #tpu.memory_space<hbm>>
      tpu.enqueue_dma source(%dma_start3A_27 : memref<97x128xi32, #tpu.memory_space<hbm>>) target(%arg8 : memref<97x128xi32, #tpu.memory_space<vmem>>) target_semaphore(%run_scoped3A : memref<!tpu.dma_semaphore, #tpu.memory_space<semaphore_mem>>)
      %dma_wait3A = arith.constant 0 : i32
      %dma_wait3A_28 = arith.constant 0 : i32
      %dma_wait3A_29 = tpu.memref_slice %arg3[%add3A, %dma_wait3A, %dma_wait3A_28] : memref<32x97x128xi32, #tpu.memory_space<hbm>> -> memref<1x97x128xi32, #tpu.memory_space<hbm>>
      %dma_wait3A_30 = tpu.memref_squeeze %dma_wait3A_29 : memref<1x97x128xi32, #tpu.memory_space<hbm>> -> memref<97x128xi32, #tpu.memory_space<hbm>>
      %dma_wait3A_31 = arith.constant 0 : i32
      %dma_wait3A_32 = arith.constant 0 : i32
      %dma_wait3A_33 = tpu.memref_slice %arg3[%add3A, %dma_wait3A_31, %dma_wait3A_32] : memref<32x97x128xi32, #tpu.memory_space<hbm>> -> memref<1x97x128xi32, #tpu.memory_space<hbm>>
      %dma_wait3A_34 = tpu.memref_squeeze %dma_wait3A_33 : memref<1x97x128xi32, #tpu.memory_space<hbm>> -> memref<97x128xi32, #tpu.memory_space<hbm>>
      tpu.wait_dma2 semaphore(%run_scoped3A : memref<!tpu.dma_semaphore, #tpu.memory_space<semaphore_mem>>) src(%dma_wait3A_34 : memref<97x128xi32, #tpu.memory_space<hbm>>) dst(%arg8 : memref<97x128xi32, #tpu.memory_space<vmem>>)
      tpu.yield
    }) : () -> ()
    "tpu.region"() ({
      %run_scoped3A = tpu.sem_alloc : memref<!tpu.dma_semaphore, #tpu.memory_space<semaphore_mem>>
      %dma_start3A = arith.constant 0 : i32
      %dma_start3A_21 = arith.constant 0 : i32
      %dma_start3A_22 = tpu.memref_slice %arg4[%add3A, %dma_start3A, %dma_start3A_21] : memref<32x97x128xi32, #tpu.memory_space<hbm>> -> memref<1x97x128xi32, #tpu.memory_space<hbm>>
      %dma_start3A_23 = tpu.memref_squeeze %dma_start3A_22 : memref<1x97x128xi32, #tpu.memory_space<hbm>> -> memref<97x128xi32, #tpu.memory_space<hbm>>
      %dma_start3A_24 = arith.constant 0 : i32
      %dma_start3A_25 = arith.constant 0 : i32
      %dma_start3A_26 = tpu.memref_slice %arg4[%add3A, %dma_start3A_24, %dma_start3A_25] : memref<32x97x128xi32, #tpu.memory_space<hbm>> -> memref<1x97x128xi32, #tpu.memory_space<hbm>>
      %dma_start3A_27 = tpu.memref_squeeze %dma_start3A_26 : memref<1x97x128xi32, #tpu.memory_space<hbm>> -> memref<97x128xi32, #tpu.memory_space<hbm>>
      tpu.enqueue_dma source(%dma_start3A_27 : memref<97x128xi32, #tpu.memory_space<hbm>>) target(%arg9 : memref<97x128xi32, #tpu.memory_space<vmem>>) target_semaphore(%run_scoped3A : memref<!tpu.dma_semaphore, #tpu.memory_space<semaphore_mem>>)
      %dma_wait3A = arith.constant 0 : i32
      %dma_wait3A_28 = arith.constant 0 : i32
      %dma_wait3A_29 = tpu.memref_slice %arg4[%add3A, %dma_wait3A, %dma_wait3A_28] : memref<32x97x128xi32, #tpu.memory_space<hbm>> -> memref<1x97x128xi32, #tpu.memory_space<hbm>>
      %dma_wait3A_30 = tpu.memref_squeeze %dma_wait3A_29 : memref<1x97x128xi32, #tpu.memory_space<hbm>> -> memref<97x128xi32, #tpu.memory_space<hbm>>
      %dma_wait3A_31 = arith.constant 0 : i32
      %dma_wait3A_32 = arith.constant 0 : i32
      %dma_wait3A_33 = tpu.memref_slice %arg4[%add3A, %dma_wait3A_31, %dma_wait3A_32] : memref<32x97x128xi32, #tpu.memory_space<hbm>> -> memref<1x97x128xi32, #tpu.memory_space<hbm>>
      %dma_wait3A_34 = tpu.memref_squeeze %dma_wait3A_33 : memref<1x97x128xi32, #tpu.memory_space<hbm>> -> memref<97x128xi32, #tpu.memory_space<hbm>>
      tpu.wait_dma2 semaphore(%run_scoped3A : memref<!tpu.dma_semaphore, #tpu.memory_space<semaphore_mem>>) src(%dma_wait3A_34 : memref<97x128xi32, #tpu.memory_space<hbm>>) dst(%arg9 : memref<97x128xi32, #tpu.memory_space<vmem>>)
      tpu.yield
    }) : () -> ()
    %mul3A_3 = arith.constant 16 : i32
    %mul3A_4 = arith.muli %add3A, %mul3A_3 : i32
    "tpu.region"() ({
      %run_scoped3A = tpu.sem_alloc : memref<!tpu.dma_semaphore, #tpu.memory_space<semaphore_mem>>
      %dma_start3A = tpu.memref_slice %arg5[%mul3A_4] : memref<512xi32, #tpu.memory_space<hbm>> -> memref<16xi32, #tpu.memory_space<hbm>>
      %dma_start3A_21 = tpu.memref_slice %arg5[%mul3A_4] : memref<512xi32, #tpu.memory_space<hbm>> -> memref<16xi32, #tpu.memory_space<hbm>>
      tpu.enqueue_dma source(%dma_start3A_21 : memref<16xi32, #tpu.memory_space<hbm>>) target(%arg10 : memref<16xi32, #tpu.memory_space<vmem>>) target_semaphore(%run_scoped3A : memref<!tpu.dma_semaphore, #tpu.memory_space<semaphore_mem>>)
      %dma_wait3A = tpu.memref_slice %arg5[%mul3A_4] : memref<512xi32, #tpu.memory_space<hbm>> -> memref<16xi32, #tpu.memory_space<hbm>>
      %dma_wait3A_22 = tpu.memref_slice %arg5[%mul3A_4] : memref<512xi32, #tpu.memory_space<hbm>> -> memref<16xi32, #tpu.memory_space<hbm>>
      tpu.wait_dma2 semaphore(%run_scoped3A : memref<!tpu.dma_semaphore, #tpu.memory_space<semaphore_mem>>) src(%dma_wait3A_22 : memref<16xi32, #tpu.memory_space<hbm>>) dst(%arg10 : memref<16xi32, #tpu.memory_space<vmem>>)
      tpu.yield
    }) : () -> ()
    "tpu.region"() ({
      %run_scoped3A = tpu.sem_alloc : memref<!tpu.dma_semaphore, #tpu.memory_space<semaphore_mem>>
      %dma_start3A = arith.constant 0 : i32
      %dma_start3A_21 = tpu.memref_slice %arg12[%mul3A_2, %dma_start3A] : memref<5120x128xf32, #tpu.memory_space<vmem_shared>> -> memref<320x128xf32, #tpu.memory_space<vmem_shared>>
      tpu.enqueue_dma source(%arg6 : memref<320x128xf32, #tpu.memory_space<hbm>>) target(%dma_start3A_21 : memref<320x128xf32, #tpu.memory_space<vmem_shared>>) target_semaphore(%run_scoped3A : memref<!tpu.dma_semaphore, #tpu.memory_space<semaphore_mem>>)
      %dma_wait3A = arith.constant 0 : i32
      %dma_wait3A_22 = tpu.memref_slice %arg12[%mul3A_2, %dma_wait3A] : memref<5120x128xf32, #tpu.memory_space<vmem_shared>> -> memref<320x128xf32, #tpu.memory_space<vmem_shared>>
      tpu.wait_dma2 semaphore(%run_scoped3A : memref<!tpu.dma_semaphore, #tpu.memory_space<semaphore_mem>>) src(%arg6 : memref<320x128xf32, #tpu.memory_space<hbm>>) dst(%dma_wait3A_22 : memref<320x128xf32, #tpu.memory_space<vmem_shared>>)
      tpu.yield
    }) : () -> ()
    %get3A = arith.constant 0 : index
    %get3A_5 = tpu.vector_load %arg10[%get3A] {strides = array<i32>} : memref<16xi32, #tpu.memory_space<vmem>>, vector<16xi32>,
    %slice3A = vector.extract_strided_slice %get3A_5 {offsets = [0], sizes = [1], strides = [1]} : vector<16xi32> to vector<1xi32>
    %squeeze3A = vector.extract %slice3A[0] : i32 from vector<1xi32>
    %add3A_6 = arith.constant 128 : i32
    %add3A_7 = arith.addi %squeeze3A, %add3A_6 : i32
    %sub3A = arith.constant 1 : i32
    %sub3A_8 = arith.subi %add3A_7, %sub3A : i32
    %shift_right_arithmetic3A = arith.constant 7 : i32
    %shift_right_arithmetic3A_9 = arith.shrsi %sub3A_8, %shift_right_arithmetic3A : i32
    %gt3A = arith.constant 0 : i32
    %gt3A_10 = arith.cmpi sgt, %shift_right_arithmetic3A_9, %gt3A : i32
    %convert_element_type3A = arith.extui %gt3A_10 : i1 to i32
    %cond3A = arith.constant 0 : i32
    %cond3A_11 = arith.cmpi ne, %convert_element_type3A, %cond3A : i32
    scf.if %cond3A_11 {
      %dma_start3A = arith.constant 0 : i32
      %dma_start3A_21 = arith.constant 0 : i32
      %dma_start3A_22 = arith.constant 0 : i32
      %dma_start3A_23 = arith.constant 0 : i32
      %dma_start3A_24 = arith.constant 0 : i32
      %dma_start3A_25 = tpu.memref_slice %arg11[%dma_start3A_21, %dma_start3A_23, %dma_start3A_24] : memref<2x128x128xf32, #tpu.memory_space<vmem>> -> memref<1x128x128xf32, #tpu.memory_space<vmem>>
      %dma_start3A_26 = tpu.memref_squeeze %dma_start3A_25 : memref<1x128x128xf32, #tpu.memory_space<vmem>> -> memref<128x128xf32, #tpu.memory_space<vmem>>
      %dma_start3A_27 = arith.constant 0 : i32
      %dma_start3A_28 = tpu.memref_slice %arg8[%dma_start3A, %dma_start3A_27] : memref<97x128xi32, #tpu.memory_space<vmem>> -> memref<1x128xi32, #tpu.memory_space<vmem>>
      %dma_start3A_29 = tpu.memref_squeeze %dma_start3A_28 : memref<1x128xi32, #tpu.memory_space<vmem>> -> memref<128xi32, #tpu.memory_space<vmem>>
      %dma_start3A_30 = arith.constant 0 : i32
      %dma_start3A_31 = arith.constant 0 : i32
      %dma_start3A_32 = tpu.memref_slice %arg2[%dma_start3A_30, %dma_start3A_31] : memref<10000x128xf32, #tpu.memory_space<hbm>> -> memref<10000x128xf32, #tpu.memory_space<hbm>>
      %dma_start3A_33 = tpu.memref_slice %arg13[%dma_start3A_22] : memref<2x!tpu.dma_semaphore, #tpu.memory_space<semaphore_mem>> -> memref<1x!tpu.dma_semaphore, #tpu.memory_space<semaphore_mem>>
      %dma_start3A_34 = tpu.memref_squeeze %dma_start3A_33 : memref<1x!tpu.dma_semaphore, #tpu.memory_space<semaphore_mem>> -> memref<!tpu.dma_semaphore, #tpu.memory_space<semaphore_mem>>
      tpu.enqueue_indirect_dma source(%dma_start3A_32 : memref<10000x128xf32, #tpu.memory_space<hbm>>) target(%dma_start3A_26 : memref<128x128xf32, #tpu.memory_space<vmem>>) offsets(%dma_start3A_29 : memref<128xi32, #tpu.memory_space<vmem>>) semaphore(%dma_start3A_34 : memref<!tpu.dma_semaphore, #tpu.memory_space<semaphore_mem>>)
    } else {
    }
    %while3A = arith.constant 0 : i32
    %while3A_12 = arith.constant 0 : i32
    %while3A_13 = arith.subi %shift_right_arithmetic3A_9, %while3A_12 : i32
    %while3A_14 = arith.addi %while3A_12, %while3A_13 : i32
    %while3A_15 = arith.constant 1 : i32
    %while3A_16 = arith.divsi %while3A_13, %while3A_15 : i32
    %while3A_17 = arith.muli %while3A_16, %while3A_15 : i32
    %while3A_18 = arith.addi %while3A_12, %while3A_17 : i32
    %while3A_19 = arith.constant 1 : i32
    scf.for %while3A_21 = %while3A_12 to %while3A_18 step %while3A_19  : i32 {
      %and3A = arith.constant 1 : i32
      %and3A_22 = arith.andi %while3A_21, %and3A : i32
      %dma_wait3A = arith.constant 0 : i32
      %dma_wait3A_23 = arith.constant 0 : i32
      %dma_wait3A_24 = tpu.memref_slice %arg11[%and3A_22, %dma_wait3A, %dma_wait3A_23] : memref<2x128x128xf32, #tpu.memory_space<vmem>> -> memref<1x128x128xf32, #tpu.memory_space<vmem>>
      %dma_wait3A_25 = tpu.memref_squeeze %dma_wait3A_24 : memref<1x128x128xf32, #tpu.memory_space<vmem>> -> memref<128x128xf32, #tpu.memory_space<vmem>>
      %dma_wait3A_26 = arith.constant 0 : i32
      %dma_wait3A_27 = tpu.memref_slice %arg8[%while3A_21, %dma_wait3A_26] : memref<97x128xi32, #tpu.memory_space<vmem>> -> memref<1x128xi32, #tpu.memory_space<vmem>>
      %dma_wait3A_28 = tpu.memref_squeeze %dma_wait3A_27 : memref<1x128xi32, #tpu.memory_space<vmem>> -> memref<128xi32, #tpu.memory_space<vmem>>
      %dma_wait3A_29 = arith.constant 0 : i32
      %dma_wait3A_30 = arith.constant 0 : i32
      %dma_wait3A_31 = tpu.memref_slice %arg2[%dma_wait3A_29, %dma_wait3A_30] : memref<10000x128xf32, #tpu.memory_space<hbm>> -> memref<10000x128xf32, #tpu.memory_space<hbm>>
      %dma_wait3A_32 = tpu.memref_slice %arg13[%and3A_22] : memref<2x!tpu.dma_semaphore, #tpu.memory_space<semaphore_mem>> -> memref<1x!tpu.dma_semaphore, #tpu.memory_space<semaphore_mem>>
      %dma_wait3A_33 = tpu.memref_squeeze %dma_wait3A_32 : memref<1x!tpu.dma_semaphore, #tpu.memory_space<semaphore_mem>> -> memref<!tpu.dma_semaphore, #tpu.memory_space<semaphore_mem>>
      tpu.wait_indirect_dma semaphore(%dma_wait3A_33 : memref<!tpu.dma_semaphore, #tpu.memory_space<semaphore_mem>>) src(%dma_wait3A_31 : memref<10000x128xf32, #tpu.memory_space<hbm>>) dst(%dma_wait3A_25 : memref<128x128xf32, #tpu.memory_space<vmem>>)
      %add3A_34 = arith.constant 1 : i32
      %add3A_35 = arith.addi %while3A_21, %add3A_34 : i32
      %lt3A = arith.cmpi slt, %add3A_35, %shift_right_arithmetic3A_9 : i32
      %convert_element_type3A_36 = arith.extui %lt3A : i1 to i32
      %cond3A_37 = arith.constant 0 : i32
      %cond3A_38 = arith.cmpi ne, %convert_element_type3A_36, %cond3A_37 : i32
      scf.if %cond3A_38 {
        %add3A_39 = arith.constant 1 : i32
        %add3A_40 = arith.addi %while3A_21, %add3A_39 : i32
        %sub3A_41 = arith.constant 1 : i32
        %sub3A_42 = arith.subi %sub3A_41, %and3A_22 : i32
        %sub3A_43 = arith.constant 1 : i32
        %sub3A_44 = arith.subi %sub3A_43, %and3A_22 : i32
        %dma_start3A = arith.constant 0 : i32
        %dma_start3A_45 = arith.constant 0 : i32
        %dma_start3A_46 = tpu.memref_slice %arg11[%sub3A_42, %dma_start3A, %dma_start3A_45] : memref<2x128x128xf32, #tpu.memory_space<vmem>> -> memref<1x128x128xf32, #tpu.memory_space<vmem>>
        %dma_start3A_47 = tpu.memref_squeeze %dma_start3A_46 : memref<1x128x128xf32, #tpu.memory_space<vmem>> -> memref<128x128xf32, #tpu.memory_space<vmem>>
        %dma_start3A_48 = arith.constant 0 : i32
        %dma_start3A_49 = tpu.memref_slice %arg8[%add3A_40, %dma_start3A_48] : memref<97x128xi32, #tpu.memory_space<vmem>> -> memref<1x128xi32, #tpu.memory_space<vmem>>
        %dma_start3A_50 = tpu.memref_squeeze %dma_start3A_49 : memref<1x128xi32, #tpu.memory_space<vmem>> -> memref<128xi32, #tpu.memory_space<vmem>>
        %dma_start3A_51 = arith.constant 0 : i32
        %dma_start3A_52 = arith.constant 0 : i32
        %dma_start3A_53 = tpu.memref_slice %arg2[%dma_start3A_51, %dma_start3A_52] : memref<10000x128xf32, #tpu.memory_space<hbm>> -> memref<10000x128xf32, #tpu.memory_space<hbm>>
        %dma_start3A_54 = tpu.memref_slice %arg13[%sub3A_44] : memref<2x!tpu.dma_semaphore, #tpu.memory_space<semaphore_mem>> -> memref<1x!tpu.dma_semaphore, #tpu.memory_space<semaphore_mem>>
        %dma_start3A_55 = tpu.memref_squeeze %dma_start3A_54 : memref<1x!tpu.dma_semaphore, #tpu.memory_space<semaphore_mem>> -> memref<!tpu.dma_semaphore, #tpu.memory_space<semaphore_mem>>
        tpu.enqueue_indirect_dma source(%dma_start3A_53 : memref<10000x128xf32, #tpu.memory_space<hbm>>) target(%dma_start3A_47 : memref<128x128xf32, #tpu.memory_space<vmem>>) offsets(%dma_start3A_50 : memref<128xi32, #tpu.memory_space<vmem>>) semaphore(%dma_start3A_55 : memref<!tpu.dma_semaphore, #tpu.memory_space<semaphore_mem>>)
      } else {
      }
      "tpu.region"() ({
        %run_scoped3A = tpu.sem_alloc : memref<!tpu.dma_semaphore, #tpu.memory_space<semaphore_mem>>
        %dma_start3A = arith.constant 0 : i32
        %dma_start3A_39 = arith.constant 0 : i32
        %dma_start3A_40 = tpu.memref_slice %arg11[%and3A_22, %dma_start3A, %dma_start3A_39] : memref<2x128x128xf32, #tpu.memory_space<vmem>> -> memref<1x128x128xf32, #tpu.memory_space<vmem>>
        %dma_start3A_41 = tpu.memref_squeeze %dma_start3A_40 : memref<1x128x128xf32, #tpu.memory_space<vmem>> -> memref<128x128xf32, #tpu.memory_space<vmem>>
        %dma_start3A_42 = arith.constant 0 : i32
        %dma_start3A_43 = tpu.memref_slice %arg9[%while3A_21, %dma_start3A_42] : memref<97x128xi32, #tpu.memory_space<vmem>> -> memref<1x128xi32, #tpu.memory_space<vmem>>
        %dma_start3A_44 = tpu.memref_squeeze %dma_start3A_43 : memref<1x128xi32, #tpu.memory_space<vmem>> -> memref<128xi32, #tpu.memory_space<vmem>>
        %dma_start3A_45 = arith.constant 0 : i32
        %dma_start3A_46 = arith.constant 0 : i32
        %dma_start3A_47 = tpu.memref_slice %arg12[%dma_start3A_45, %dma_start3A_46] : memref<5120x128xf32, #tpu.memory_space<vmem_shared>> -> memref<5120x128xf32, #tpu.memory_space<vmem_shared>>
        tpu.enqueue_indirect_dma source(%dma_start3A_41 : memref<128x128xf32, #tpu.memory_space<vmem>>) target(%dma_start3A_47 : memref<5120x128xf32, #tpu.memory_space<vmem_shared>>) offsets(%dma_start3A_44 : memref<128xi32, #tpu.memory_space<vmem>>) semaphore(%run_scoped3A : memref<!tpu.dma_semaphore, #tpu.memory_space<semaphore_mem>>) {add = true}
        %dma_wait3A_48 = arith.constant 0 : i32
        %dma_wait3A_49 = arith.constant 0 : i32
        %dma_wait3A_50 = tpu.memref_slice %arg11[%and3A_22, %dma_wait3A_48, %dma_wait3A_49] : memref<2x128x128xf32, #tpu.memory_space<vmem>> -> memref<1x128x128xf32, #tpu.memory_space<vmem>>
        %dma_wait3A_51 = tpu.memref_squeeze %dma_wait3A_50 : memref<1x128x128xf32, #tpu.memory_space<vmem>> -> memref<128x128xf32, #tpu.memory_space<vmem>>
        %dma_wait3A_52 = arith.constant 0 : i32
        %dma_wait3A_53 = tpu.memref_slice %arg9[%while3A_21, %dma_wait3A_52] : memref<97x128xi32, #tpu.memory_space<vmem>> -> memref<1x128xi32, #tpu.memory_space<vmem>>
        %dma_wait3A_54 = tpu.memref_squeeze %dma_wait3A_53 : memref<1x128xi32, #tpu.memory_space<vmem>> -> memref<128xi32, #tpu.memory_space<vmem>>
        %dma_wait3A_55 = arith.constant 0 : i32
        %dma_wait3A_56 = arith.constant 0 : i32
        %dma_wait3A_57 = tpu.memref_slice %arg12[%dma_wait3A_55, %dma_wait3A_56] : memref<5120x128xf32, #tpu.memory_space<vmem_shared>> -> memref<5120x128xf32, #tpu.memory_space<vmem_shared>>
        tpu.wait_indirect_dma semaphore(%run_scoped3A : memref<!tpu.dma_semaphore, #tpu.memory_space<semaphore_mem>>) src(%dma_wait3A_51 : memref<128x128xf32, #tpu.memory_space<vmem>>) dst(%dma_wait3A_57 : memref<5120x128xf32, #tpu.memory_space<vmem_shared>>)
        tpu.yield
      }) : () -> ()
    }
    %while3A_20 = arith.constant 1 : i32
    scf.for %while3A_21 = %while3A_18 to %while3A_14 step %while3A_20  : i32 {
      %and3A = arith.constant 1 : i32
      %and3A_22 = arith.andi %while3A_21, %and3A : i32
      %dma_wait3A = arith.constant 0 : i32
      %dma_wait3A_23 = arith.constant 0 : i32
      %dma_wait3A_24 = tpu.memref_slice %arg11[%and3A_22, %dma_wait3A, %dma_wait3A_23] : memref<2x128x128xf32, #tpu.memory_space<vmem>> -> memref<1x128x128xf32, #tpu.memory_space<vmem>>
      %dma_wait3A_25 = tpu.memref_squeeze %dma_wait3A_24 : memref<1x128x128xf32, #tpu.memory_space<vmem>> -> memref<128x128xf32, #tpu.memory_space<vmem>>
      %dma_wait3A_26 = arith.constant 0 : i32
      %dma_wait3A_27 = tpu.memref_slice %arg8[%while3A_21, %dma_wait3A_26] : memref<97x128xi32, #tpu.memory_space<vmem>> -> memref<1x128xi32, #tpu.memory_space<vmem>>
      %dma_wait3A_28 = tpu.memref_squeeze %dma_wait3A_27 : memref<1x128xi32, #tpu.memory_space<vmem>> -> memref<128xi32, #tpu.memory_space<vmem>>
      %dma_wait3A_29 = arith.constant 0 : i32
      %dma_wait3A_30 = arith.constant 0 : i32
      %dma_wait3A_31 = tpu.memref_slice %arg2[%dma_wait3A_29, %dma_wait3A_30] : memref<10000x128xf32, #tpu.memory_space<hbm>> -> memref<10000x128xf32, #tpu.memory_space<hbm>>
      %dma_wait3A_32 = tpu.memref_slice %arg13[%and3A_22] : memref<2x!tpu.dma_semaphore, #tpu.memory_space<semaphore_mem>> -> memref<1x!tpu.dma_semaphore, #tpu.memory_space<semaphore_mem>>
      %dma_wait3A_33 = tpu.memref_squeeze %dma_wait3A_32 : memref<1x!tpu.dma_semaphore, #tpu.memory_space<semaphore_mem>> -> memref<!tpu.dma_semaphore, #tpu.memory_space<semaphore_mem>>
      tpu.wait_indirect_dma semaphore(%dma_wait3A_33 : memref<!tpu.dma_semaphore, #tpu.memory_space<semaphore_mem>>) src(%dma_wait3A_31 : memref<10000x128xf32, #tpu.memory_space<hbm>>) dst(%dma_wait3A_25 : memref<128x128xf32, #tpu.memory_space<vmem>>)
      %add3A_34 = arith.constant 1 : i32
      %add3A_35 = arith.addi %while3A_21, %add3A_34 : i32
      %lt3A = arith.cmpi slt, %add3A_35, %shift_right_arithmetic3A_9 : i32
      %convert_element_type3A_36 = arith.extui %lt3A : i1 to i32
      %cond3A_37 = arith.constant 0 : i32
      %cond3A_38 = arith.cmpi ne, %convert_element_type3A_36, %cond3A_37 : i32
      scf.if %cond3A_38 {
        %add3A_39 = arith.constant 1 : i32
        %add3A_40 = arith.addi %while3A_21, %add3A_39 : i32
        %sub3A_41 = arith.constant 1 : i32
        %sub3A_42 = arith.subi %sub3A_41, %and3A_22 : i32
        %sub3A_43 = arith.constant 1 : i32
        %sub3A_44 = arith.subi %sub3A_43, %and3A_22 : i32
        %dma_start3A = arith.constant 0 : i32
        %dma_start3A_45 = arith.constant 0 : i32
        %dma_start3A_46 = tpu.memref_slice %arg11[%sub3A_42, %dma_start3A, %dma_start3A_45] : memref<2x128x128xf32, #tpu.memory_space<vmem>> -> memref<1x128x128xf32, #tpu.memory_space<vmem>>
        %dma_start3A_47 = tpu.memref_squeeze %dma_start3A_46 : memref<1x128x128xf32, #tpu.memory_space<vmem>> -> memref<128x128xf32, #tpu.memory_space<vmem>>
        %dma_start3A_48 = arith.constant 0 : i32
        %dma_start3A_49 = tpu.memref_slice %arg8[%add3A_40, %dma_start3A_48] : memref<97x128xi32, #tpu.memory_space<vmem>> -> memref<1x128xi32, #tpu.memory_space<vmem>>
        %dma_start3A_50 = tpu.memref_squeeze %dma_start3A_49 : memref<1x128xi32, #tpu.memory_space<vmem>> -> memref<128xi32, #tpu.memory_space<vmem>>
        %dma_start3A_51 = arith.constant 0 : i32
        %dma_start3A_52 = arith.constant 0 : i32
        %dma_start3A_53 = tpu.memref_slice %arg2[%dma_start3A_51, %dma_start3A_52] : memref<10000x128xf32, #tpu.memory_space<hbm>> -> memref<10000x128xf32, #tpu.memory_space<hbm>>
        %dma_start3A_54 = tpu.memref_slice %arg13[%sub3A_44] : memref<2x!tpu.dma_semaphore, #tpu.memory_space<semaphore_mem>> -> memref<1x!tpu.dma_semaphore, #tpu.memory_space<semaphore_mem>>
        %dma_start3A_55 = tpu.memref_squeeze %dma_start3A_54 : memref<1x!tpu.dma_semaphore, #tpu.memory_space<semaphore_mem>> -> memref<!tpu.dma_semaphore, #tpu.memory_space<semaphore_mem>>
        tpu.enqueue_indirect_dma source(%dma_start3A_53 : memref<10000x128xf32, #tpu.memory_space<hbm>>) target(%dma_start3A_47 : memref<128x128xf32, #tpu.memory_space<vmem>>) offsets(%dma_start3A_50 : memref<128xi32, #tpu.memory_space<vmem>>) semaphore(%dma_start3A_55 : memref<!tpu.dma_semaphore, #tpu.memory_space<semaphore_mem>>)
      } else {
      }
      "tpu.region"() ({
        %run_scoped3A = tpu.sem_alloc : memref<!tpu.dma_semaphore, #tpu.memory_space<semaphore_mem>>
        %dma_start3A = arith.constant 0 : i32
        %dma_start3A_39 = arith.constant 0 : i32
        %dma_start3A_40 = tpu.memref_slice %arg11[%and3A_22, %dma_start3A, %dma_start3A_39] : memref<2x128x128xf32, #tpu.memory_space<vmem>> -> memref<1x128x128xf32, #tpu.memory_space<vmem>>
        %dma_start3A_41 = tpu.memref_squeeze %dma_start3A_40 : memref<1x128x128xf32, #tpu.memory_space<vmem>> -> memref<128x128xf32, #tpu.memory_space<vmem>>
        %dma_start3A_42 = arith.constant 0 : i32
        %dma_start3A_43 = tpu.memref_slice %arg9[%while3A_21, %dma_start3A_42] : memref<97x128xi32, #tpu.memory_space<vmem>> -> memref<1x128xi32, #tpu.memory_space<vmem>>
        %dma_start3A_44 = tpu.memref_squeeze %dma_start3A_43 : memref<1x128xi32, #tpu.memory_space<vmem>> -> memref<128xi32, #tpu.memory_space<vmem>>
        %dma_start3A_45 = arith.constant 0 : i32
        %dma_start3A_46 = arith.constant 0 : i32
        %dma_start3A_47 = tpu.memref_slice %arg12[%dma_start3A_45, %dma_start3A_46] : memref<5120x128xf32, #tpu.memory_space<vmem_shared>> -> memref<5120x128xf32, #tpu.memory_space<vmem_shared>>
        tpu.enqueue_indirect_dma source(%dma_start3A_41 : memref<128x128xf32, #tpu.memory_space<vmem>>) target(%dma_start3A_47 : memref<5120x128xf32, #tpu.memory_space<vmem_shared>>) offsets(%dma_start3A_44 : memref<128xi32, #tpu.memory_space<vmem>>) semaphore(%run_scoped3A : memref<!tpu.dma_semaphore, #tpu.memory_space<semaphore_mem>>) {add = true}
        %dma_wait3A_48 = arith.constant 0 : i32
        %dma_wait3A_49 = arith.constant 0 : i32
        %dma_wait3A_50 = tpu.memref_slice %arg11[%and3A_22, %dma_wait3A_48, %dma_wait3A_49] : memref<2x128x128xf32, #tpu.memory_space<vmem>> -> memref<1x128x128xf32, #tpu.memory_space<vmem>>
        %dma_wait3A_51 = tpu.memref_squeeze %dma_wait3A_50 : memref<1x128x128xf32, #tpu.memory_space<vmem>> -> memref<128x128xf32, #tpu.memory_space<vmem>>
        %dma_wait3A_52 = arith.constant 0 : i32
        %dma_wait3A_53 = tpu.memref_slice %arg9[%while3A_21, %dma_wait3A_52] : memref<97x128xi32, #tpu.memory_space<vmem>> -> memref<1x128xi32, #tpu.memory_space<vmem>>
        %dma_wait3A_54 = tpu.memref_squeeze %dma_wait3A_53 : memref<1x128xi32, #tpu.memory_space<vmem>> -> memref<128xi32, #tpu.memory_space<vmem>>
        %dma_wait3A_55 = arith.constant 0 : i32
        %dma_wait3A_56 = arith.constant 0 : i32
        %dma_wait3A_57 = tpu.memref_slice %arg12[%dma_wait3A_55, %dma_wait3A_56] : memref<5120x128xf32, #tpu.memory_space<vmem_shared>> -> memref<5120x128xf32, #tpu.memory_space<vmem_shared>>
        tpu.wait_indirect_dma semaphore(%run_scoped3A : memref<!tpu.dma_semaphore, #tpu.memory_space<semaphore_mem>>) src(%dma_wait3A_51 : memref<128x128xf32, #tpu.memory_space<vmem>>) dst(%dma_wait3A_57 : memref<5120x128xf32, #tpu.memory_space<vmem_shared>>)
        tpu.yield
      }) : () -> ()
    }
    "tpu.region"() ({
      %run_scoped3A = tpu.sem_alloc : memref<!tpu.dma_semaphore, #tpu.memory_space<semaphore_mem>>
      %dma_start3A = arith.constant 0 : i32
      %dma_start3A_21 = arith.constant 0 : i32
      %dma_start3A_22 = tpu.memref_slice %arg7[%add3A, %dma_start3A, %dma_start3A_21] : memref<32x316x128xf32, #tpu.memory_space<hbm>> -> memref<1x316x128xf32, #tpu.memory_space<hbm>>
      %dma_start3A_23 = tpu.memref_squeeze %dma_start3A_22 : memref<1x316x128xf32, #tpu.memory_space<hbm>> -> memref<316x128xf32, #tpu.memory_space<hbm>>
      %dma_start3A_24 = arith.constant 0 : i32
      %dma_start3A_25 = tpu.memref_slice %arg12[%mul3A_2, %dma_start3A_24] : memref<5120x128xf32, #tpu.memory_space<vmem_shared>> -> memref<316x128xf32, #tpu.memory_space<vmem_shared>>
      tpu.enqueue_dma source(%dma_start3A_25 : memref<316x128xf32, #tpu.memory_space<vmem_shared>>) target(%dma_start3A_23 : memref<316x128xf32, #tpu.memory_space<hbm>>) target_semaphore(%run_scoped3A : memref<!tpu.dma_semaphore, #tpu.memory_space<semaphore_mem>>)
      %dma_wait3A = arith.constant 0 : i32
      %dma_wait3A_26 = arith.constant 0 : i32
      %dma_wait3A_27 = tpu.memref_slice %arg7[%add3A, %dma_wait3A, %dma_wait3A_26] : memref<32x316x128xf32, #tpu.memory_space<hbm>> -> memref<1x316x128xf32, #tpu.memory_space<hbm>>
      %dma_wait3A_28 = tpu.memref_squeeze %dma_wait3A_27 : memref<1x316x128xf32, #tpu.memory_space<hbm>> -> memref<316x128xf32, #tpu.memory_space<hbm>>
      %dma_wait3A_29 = arith.constant 0 : i32
      %dma_wait3A_30 = tpu.memref_slice %arg12[%mul3A_2, %dma_wait3A_29] : memref<5120x128xf32, #tpu.memory_space<vmem_shared>> -> memref<316x128xf32, #tpu.memory_space<vmem_shared>>
      tpu.wait_dma2 semaphore(%run_scoped3A : memref<!tpu.dma_semaphore, #tpu.memory_space<semaphore_mem>>) src(%dma_wait3A_30 : memref<316x128xf32, #tpu.memory_space<vmem_shared>>) dst(%dma_wait3A_28 : memref<316x128xf32, #tpu.memory_space<hbm>>)
      tpu.yield
    }) : () -> ()
    return
  }
}

#map = affine_map<(d0, d1) -> (0, 0)>
#map1 = affine_map<(d0, d1) -> (0, 0, 0)>
#map2 = affine_map<(d0, d1) -> (0)>
module attributes {stable_mosaic.version = 14 : i64} {
  func.func @k(%arg0: i32, %arg1: i32, %arg2: memref<10000x128xf32, #tpu.memory_space<hbm>>, %arg3: memref<32x97x128xi32, #tpu.memory_space<hbm>>, %arg4: memref<32x97x128xi32, #tpu.memory_space<hbm>>, %arg5: memref<512xi32, #tpu.memory_space<hbm>>, %arg6: memref<320x128xf32, #tpu.memory_space<hbm>>, %arg7: memref<32x316x128xf32, #tpu.memory_space<hbm>>, %arg8: memref<97x128xi32, #tpu.memory_space<vmem>>, %arg9: memref<97x128xi32, #tpu.memory_space<vmem>>, %arg10: memref<16xi32, #tpu.memory_space<vmem>>, %arg11: memref<2x128x128xf32, #tpu.memory_space<vmem>>, %arg12: memref<5120x128xf32, #tpu.memory_space<vmem_shared>>, %arg13: memref<2x!tpu.dma_semaphore, #tpu.memory_space<semaphore_mem>>) attributes {dimension_semantics = [#tpu.dimension_semantics<core_parallel>, #tpu.dimension_semantics<subcore_parallel>], iteration_bounds = array<i64: 2, 16>, scalar_prefetch = 0 : i64, scratch_operands = 6 : i64, tpu.core_type = #tpu.core_type<sc_vector_subcore>, window_params = [{transform_indices = #map}, {transform_indices = #map1}, {transform_indices = #map1}, {transform_indices = #map2}, {transform_indices = #map}, {transform_indices = #map1}]} {
    %mul3A = arith.constant 16 : i32
    %mul3A_0 = arith.muli %arg0, %mul3A : i32
    %add3A = arith.addi %mul3A_0, %arg1 : i32
    %mul3A_1 = arith.constant 320 : i32
    %mul3A_2 = arith.muli %arg1, %mul3A_1 : i32
    "tpu.region"() ({
      %run_scoped3A = tpu.sem_alloc : memref<!tpu.dma_semaphore, #tpu.memory_space<semaphore_mem>>
      %dma_start3A = arith.constant 0 : i32
      %dma_start3A_21 = arith.constant 0 : i32
      %dma_start3A_22 = tpu.memref_slice %arg3[%add3A, %dma_start3A, %dma_start3A_21] : memref<32x97x128xi32, #tpu.memory_space<hbm>> -> memref<1x97x128xi32, #tpu.memory_space<hbm>>
      %dma_start3A_23 = tpu.memref_squeeze %dma_start3A_22 : memref<1x97x128xi32, #tpu.memory_space<hbm>> -> memref<97x128xi32, #tpu.memory_space<hbm>>
      %dma_start3A_24 = arith.constant 0 : i32
      %dma_start3A_25 = arith.constant 0 : i32
      %dma_start3A_26 = tpu.memref_slice %arg3[%add3A, %dma_start3A_24, %dma_start3A_25] : memref<32x97x128xi32, #tpu.memory_space<hbm>> -> memref<1x97x128xi32, #tpu.memory_space<hbm>>
      %dma_start3A_27 = tpu.memref_squeeze %dma_start3A_26 : memref<1x97x128xi32, #tpu.memory_space<hbm>> -> memref<97x128xi32, #tpu.memory_space<hbm>>
      tpu.enqueue_dma source(%dma_start3A_27 : memref<97x128xi32, #tpu.memory_space<hbm>>) target(%arg8 : memref<97x128xi32, #tpu.memory_space<vmem>>) target_semaphore(%run_scoped3A : memref<!tpu.dma_semaphore, #tpu.memory_space<semaphore_mem>>)
      %dma_wait3A = arith.constant 0 : i32
      %dma_wait3A_28 = arith.constant 0 : i32
      %dma_wait3A_29 = tpu.memref_slice %arg3[%add3A, %dma_wait3A, %dma_wait3A_28] : memref<32x97x128xi32, #tpu.memory_space<hbm>> -> memref<1x97x128xi32, #tpu.memory_space<hbm>>
      %dma_wait3A_30 = tpu.memref_squeeze %dma_wait3A_29 : memref<1x97x128xi32, #tpu.memory_space<hbm>> -> memref<97x128xi32, #tpu.memory_space<hbm>>
      %dma_wait3A_31 = arith.constant 0 : i32
      %dma_wait3A_32 = arith.constant 0 : i32
      %dma_wait3A_33 = tpu.memref_slice %arg3[%add3A, %dma_wait3A_31, %dma_wait3A_32] : memref<32x97x128xi32, #tpu.memory_space<hbm>> -> memref<1x97x128xi32, #tpu.memory_space<hbm>>
      %dma_wait3A_34 = tpu.memref_squeeze %dma_wait3A_33 : memref<1x97x128xi32, #tpu.memory_space<hbm>> -> memref<97x128xi32, #tpu.memory_space<hbm>>
      tpu.wait_dma2 semaphore(%run_scoped3A : memref<!tpu.dma_semaphore, #tpu.memory_space<semaphore_mem>>) src(%dma_wait3A_34 : memref<97x128xi32, #tpu.memory_space<hbm>>) dst(%arg8 : memref<97x128xi32, #tpu.memory_space<vmem>>)
      tpu.yield
    }) : () -> ()
    "tpu.region"() ({
      %run_scoped3A = tpu.sem_alloc : memref<!tpu.dma_semaphore, #tpu.memory_space<semaphore_mem>>
      %dma_start3A = arith.constant 0 : i32
      %dma_start3A_21 = arith.constant 0 : i32
      %dma_start3A_22 = tpu.memref_slice %arg4[%add3A, %dma_start3A, %dma_start3A_21] : memref<32x97x128xi32, #tpu.memory_space<hbm>> -> memref<1x97x128xi32, #tpu.memory_space<hbm>>
      %dma_start3A_23 = tpu.memref_squeeze %dma_start3A_22 : memref<1x97x128xi32, #tpu.memory_space<hbm>> -> memref<97x128xi32, #tpu.memory_space<hbm>>
      %dma_start3A_24 = arith.constant 0 : i32
      %dma_start3A_25 = arith.constant 0 : i32
      %dma_start3A_26 = tpu.memref_slice %arg4[%add3A, %dma_start3A_24, %dma_start3A_25] : memref<32x97x128xi32, #tpu.memory_space<hbm>> -> memref<1x97x128xi32, #tpu.memory_space<hbm>>
      %dma_start3A_27 = tpu.memref_squeeze %dma_start3A_26 : memref<1x97x128xi32, #tpu.memory_space<hbm>> -> memref<97x128xi32, #tpu.memory_space<hbm>>
      tpu.enqueue_dma source(%dma_start3A_27 : memref<97x128xi32, #tpu.memory_space<hbm>>) target(%arg9 : memref<97x128xi32, #tpu.memory_space<vmem>>) target_semaphore(%run_scoped3A : memref<!tpu.dma_semaphore, #tpu.memory_space<semaphore_mem>>)
      %dma_wait3A = arith.constant 0 : i32
      %dma_wait3A_28 = arith.constant 0 : i32
      %dma_wait3A_29 = tpu.memref_slice %arg4[%add3A, %dma_wait3A, %dma_wait3A_28] : memref<32x97x128xi32, #tpu.memory_space<hbm>> -> memref<1x97x128xi32, #tpu.memory_space<hbm>>
      %dma_wait3A_30 = tpu.memref_squeeze %dma_wait3A_29 : memref<1x97x128xi32, #tpu.memory_space<hbm>> -> memref<97x128xi32, #tpu.memory_space<hbm>>
      %dma_wait3A_31 = arith.constant 0 : i32
      %dma_wait3A_32 = arith.constant 0 : i32
      %dma_wait3A_33 = tpu.memref_slice %arg4[%add3A, %dma_wait3A_31, %dma_wait3A_32] : memref<32x97x128xi32, #tpu.memory_space<hbm>> -> memref<1x97x128xi32, #tpu.memory_space<hbm>>
      %dma_wait3A_34 = tpu.memref_squeeze %dma_wait3A_33 : memref<1x97x128xi32, #tpu.memory_space<hbm>> -> memref<97x128xi32, #tpu.memory_space<hbm>>
      tpu.wait_dma2 semaphore(%run_scoped3A : memref<!tpu.dma_semaphore, #tpu.memory_space<semaphore_mem>>) src(%dma_wait3A_34 : memref<97x128xi32, #tpu.memory_space<hbm>>) dst(%arg9 : memref<97x128xi32, #tpu.memory_space<vmem>>)
      tpu.yield
    }) : () -> ()
    %mul3A_3 = arith.constant 16 : i32
    %mul3A_4 = arith.muli %add3A, %mul3A_3 : i32
    "tpu.region"() ({
      %run_scoped3A = tpu.sem_alloc : memref<!tpu.dma_semaphore, #tpu.memory_space<semaphore_mem>>
      %dma_start3A = tpu.memref_slice %arg5[%mul3A_4] : memref<512xi32, #tpu.memory_space<hbm>> -> memref<16xi32, #tpu.memory_space<hbm>>
      %dma_start3A_21 = tpu.memref_slice %arg5[%mul3A_4] : memref<512xi32, #tpu.memory_space<hbm>> -> memref<16xi32, #tpu.memory_space<hbm>>
      tpu.enqueue_dma source(%dma_start3A_21 : memref<16xi32, #tpu.memory_space<hbm>>) target(%arg10 : memref<16xi32, #tpu.memory_space<vmem>>) target_semaphore(%run_scoped3A : memref<!tpu.dma_semaphore, #tpu.memory_space<semaphore_mem>>)
      %dma_wait3A = tpu.memref_slice %arg5[%mul3A_4] : memref<512xi32, #tpu.memory_space<hbm>> -> memref<16xi32, #tpu.memory_space<hbm>>
      %dma_wait3A_22 = tpu.memref_slice %arg5[%mul3A_4] : memref<512xi32, #tpu.memory_space<hbm>> -> memref<16xi32, #tpu.memory_space<hbm>>
      tpu.wait_dma2 semaphore(%run_scoped3A : memref<!tpu.dma_semaphore, #tpu.memory_space<semaphore_mem>>) src(%dma_wait3A_22 : memref<16xi32, #tpu.memory_space<hbm>>) dst(%arg10 : memref<16xi32, #tpu.memory_space<vmem>>)
      tpu.yield
    }) : () -> ()
    "tpu.region"() ({
      %run_scoped3A = tpu.sem_alloc : memref<!tpu.dma_semaphore, #tpu.memory_space<semaphore_mem>>
      %dma_start3A = arith.constant 0 : i32
      %dma_start3A_21 = tpu.memref_slice %arg12[%mul3A_2, %dma_start3A] : memref<5120x128xf32, #tpu.memory_space<vmem_shared>> -> memref<320x128xf32, #tpu.memory_space<vmem_shared>>
      tpu.enqueue_dma source(%arg6 : memref<320x128xf32, #tpu.memory_space<hbm>>) target(%dma_start3A_21 : memref<320x128xf32, #tpu.memory_space<vmem_shared>>) target_semaphore(%run_scoped3A : memref<!tpu.dma_semaphore, #tpu.memory_space<semaphore_mem>>)
      %dma_wait3A = arith.constant 0 : i32
      %dma_wait3A_22 = tpu.memref_slice %arg12[%mul3A_2, %dma_wait3A] : memref<5120x128xf32, #tpu.memory_space<vmem_shared>> -> memref<320x128xf32, #tpu.memory_space<vmem_shared>>
      tpu.wait_dma2 semaphore(%run_scoped3A : memref<!tpu.dma_semaphore, #tpu.memory_space<semaphore_mem>>) src(%arg6 : memref<320x128xf32, #tpu.memory_space<hbm>>) dst(%dma_wait3A_22 : memref<320x128xf32, #tpu.memory_space<vmem_shared>>)
      tpu.yield
    }) : () -> ()
    %get3A = arith.constant 0 : index
    %get3A_5 = tpu.vector_load %arg10[%get3A] {strides = array<i32>} : memref<16xi32, #tpu.memory_space<vmem>>, vector<16xi32>,
    %slice3A = vector.extract_strided_slice %get3A_5 {offsets = [0], sizes = [1], strides = [1]} : vector<16xi32> to vector<1xi32>
    %squeeze3A = vector.extract %slice3A[0] : i32 from vector<1xi32>
    %add3A_6 = arith.constant 128 : i32
    %add3A_7 = arith.addi %squeeze3A, %add3A_6 : i32
    %sub3A = arith.constant 1 : i32
    %sub3A_8 = arith.subi %add3A_7, %sub3A : i32
    %shift_right_arithmetic3A = arith.constant 7 : i32
    %shift_right_arithmetic3A_9 = arith.shrsi %sub3A_8, %shift_right_arithmetic3A : i32
    %gt3A = arith.constant 0 : i32
    %gt3A_10 = arith.cmpi sgt, %shift_right_arithmetic3A_9, %gt3A : i32
    %convert_element_type3A = arith.extui %gt3A_10 : i1 to i32
    %cond3A = arith.constant 0 : i32
    %cond3A_11 = arith.cmpi ne, %convert_element_type3A, %cond3A : i32
    scf.if %cond3A_11 {
      %dma_start3A = arith.constant 0 : i32
      %dma_start3A_21 = arith.constant 0 : i32
      %dma_start3A_22 = arith.constant 0 : i32
      %dma_start3A_23 = arith.constant 0 : i32
      %dma_start3A_24 = arith.constant 0 : i32
      %dma_start3A_25 = tpu.memref_slice %arg11[%dma_start3A_21, %dma_start3A_23, %dma_start3A_24] : memref<2x128x128xf32, #tpu.memory_space<vmem>> -> memref<1x128x128xf32, #tpu.memory_space<vmem>>
      %dma_start3A_26 = tpu.memref_squeeze %dma_start3A_25 : memref<1x128x128xf32, #tpu.memory_space<vmem>> -> memref<128x128xf32, #tpu.memory_space<vmem>>
      %dma_start3A_27 = arith.constant 0 : i32
      %dma_start3A_28 = tpu.memref_slice %arg8[%dma_start3A, %dma_start3A_27] : memref<97x128xi32, #tpu.memory_space<vmem>> -> memref<1x128xi32, #tpu.memory_space<vmem>>
      %dma_start3A_29 = tpu.memref_squeeze %dma_start3A_28 : memref<1x128xi32, #tpu.memory_space<vmem>> -> memref<128xi32, #tpu.memory_space<vmem>>
      %dma_start3A_30 = arith.constant 0 : i32
      %dma_start3A_31 = arith.constant 0 : i32
      %dma_start3A_32 = tpu.memref_slice %arg2[%dma_start3A_30, %dma_start3A_31] : memref<10000x128xf32, #tpu.memory_space<hbm>> -> memref<10000x128xf32, #tpu.memory_space<hbm>>
      %dma_start3A_33 = tpu.memref_slice %arg13[%dma_start3A_22] : memref<2x!tpu.dma_semaphore, #tpu.memory_space<semaphore_mem>> -> memref<1x!tpu.dma_semaphore, #tpu.memory_space<semaphore_mem>>
      %dma_start3A_34 = tpu.memref_squeeze %dma_start3A_33 : memref<1x!tpu.dma_semaphore, #tpu.memory_space<semaphore_mem>> -> memref<!tpu.dma_semaphore, #tpu.memory_space<semaphore_mem>>
      tpu.enqueue_indirect_dma source(%dma_start3A_32 : memref<10000x128xf32, #tpu.memory_space<hbm>>) target(%dma_start3A_26 : memref<128x128xf32, #tpu.memory_space<vmem>>) offsets(%dma_start3A_29 : memref<128xi32, #tpu.memory_space<vmem>>) semaphore(%dma_start3A_34 : memref<!tpu.dma_semaphore, #tpu.memory_space<semaphore_mem>>)
    } else {
    }
    %while3A = arith.constant 0 : i32
    %while3A_12 = arith.constant 0 : i32
    %while3A_13 = arith.subi %shift_right_arithmetic3A_9, %while3A_12 : i32
    %while3A_14 = arith.addi %while3A_12, %while3A_13 : i32
    %while3A_15 = arith.constant 1 : i32
    %while3A_16 = arith.divsi %while3A_13, %while3A_15 : i32
    %while3A_17 = arith.muli %while3A_16, %while3A_15 : i32
    %while3A_18 = arith.addi %while3A_12, %while3A_17 : i32
    %while3A_19 = arith.constant 1 : i32
    scf.for %while3A_21 = %while3A_12 to %while3A_18 step %while3A_19  : i32 {
      %and3A = arith.constant 1 : i32
      %and3A_22 = arith.andi %while3A_21, %and3A : i32
      %dma_wait3A = arith.constant 0 : i32
      %dma_wait3A_23 = arith.constant 0 : i32
      %dma_wait3A_24 = tpu.memref_slice %arg11[%and3A_22, %dma_wait3A, %dma_wait3A_23] : memref<2x128x128xf32, #tpu.memory_space<vmem>> -> memref<1x128x128xf32, #tpu.memory_space<vmem>>
      %dma_wait3A_25 = tpu.memref_squeeze %dma_wait3A_24 : memref<1x128x128xf32, #tpu.memory_space<vmem>> -> memref<128x128xf32, #tpu.memory_space<vmem>>
      %dma_wait3A_26 = arith.constant 0 : i32
      %dma_wait3A_27 = tpu.memref_slice %arg8[%while3A_21, %dma_wait3A_26] : memref<97x128xi32, #tpu.memory_space<vmem>> -> memref<1x128xi32, #tpu.memory_space<vmem>>
      %dma_wait3A_28 = tpu.memref_squeeze %dma_wait3A_27 : memref<1x128xi32, #tpu.memory_space<vmem>> -> memref<128xi32, #tpu.memory_space<vmem>>
      %dma_wait3A_29 = arith.constant 0 : i32
      %dma_wait3A_30 = arith.constant 0 : i32
      %dma_wait3A_31 = tpu.memref_slice %arg2[%dma_wait3A_29, %dma_wait3A_30] : memref<10000x128xf32, #tpu.memory_space<hbm>> -> memref<10000x128xf32, #tpu.memory_space<hbm>>
      %dma_wait3A_32 = tpu.memref_slice %arg13[%and3A_22] : memref<2x!tpu.dma_semaphore, #tpu.memory_space<semaphore_mem>> -> memref<1x!tpu.dma_semaphore, #tpu.memory_space<semaphore_mem>>
      %dma_wait3A_33 = tpu.memref_squeeze %dma_wait3A_32 : memref<1x!tpu.dma_semaphore, #tpu.memory_space<semaphore_mem>> -> memref<!tpu.dma_semaphore, #tpu.memory_space<semaphore_mem>>
      tpu.wait_indirect_dma semaphore(%dma_wait3A_33 : memref<!tpu.dma_semaphore, #tpu.memory_space<semaphore_mem>>) src(%dma_wait3A_31 : memref<10000x128xf32, #tpu.memory_space<hbm>>) dst(%dma_wait3A_25 : memref<128x128xf32, #tpu.memory_space<vmem>>)
      %add3A_34 = arith.constant 1 : i32
      %add3A_35 = arith.addi %while3A_21, %add3A_34 : i32
      %lt3A = arith.cmpi slt, %add3A_35, %shift_right_arithmetic3A_9 : i32
      %convert_element_type3A_36 = arith.extui %lt3A : i1 to i32
      %cond3A_37 = arith.constant 0 : i32
      %cond3A_38 = arith.cmpi ne, %convert_element_type3A_36, %cond3A_37 : i32
      scf.if %cond3A_38 {
        %add3A_39 = arith.constant 1 : i32
        %add3A_40 = arith.addi %while3A_21, %add3A_39 : i32
        %sub3A_41 = arith.constant 1 : i32
        %sub3A_42 = arith.subi %sub3A_41, %and3A_22 : i32
        %sub3A_43 = arith.constant 1 : i32
        %sub3A_44 = arith.subi %sub3A_43, %and3A_22 : i32
        %dma_start3A = arith.constant 0 : i32
        %dma_start3A_45 = arith.constant 0 : i32
        %dma_start3A_46 = tpu.memref_slice %arg11[%sub3A_42, %dma_start3A, %dma_start3A_45] : memref<2x128x128xf32, #tpu.memory_space<vmem>> -> memref<1x128x128xf32, #tpu.memory_space<vmem>>
        %dma_start3A_47 = tpu.memref_squeeze %dma_start3A_46 : memref<1x128x128xf32, #tpu.memory_space<vmem>> -> memref<128x128xf32, #tpu.memory_space<vmem>>
        %dma_start3A_48 = arith.constant 0 : i32
        %dma_start3A_49 = tpu.memref_slice %arg8[%add3A_40, %dma_start3A_48] : memref<97x128xi32, #tpu.memory_space<vmem>> -> memref<1x128xi32, #tpu.memory_space<vmem>>
        %dma_start3A_50 = tpu.memref_squeeze %dma_start3A_49 : memref<1x128xi32, #tpu.memory_space<vmem>> -> memref<128xi32, #tpu.memory_space<vmem>>
        %dma_start3A_51 = arith.constant 0 : i32
        %dma_start3A_52 = arith.constant 0 : i32
        %dma_start3A_53 = tpu.memref_slice %arg2[%dma_start3A_51, %dma_start3A_52] : memref<10000x128xf32, #tpu.memory_space<hbm>> -> memref<10000x128xf32, #tpu.memory_space<hbm>>
        %dma_start3A_54 = tpu.memref_slice %arg13[%sub3A_44] : memref<2x!tpu.dma_semaphore, #tpu.memory_space<semaphore_mem>> -> memref<1x!tpu.dma_semaphore, #tpu.memory_space<semaphore_mem>>
        %dma_start3A_55 = tpu.memref_squeeze %dma_start3A_54 : memref<1x!tpu.dma_semaphore, #tpu.memory_space<semaphore_mem>> -> memref<!tpu.dma_semaphore, #tpu.memory_space<semaphore_mem>>
        tpu.enqueue_indirect_dma source(%dma_start3A_53 : memref<10000x128xf32, #tpu.memory_space<hbm>>) target(%dma_start3A_47 : memref<128x128xf32, #tpu.memory_space<vmem>>) offsets(%dma_start3A_50 : memref<128xi32, #tpu.memory_space<vmem>>) semaphore(%dma_start3A_55 : memref<!tpu.dma_semaphore, #tpu.memory_space<semaphore_mem>>)
      } else {
      }
      "tpu.region"() ({
        %run_scoped3A = tpu.sem_alloc : memref<!tpu.dma_semaphore, #tpu.memory_space<semaphore_mem>>
        %dma_start3A = arith.constant 0 : i32
        %dma_start3A_39 = arith.constant 0 : i32
        %dma_start3A_40 = tpu.memref_slice %arg11[%and3A_22, %dma_start3A, %dma_start3A_39] : memref<2x128x128xf32, #tpu.memory_space<vmem>> -> memref<1x128x128xf32, #tpu.memory_space<vmem>>
        %dma_start3A_41 = tpu.memref_squeeze %dma_start3A_40 : memref<1x128x128xf32, #tpu.memory_space<vmem>> -> memref<128x128xf32, #tpu.memory_space<vmem>>
        %dma_start3A_42 = arith.constant 0 : i32
        %dma_start3A_43 = tpu.memref_slice %arg9[%while3A_21, %dma_start3A_42] : memref<97x128xi32, #tpu.memory_space<vmem>> -> memref<1x128xi32, #tpu.memory_space<vmem>>
        %dma_start3A_44 = tpu.memref_squeeze %dma_start3A_43 : memref<1x128xi32, #tpu.memory_space<vmem>> -> memref<128xi32, #tpu.memory_space<vmem>>
        %dma_start3A_45 = arith.constant 0 : i32
        %dma_start3A_46 = arith.constant 0 : i32
        %dma_start3A_47 = tpu.memref_slice %arg12[%dma_start3A_45, %dma_start3A_46] : memref<5120x128xf32, #tpu.memory_space<vmem_shared>> -> memref<5120x128xf32, #tpu.memory_space<vmem_shared>>
        tpu.enqueue_indirect_dma source(%dma_start3A_41 : memref<128x128xf32, #tpu.memory_space<vmem>>) target(%dma_start3A_47 : memref<5120x128xf32, #tpu.memory_space<vmem_shared>>) offsets(%dma_start3A_44 : memref<128xi32, #tpu.memory_space<vmem>>) semaphore(%run_scoped3A : memref<!tpu.dma_semaphore, #tpu.memory_space<semaphore_mem>>) {add = true}
        %dma_wait3A_48 = arith.constant 0 : i32
        %dma_wait3A_49 = arith.constant 0 : i32
        %dma_wait3A_50 = tpu.memref_slice %arg11[%and3A_22, %dma_wait3A_48, %dma_wait3A_49] : memref<2x128x128xf32, #tpu.memory_space<vmem>> -> memref<1x128x128xf32, #tpu.memory_space<vmem>>
        %dma_wait3A_51 = tpu.memref_squeeze %dma_wait3A_50 : memref<1x128x128xf32, #tpu.memory_space<vmem>> -> memref<128x128xf32, #tpu.memory_space<vmem>>
        %dma_wait3A_52 = arith.constant 0 : i32
        %dma_wait3A_53 = tpu.memref_slice %arg9[%while3A_21, %dma_wait3A_52] : memref<97x128xi32, #tpu.memory_space<vmem>> -> memref<1x128xi32, #tpu.memory_space<vmem>>
        %dma_wait3A_54 = tpu.memref_squeeze %dma_wait3A_53 : memref<1x128xi32, #tpu.memory_space<vmem>> -> memref<128xi32, #tpu.memory_space<vmem>>
        %dma_wait3A_55 = arith.constant 0 : i32
        %dma_wait3A_56 = arith.constant 0 : i32
        %dma_wait3A_57 = tpu.memref_slice %arg12[%dma_wait3A_55, %dma_wait3A_56] : memref<5120x128xf32, #tpu.memory_space<vmem_shared>> -> memref<5120x128xf32, #tpu.memory_space<vmem_shared>>
        tpu.wait_indirect_dma semaphore(%run_scoped3A : memref<!tpu.dma_semaphore, #tpu.memory_space<semaphore_mem>>) src(%dma_wait3A_51 : memref<128x128xf32, #tpu.memory_space<vmem>>) dst(%dma_wait3A_57 : memref<5120x128xf32, #tpu.memory_space<vmem_shared>>)
        tpu.yield
      }) : () -> ()
    }
    %while3A_20 = arith.constant 1 : i32
    scf.for %while3A_21 = %while3A_18 to %while3A_14 step %while3A_20  : i32 {
      %and3A = arith.constant 1 : i32
      %and3A_22 = arith.andi %while3A_21, %and3A : i32
      %dma_wait3A = arith.constant 0 : i32
      %dma_wait3A_23 = arith.constant 0 : i32
      %dma_wait3A_24 = tpu.memref_slice %arg11[%and3A_22, %dma_wait3A, %dma_wait3A_23] : memref<2x128x128xf32, #tpu.memory_space<vmem>> -> memref<1x128x128xf32, #tpu.memory_space<vmem>>
      %dma_wait3A_25 = tpu.memref_squeeze %dma_wait3A_24 : memref<1x128x128xf32, #tpu.memory_space<vmem>> -> memref<128x128xf32, #tpu.memory_space<vmem>>
      %dma_wait3A_26 = arith.constant 0 : i32
      %dma_wait3A_27 = tpu.memref_slice %arg8[%while3A_21, %dma_wait3A_26] : memref<97x128xi32, #tpu.memory_space<vmem>> -> memref<1x128xi32, #tpu.memory_space<vmem>>
      %dma_wait3A_28 = tpu.memref_squeeze %dma_wait3A_27 : memref<1x128xi32, #tpu.memory_space<vmem>> -> memref<128xi32, #tpu.memory_space<vmem>>
      %dma_wait3A_29 = arith.constant 0 : i32
      %dma_wait3A_30 = arith.constant 0 : i32
      %dma_wait3A_31 = tpu.memref_slice %arg2[%dma_wait3A_29, %dma_wait3A_30] : memref<10000x128xf32, #tpu.memory_space<hbm>> -> memref<10000x128xf32, #tpu.memory_space<hbm>>
      %dma_wait3A_32 = tpu.memref_slice %arg13[%and3A_22] : memref<2x!tpu.dma_semaphore, #tpu.memory_space<semaphore_mem>> -> memref<1x!tpu.dma_semaphore, #tpu.memory_space<semaphore_mem>>
      %dma_wait3A_33 = tpu.memref_squeeze %dma_wait3A_32 : memref<1x!tpu.dma_semaphore, #tpu.memory_space<semaphore_mem>> -> memref<!tpu.dma_semaphore, #tpu.memory_space<semaphore_mem>>
      tpu.wait_indirect_dma semaphore(%dma_wait3A_33 : memref<!tpu.dma_semaphore, #tpu.memory_space<semaphore_mem>>) src(%dma_wait3A_31 : memref<10000x128xf32, #tpu.memory_space<hbm>>) dst(%dma_wait3A_25 : memref<128x128xf32, #tpu.memory_space<vmem>>)
      %add3A_34 = arith.constant 1 : i32
      %add3A_35 = arith.addi %while3A_21, %add3A_34 : i32
      %lt3A = arith.cmpi slt, %add3A_35, %shift_right_arithmetic3A_9 : i32
      %convert_element_type3A_36 = arith.extui %lt3A : i1 to i32
      %cond3A_37 = arith.constant 0 : i32
      %cond3A_38 = arith.cmpi ne, %convert_element_type3A_36, %cond3A_37 : i32
      scf.if %cond3A_38 {
        %add3A_39 = arith.constant 1 : i32
        %add3A_40 = arith.addi %while3A_21, %add3A_39 : i32
        %sub3A_41 = arith.constant 1 : i32
        %sub3A_42 = arith.subi %sub3A_41, %and3A_22 : i32
        %sub3A_43 = arith.constant 1 : i32
        %sub3A_44 = arith.subi %sub3A_43, %and3A_22 : i32
        %dma_start3A = arith.constant 0 : i32
        %dma_start3A_45 = arith.constant 0 : i32
        %dma_start3A_46 = tpu.memref_slice %arg11[%sub3A_42, %dma_start3A, %dma_start3A_45] : memref<2x128x128xf32, #tpu.memory_space<vmem>> -> memref<1x128x128xf32, #tpu.memory_space<vmem>>
        %dma_start3A_47 = tpu.memref_squeeze %dma_start3A_46 : memref<1x128x128xf32, #tpu.memory_space<vmem>> -> memref<128x128xf32, #tpu.memory_space<vmem>>
        %dma_start3A_48 = arith.constant 0 : i32
        %dma_start3A_49 = tpu.memref_slice %arg8[%add3A_40, %dma_start3A_48] : memref<97x128xi32, #tpu.memory_space<vmem>> -> memref<1x128xi32, #tpu.memory_space<vmem>>
        %dma_start3A_50 = tpu.memref_squeeze %dma_start3A_49 : memref<1x128xi32, #tpu.memory_space<vmem>> -> memref<128xi32, #tpu.memory_space<vmem>>
        %dma_start3A_51 = arith.constant 0 : i32
        %dma_start3A_52 = arith.constant 0 : i32
        %dma_start3A_53 = tpu.memref_slice %arg2[%dma_start3A_51, %dma_start3A_52] : memref<10000x128xf32, #tpu.memory_space<hbm>> -> memref<10000x128xf32, #tpu.memory_space<hbm>>
        %dma_start3A_54 = tpu.memref_slice %arg13[%sub3A_44] : memref<2x!tpu.dma_semaphore, #tpu.memory_space<semaphore_mem>> -> memref<1x!tpu.dma_semaphore, #tpu.memory_space<semaphore_mem>>
        %dma_start3A_55 = tpu.memref_squeeze %dma_start3A_54 : memref<1x!tpu.dma_semaphore, #tpu.memory_space<semaphore_mem>> -> memref<!tpu.dma_semaphore, #tpu.memory_space<semaphore_mem>>
        tpu.enqueue_indirect_dma source(%dma_start3A_53 : memref<10000x128xf32, #tpu.memory_space<hbm>>) target(%dma_start3A_47 : memref<128x128xf32, #tpu.memory_space<vmem>>) offsets(%dma_start3A_50 : memref<128xi32, #tpu.memory_space<vmem>>) semaphore(%dma_start3A_55 : memref<!tpu.dma_semaphore, #tpu.memory_space<semaphore_mem>>)
      } else {
      }
      "tpu.region"() ({
        %run_scoped3A = tpu.sem_alloc : memref<!tpu.dma_semaphore, #tpu.memory_space<semaphore_mem>>
        %dma_start3A = arith.constant 0 : i32
        %dma_start3A_39 = arith.constant 0 : i32
        %dma_start3A_40 = tpu.memref_slice %arg11[%and3A_22, %dma_start3A, %dma_start3A_39] : memref<2x128x128xf32, #tpu.memory_space<vmem>> -> memref<1x128x128xf32, #tpu.memory_space<vmem>>
        %dma_start3A_41 = tpu.memref_squeeze %dma_start3A_40 : memref<1x128x128xf32, #tpu.memory_space<vmem>> -> memref<128x128xf32, #tpu.memory_space<vmem>>
        %dma_start3A_42 = arith.constant 0 : i32
        %dma_start3A_43 = tpu.memref_slice %arg9[%while3A_21, %dma_start3A_42] : memref<97x128xi32, #tpu.memory_space<vmem>> -> memref<1x128xi32, #tpu.memory_space<vmem>>
        %dma_start3A_44 = tpu.memref_squeeze %dma_start3A_43 : memref<1x128xi32, #tpu.memory_space<vmem>> -> memref<128xi32, #tpu.memory_space<vmem>>
        %dma_start3A_45 = arith.constant 0 : i32
        %dma_start3A_46 = arith.constant 0 : i32
        %dma_start3A_47 = tpu.memref_slice %arg12[%dma_start3A_45, %dma_start3A_46] : memref<5120x128xf32, #tpu.memory_space<vmem_shared>> -> memref<5120x128xf32, #tpu.memory_space<vmem_shared>>
        tpu.enqueue_indirect_dma source(%dma_start3A_41 : memref<128x128xf32, #tpu.memory_space<vmem>>) target(%dma_start3A_47 : memref<5120x128xf32, #tpu.memory_space<vmem_shared>>) offsets(%dma_start3A_44 : memref<128xi32, #tpu.memory_space<vmem>>) semaphore(%run_scoped3A : memref<!tpu.dma_semaphore, #tpu.memory_space<semaphore_mem>>) {add = true}
        %dma_wait3A_48 = arith.constant 0 : i32
        %dma_wait3A_49 = arith.constant 0 : i32
        %dma_wait3A_50 = tpu.memref_slice %arg11[%and3A_22, %dma_wait3A_48, %dma_wait3A_49] : memref<2x128x128xf32, #tpu.memory_space<vmem>> -> memref<1x128x128xf32, #tpu.memory_space<vmem>>
        %dma_wait3A_51 = tpu.memref_squeeze %dma_wait3A_50 : memref<1x128x128xf32, #tpu.memory_space<vmem>> -> memref<128x128xf32, #tpu.memory_space<vmem>>
        %dma_wait3A_52 = arith.constant 0 : i32
        %dma_wait3A_53 = tpu.memref_slice %arg9[%while3A_21, %dma_wait3A_52] : memref<97x128xi32, #tpu.memory_space<vmem>> -> memref<1x128xi32, #tpu.memory_space<vmem>>
        %dma_wait3A_54 = tpu.memref_squeeze %dma_wait3A_53 : memref<1x128xi32, #tpu.memory_space<vmem>> -> memref<128xi32, #tpu.memory_space<vmem>>
        %dma_wait3A_55 = arith.constant 0 : i32
        %dma_wait3A_56 = arith.constant 0 : i32
        %dma_wait3A_57 = tpu.memref_slice %arg12[%dma_wait3A_55, %dma_wait3A_56] : memref<5120x128xf32, #tpu.memory_space<vmem_shared>> -> memref<5120x128xf32, #tpu.memory_space<vmem_shared>>
        tpu.wait_indirect_dma semaphore(%run_scoped3A : memref<!tpu.dma_semaphore, #tpu.memory_space<semaphore_mem>>) src(%dma_wait3A_51 : memref<128x128xf32, #tpu.memory_space<vmem>>) dst(%dma_wait3A_57 : memref<5120x128xf32, #tpu.memory_space<vmem_shared>>)
        tpu.yield
      }) : () -> ()
    }
    "tpu.region"() ({
      %run_scoped3A = tpu.sem_alloc : memref<!tpu.dma_semaphore, #tpu.memory_space<semaphore_mem>>
      %dma_start3A = arith.constant 0 : i32
      %dma_start3A_21 = arith.constant 0 : i32
      %dma_start3A_22 = tpu.memref_slice %arg7[%add3A, %dma_start3A, %dma_start3A_21] : memref<32x316x128xf32, #tpu.memory_space<hbm>> -> memref<1x316x128xf32, #tpu.memory_space<hbm>>
      %dma_start3A_23 = tpu.memref_squeeze %dma_start3A_22 : memref<1x316x128xf32, #tpu.memory_space<hbm>> -> memref<316x128xf32, #tpu.memory_space<hbm>>
      %dma_start3A_24 = arith.constant 0 : i32
      %dma_start3A_25 = tpu.memref_slice %arg12[%mul3A_2, %dma_start3A_24] : memref<5120x128xf32, #tpu.memory_space<vmem_shared>> -> memref<316x128xf32, #tpu.memory_space<vmem_shared>>
      tpu.enqueue_dma source(%dma_start3A_25 : memref<316x128xf32, #tpu.memory_space<vmem_shared>>) target(%dma_start3A_23 : memref<316x128xf32, #tpu.memory_space<hbm>>) target_semaphore(%run_scoped3A : memref<!tpu.dma_semaphore, #tpu.memory_space<semaphore_mem>>)
      %dma_wait3A = arith.constant 0 : i32
      %dma_wait3A_26 = arith.constant 0 : i32
      %dma_wait3A_27 = tpu.memref_slice %arg7[%add3A, %dma_wait3A, %dma_wait3A_26] : memref<32x316x128xf32, #tpu.memory_space<hbm>> -> memref<1x316x128xf32, #tpu.memory_space<hbm>>
      %dma_wait3A_28 = tpu.memref_squeeze %dma_wait3A_27 : memref<1x316x128xf32, #tpu.memory_space<hbm>> -> memref<316x128xf32, #tpu.memory_space<hbm>>
      %dma_wait3A_29 = arith.constant 0 : i32
      %dma_wait3A_30 = tpu.memref_slice %arg12[%mul3A_2, %dma_wait3A_29] : memref<5120x128xf32, #tpu.memory_space<vmem_shared>> -> memref<316x128xf32, #tpu.memory_space<vmem_shared>>
      tpu.wait_dma2 semaphore(%run_scoped3A : memref<!tpu.dma_semaphore, #tpu.memory_space<semaphore_mem>>) src(%dma_wait3A_30 : memref<316x128xf32, #tpu.memory_space<vmem_shared>>) dst(%dma_wait3A_28 : memref<316x128xf32, #tpu.memory_space<hbm>>)
      tpu.yield
    }) : () -> ()
    return
  }
}

module attributes {stable_mosaic.version = 14 : i64} {
  func.func @body(%arg0: i32, %arg1: memref<2000x128xf32, #tpu.memory_space<vmem>>, %arg2: memref<2000x128xf32, #tpu.memory_space<vmem>>, %arg3: memref<128x128xf32, #tpu.memory_space<vmem>>, %arg4: memref<2000x1xf32, #tpu.memory_space<vmem>>, %arg5: memref<2000x128xf32, #tpu.memory_space<vmem>>) attributes {dimension_semantics = [#tpu.dimension_semantics<arbitrary>], iteration_bounds = array<i64: 5>, scalar_prefetch = 0 : i64, scratch_operands = 0 : i64, tpu.core_type = #tpu.core_type<tc>, window_params = [{transform_indices = @transform_0, window_bounds = array<i64: 2000, 128>}, {transform_indices = @transform_1, window_bounds = array<i64: 2000, 128>}, {pipeline_mode = #tpu.pipeline_mode<synchronous>, transform_indices = @transform_2, window_bounds = array<i64: 128, 128>}, {transform_indices = @transform_3, window_bounds = array<i64: 2000, 1>}, {transform_indices = @transform_4, window_bounds = array<i64: 2000, 128>}]} {
    %get3A = arith.constant 0 : index
    %get3A_0 = arith.constant 0 : index
    %get3A_1 = vector.load %arg1[%get3A, %get3A_0] : memref<2000x128xf32, #tpu.memory_space<vmem>>, vector<2000x128xf32>
    %slice3A = vector.extract_strided_slice %get3A_1 {offsets = [0, 0], sizes = [2000, 1], strides = [1, 1]} : vector<2000x128xf32> to vector<2000x1xf32>
    %add3A = arith.constant 1.000000e+00 : f32
    %add3A_2 = vector.broadcast %add3A : f32 to vector<2000x1xf32>
    %add3A_3 = arith.addf %slice3A, %add3A_2 : vector<2000x1xf32>
    %sqrt3A = math.sqrt %add3A_3 : vector<2000x1xf32>
    %div3A = arith.constant 1.000000e+00 : f32
    %div3A_4 = vector.broadcast %div3A : f32 to vector<2000x1xf32>
    %div3A_5 = arith.divf %div3A_4, %sqrt3A : vector<2000x1xf32>
    %swap3A = arith.constant 0 : index
    %swap3A_6 = arith.constant 0 : index
    %swap3A_7 = vector.load %arg4[%swap3A, %swap3A_6] : memref<2000x1xf32, #tpu.memory_space<vmem>>, vector<2000x1xf32>
    tpu.vector_store %arg4[%swap3A, %swap3A_6], %div3A_5 {strides = array<i32>} : memref<2000x1xf32, #tpu.memory_space<vmem>>, vector<2000x1xf32>,
    %get3A_8 = arith.constant 0 : index
    %get3A_9 = arith.constant 0 : index
    %get3A_10 = vector.load %arg2[%get3A_8, %get3A_9] : memref<2000x128xf32, #tpu.memory_space<vmem>>, vector<2000x128xf32>
    %get3A_11 = arith.constant 0 : index
    %get3A_12 = arith.constant 0 : index
    %get3A_13 = vector.load %arg3[%get3A_11, %get3A_12] : memref<128x128xf32, #tpu.memory_space<vmem>>, vector<128x128xf32>
    %dot_general3A = arith.constant dense<0.000000e+00> : vector<2000x128xf32>
    %dot_general3A_14 = tpu.matmul %get3A_10, %get3A_13, %dot_general3A {dimension_numbers = #tpu.dot_dimension_numbers<[1], [0], [0], [1], [0, 0, 1, 1], [], []>, transpose_lhs_hint = false} : vector<2000x128xf32>, vector<128x128xf32>, vector<2000x128xf32> -> vector<2000x128xf32>
    %mul3A = vector.broadcast %div3A_5 : vector<2000x1xf32> to vector<2000x128xf32>
    %mul3A_15 = arith.mulf %dot_general3A_14, %mul3A : vector<2000x128xf32>
    %swap3A_16 = arith.constant 0 : index
    %swap3A_17 = arith.constant 0 : index
    %swap3A_18 = vector.load %arg5[%swap3A_16, %swap3A_17] : memref<2000x128xf32, #tpu.memory_space<vmem>>, vector<2000x128xf32>
    tpu.vector_store %arg5[%swap3A_16, %swap3A_17], %mul3A_15 {strides = array<i32>} : memref<2000x128xf32, #tpu.memory_space<vmem>>, vector<2000x128xf32>,
    return
  }
  func.func @transform_0(%arg0: i32) -> (i32, i32) {
    %c0_i32 = arith.constant 0 : i32
    %c0_i32_0 = arith.constant 0 : i32
    return %arg0, %c0_i32 : i32, i32
  }
  func.func @transform_1(%arg0: i32) -> (i32, i32) {
    %c0_i32 = arith.constant 0 : i32
    %c0_i32_0 = arith.constant 0 : i32
    return %arg0, %c0_i32 : i32, i32
  }
  func.func @transform_2(%arg0: i32) -> (i32, i32) {
    %c0_i32 = arith.constant 0 : i32
    %c0_i32_0 = arith.constant 0 : i32
    %c0_i32_1 = arith.constant 0 : i32
    return %c0_i32, %c0_i32_0 : i32, i32
  }
  func.func @transform_3(%arg0: i32) -> (i32, i32) {
    %c0_i32 = arith.constant 0 : i32
    %c0_i32_0 = arith.constant 0 : i32
    return %arg0, %c0_i32 : i32, i32
  }
  func.func @transform_4(%arg0: i32) -> (i32, i32) {
    %c0_i32 = arith.constant 0 : i32
    %c0_i32_0 = arith.constant 0 : i32
    return %arg0, %c0_i32 : i32, i32
  }
}

module attributes {stable_mosaic.version = 14 : i64} {
  func.func @body(%arg0: i32, %arg1: memref<2000x128xf32, #tpu.memory_space<vmem>>, %arg2: memref<2000x128xf32, #tpu.memory_space<vmem>>, %arg3: memref<2000x1xf32, #tpu.memory_space<vmem>>, %arg4: memref<1x128xf32, #tpu.memory_space<vmem>>, %arg5: memref<1x128xf32, #tpu.memory_space<vmem>>, %arg6: memref<1x128xf32, #tpu.memory_space<vmem>>, %arg7: memref<128x128xf32, #tpu.memory_space<vmem>>, %arg8: memref<2000x128xf32, #tpu.memory_space<vmem>>) attributes {dimension_semantics = [#tpu.dimension_semantics<arbitrary>], iteration_bounds = array<i64: 5>, scalar_prefetch = 0 : i64, scratch_operands = 0 : i64, tpu.core_type = #tpu.core_type<tc>, window_params = [{transform_indices = @transform_0, window_bounds = array<i64: 2000, 128>}, {transform_indices = @transform_1, window_bounds = array<i64: 2000, 128>}, {transform_indices = @transform_2, window_bounds = array<i64: 2000, 1>}, {pipeline_mode = #tpu.pipeline_mode<synchronous>, transform_indices = @transform_3, window_bounds = array<i64: 1, 128>}, {pipeline_mode = #tpu.pipeline_mode<synchronous>, transform_indices = @transform_4, window_bounds = array<i64: 1, 128>}, {pipeline_mode = #tpu.pipeline_mode<synchronous>, transform_indices = @transform_5, window_bounds = array<i64: 1, 128>}, {pipeline_mode = #tpu.pipeline_mode<synchronous>, transform_indices = @transform_6, window_bounds = array<i64: 128, 128>}, {transform_indices = @transform_7, window_bounds = array<i64: 2000, 128>}]} {
    %get3A = arith.constant 0 : index
    %get3A_0 = arith.constant 0 : index
    %get3A_1 = vector.load %arg3[%get3A, %get3A_0] : memref<2000x1xf32, #tpu.memory_space<vmem>>, vector<2000x1xf32>
    %get3A_2 = arith.constant 0 : index
    %get3A_3 = arith.constant 0 : index
    %get3A_4 = vector.load %arg1[%get3A_2, %get3A_3] : memref<2000x128xf32, #tpu.memory_space<vmem>>, vector<2000x128xf32>
    %get3A_5 = arith.constant 0 : index
    %get3A_6 = arith.constant 0 : index
    %get3A_7 = vector.load %arg2[%get3A_5, %get3A_6] : memref<2000x128xf32, #tpu.memory_space<vmem>>, vector<2000x128xf32>
    %add3A = arith.addf %get3A_4, %get3A_7 : vector<2000x128xf32>
    %mul3A = vector.broadcast %get3A_1 : vector<2000x1xf32> to vector<2000x128xf32>
    %mul3A_8 = arith.mulf %add3A, %mul3A : vector<2000x128xf32>
    %get3A_9 = arith.constant 0 : index
    %get3A_10 = arith.constant 0 : index
    %get3A_11 = vector.load %arg4[%get3A_9, %get3A_10] : memref<1x128xf32, #tpu.memory_space<vmem>>, vector<1x128xf32>
    %add3A_12 = vector.broadcast %get3A_11 : vector<1x128xf32> to vector<2000x128xf32>
    %add3A_13 = arith.addf %mul3A_8, %add3A_12 : vector<2000x128xf32>
    %get3A_14 = arith.constant 0 : index
    %get3A_15 = arith.constant 0 : index
    %get3A_16 = vector.load %arg5[%get3A_14, %get3A_15] : memref<1x128xf32, #tpu.memory_space<vmem>>, vector<1x128xf32>
    %get3A_17 = arith.constant 0 : index
    %get3A_18 = arith.constant 0 : index
    %get3A_19 = vector.load %arg6[%get3A_17, %get3A_18] : memref<1x128xf32, #tpu.memory_space<vmem>>, vector<1x128xf32>
    %reduce_sum3A = arith.constant dense<0.000000e+00> : vector<2000xf32>
    %reduce_sum3A_20 = vector.multi_reduction <add>, %add3A_13, %reduce_sum3A [1] : vector<2000x128xf32> to vector<2000xf32>
    %broadcast_in_dim3A = vector.shape_cast %reduce_sum3A_20 : vector<2000xf32> to vector<2000x1xf32>
    %div3A = arith.constant 1.280000e+02 : f32
    %div3A_21 = vector.broadcast %div3A : f32 to vector<2000x1xf32>
    %div3A_22 = arith.divf %broadcast_in_dim3A, %div3A_21 : vector<2000x1xf32>
    %sub3A = vector.broadcast %div3A_22 : vector<2000x1xf32> to vector<2000x128xf32>
    %sub3A_23 = arith.subf %add3A_13, %sub3A : vector<2000x128xf32>
    %integer_pow3A = arith.mulf %sub3A_23, %sub3A_23 : vector<2000x128xf32>
    %reduce_sum3A_24 = arith.constant dense<0.000000e+00> : vector<2000xf32>
    %reduce_sum3A_25 = vector.multi_reduction <add>, %integer_pow3A, %reduce_sum3A_24 [1] : vector<2000x128xf32> to vector<2000xf32>
    %broadcast_in_dim3A_26 = vector.shape_cast %reduce_sum3A_25 : vector<2000xf32> to vector<2000x1xf32>
    %div3A_27 = arith.constant 1.280000e+02 : f32
    %div3A_28 = vector.broadcast %div3A_27 : f32 to vector<2000x1xf32>
    %div3A_29 = arith.divf %broadcast_in_dim3A_26, %div3A_28 : vector<2000x1xf32>
    %sub3A_30 = vector.broadcast %div3A_22 : vector<2000x1xf32> to vector<2000x128xf32>
    %sub3A_31 = arith.subf %add3A_13, %sub3A_30 : vector<2000x128xf32>
    %add3A_32 = arith.constant 9.99999974E-6 : f32
    %add3A_33 = vector.broadcast %add3A_32 : f32 to vector<2000x1xf32>
    %add3A_34 = arith.addf %div3A_29, %add3A_33 : vector<2000x1xf32>
    %sqrt3A = math.sqrt %add3A_34 : vector<2000x1xf32>
    %div3A_35 = vector.broadcast %sqrt3A : vector<2000x1xf32> to vector<2000x128xf32>
    %div3A_36 = arith.divf %sub3A_31, %div3A_35 : vector<2000x128xf32>
    %mul3A_37 = vector.broadcast %get3A_16 : vector<1x128xf32> to vector<2000x128xf32>
    %mul3A_38 = arith.mulf %div3A_36, %mul3A_37 : vector<2000x128xf32>
    %add3A_39 = vector.broadcast %get3A_19 : vector<1x128xf32> to vector<2000x128xf32>
    %add3A_40 = arith.addf %mul3A_38, %add3A_39 : vector<2000x128xf32>
    %max3A = arith.constant 0.000000e+00 : f32
    %max3A_41 = vector.broadcast %max3A : f32 to vector<2000x128xf32>
    %max3A_42 = arith.maximumf %add3A_40, %max3A_41 : vector<2000x128xf32>
    %get3A_43 = arith.constant 0 : index
    %get3A_44 = arith.constant 0 : index
    %get3A_45 = vector.load %arg7[%get3A_43, %get3A_44] : memref<128x128xf32, #tpu.memory_space<vmem>>, vector<128x128xf32>
    %dot_general3A = arith.constant dense<0.000000e+00> : vector<2000x128xf32>
    %dot_general3A_46 = tpu.matmul %max3A_42, %get3A_45, %dot_general3A {dimension_numbers = #tpu.dot_dimension_numbers<[1], [0], [0], [1], [0, 0, 1, 1], [], []>, transpose_lhs_hint = false} : vector<2000x128xf32>, vector<128x128xf32>, vector<2000x128xf32> -> vector<2000x128xf32>
    %mul3A_47 = vector.broadcast %get3A_1 : vector<2000x1xf32> to vector<2000x128xf32>
    %mul3A_48 = arith.mulf %dot_general3A_46, %mul3A_47 : vector<2000x128xf32>
    %swap3A = arith.constant 0 : index
    %swap3A_49 = arith.constant 0 : index
    %swap3A_50 = vector.load %arg8[%swap3A, %swap3A_49] : memref<2000x128xf32, #tpu.memory_space<vmem>>, vector<2000x128xf32>
    tpu.vector_store %arg8[%swap3A, %swap3A_49], %mul3A_48 {strides = array<i32>} : memref<2000x128xf32, #tpu.memory_space<vmem>>, vector<2000x128xf32>,
    return
  }
  func.func @transform_0(%arg0: i32) -> (i32, i32) {
    %c0_i32 = arith.constant 0 : i32
    %c0_i32_0 = arith.constant 0 : i32
    return %arg0, %c0_i32 : i32, i32
  }
  func.func @transform_1(%arg0: i32) -> (i32, i32) {
    %c0_i32 = arith.constant 0 : i32
    %c0_i32_0 = arith.constant 0 : i32
    return %arg0, %c0_i32 : i32, i32
  }
  func.func @transform_2(%arg0: i32) -> (i32, i32) {
    %c0_i32 = arith.constant 0 : i32
    %c0_i32_0 = arith.constant 0 : i32
    return %arg0, %c0_i32 : i32, i32
  }
  func.func @transform_3(%arg0: i32) -> (i32, i32) {
    %c0_i32 = arith.constant 0 : i32
    %c0_i32_0 = arith.constant 0 : i32
    %c0_i32_1 = arith.constant 0 : i32
    return %c0_i32, %c0_i32_0 : i32, i32
  }
  func.func @transform_4(%arg0: i32) -> (i32, i32) {
    %c0_i32 = arith.constant 0 : i32
    %c0_i32_0 = arith.constant 0 : i32
    %c0_i32_1 = arith.constant 0 : i32
    return %c0_i32, %c0_i32_0 : i32, i32
  }
  func.func @transform_5(%arg0: i32) -> (i32, i32) {
    %c0_i32 = arith.constant 0 : i32
    %c0_i32_0 = arith.constant 0 : i32
    %c0_i32_1 = arith.constant 0 : i32
    return %c0_i32, %c0_i32_0 : i32, i32
  }
  func.func @transform_6(%arg0: i32) -> (i32, i32) {
    %c0_i32 = arith.constant 0 : i32
    %c0_i32_0 = arith.constant 0 : i32
    %c0_i32_1 = arith.constant 0 : i32
    return %c0_i32, %c0_i32_0 : i32, i32
  }
  func.func @transform_7(%arg0: i32) -> (i32, i32) {
    %c0_i32 = arith.constant 0 : i32
    %c0_i32_0 = arith.constant 0 : i32
    return %arg0, %c0_i32 : i32, i32
  }
}

module attributes {stable_mosaic.version = 14 : i64} {
  func.func @body(%arg0: i32, %arg1: memref<2000x128xf32, #tpu.memory_space<vmem>>, %arg2: memref<2000x128xf32, #tpu.memory_space<vmem>>, %arg3: memref<2000x1xf32, #tpu.memory_space<vmem>>, %arg4: memref<1x128xf32, #tpu.memory_space<vmem>>, %arg5: memref<1x128xf32, #tpu.memory_space<vmem>>, %arg6: memref<1x128xf32, #tpu.memory_space<vmem>>, %arg7: memref<128x64xf32, #tpu.memory_space<vmem>>, %arg8: memref<1x64xf32, #tpu.memory_space<vmem>>, %arg9: memref<64x2xf32, #tpu.memory_space<vmem>>, %arg10: memref<1x2xf32, #tpu.memory_space<vmem>>, %arg11: memref<1x2xf32, #tpu.memory_space<vmem>>, %arg12: memref<1x128xf32, #tpu.memory_space<vmem>>) attributes {dimension_semantics = [#tpu.dimension_semantics<arbitrary>], iteration_bounds = array<i64: 5>, scalar_prefetch = 0 : i64, scratch_operands = 1 : i64, tpu.core_type = #tpu.core_type<tc>, window_params = [{transform_indices = @transform_0, window_bounds = array<i64: 2000, 128>}, {transform_indices = @transform_1, window_bounds = array<i64: 2000, 128>}, {transform_indices = @transform_2, window_bounds = array<i64: 2000, 1>}, {pipeline_mode = #tpu.pipeline_mode<synchronous>, transform_indices = @transform_3, window_bounds = array<i64: 1, 128>}, {pipeline_mode = #tpu.pipeline_mode<synchronous>, transform_indices = @transform_4, window_bounds = array<i64: 1, 128>}, {pipeline_mode = #tpu.pipeline_mode<synchronous>, transform_indices = @transform_5, window_bounds = array<i64: 1, 128>}, {pipeline_mode = #tpu.pipeline_mode<synchronous>, transform_indices = @transform_6, window_bounds = array<i64: 128, 64>}, {pipeline_mode = #tpu.pipeline_mode<synchronous>, transform_indices = @transform_7, window_bounds = array<i64: 1, 64>}, {pipeline_mode = #tpu.pipeline_mode<synchronous>, transform_indices = @transform_8, window_bounds = array<i64: 64, 2>}, {pipeline_mode = #tpu.pipeline_mode<synchronous>, transform_indices = @transform_9, window_bounds = array<i64: 1, 2>}, {pipeline_mode = #tpu.pipeline_mode<synchronous>, transform_indices = @transform_10, window_bounds = array<i64: 1, 2>}]} {
    %get3A = arith.constant 0 : index
    %get3A_0 = arith.constant 0 : index
    %get3A_1 = vector.load %arg1[%get3A, %get3A_0] : memref<2000x128xf32, #tpu.memory_space<vmem>>, vector<2000x128xf32>
    %get3A_2 = arith.constant 0 : index
    %get3A_3 = arith.constant 0 : index
    %get3A_4 = vector.load %arg2[%get3A_2, %get3A_3] : memref<2000x128xf32, #tpu.memory_space<vmem>>, vector<2000x128xf32>
    %add3A = arith.addf %get3A_1, %get3A_4 : vector<2000x128xf32>
    %get3A_5 = arith.constant 0 : index
    %get3A_6 = arith.constant 0 : index
    %get3A_7 = vector.load %arg3[%get3A_5, %get3A_6] : memref<2000x1xf32, #tpu.memory_space<vmem>>, vector<2000x1xf32>
    %mul3A = vector.broadcast %get3A_7 : vector<2000x1xf32> to vector<2000x128xf32>
    %mul3A_8 = arith.mulf %add3A, %mul3A : vector<2000x128xf32>
    %get3A_9 = arith.constant 0 : index
    %get3A_10 = arith.constant 0 : index
    %get3A_11 = vector.load %arg4[%get3A_9, %get3A_10] : memref<1x128xf32, #tpu.memory_space<vmem>>, vector<1x128xf32>
    %add3A_12 = vector.broadcast %get3A_11 : vector<1x128xf32> to vector<2000x128xf32>
    %add3A_13 = arith.addf %mul3A_8, %add3A_12 : vector<2000x128xf32>
    %get3A_14 = arith.constant 0 : index
    %get3A_15 = arith.constant 0 : index
    %get3A_16 = vector.load %arg5[%get3A_14, %get3A_15] : memref<1x128xf32, #tpu.memory_space<vmem>>, vector<1x128xf32>
    %get3A_17 = arith.constant 0 : index
    %get3A_18 = arith.constant 0 : index
    %get3A_19 = vector.load %arg6[%get3A_17, %get3A_18] : memref<1x128xf32, #tpu.memory_space<vmem>>, vector<1x128xf32>
    %reduce_sum3A = arith.constant dense<0.000000e+00> : vector<2000xf32>
    %reduce_sum3A_20 = vector.multi_reduction <add>, %add3A_13, %reduce_sum3A [1] : vector<2000x128xf32> to vector<2000xf32>
    %broadcast_in_dim3A = vector.shape_cast %reduce_sum3A_20 : vector<2000xf32> to vector<2000x1xf32>
    %div3A = arith.constant 1.280000e+02 : f32
    %div3A_21 = vector.broadcast %div3A : f32 to vector<2000x1xf32>
    %div3A_22 = arith.divf %broadcast_in_dim3A, %div3A_21 : vector<2000x1xf32>
    %sub3A = vector.broadcast %div3A_22 : vector<2000x1xf32> to vector<2000x128xf32>
    %sub3A_23 = arith.subf %add3A_13, %sub3A : vector<2000x128xf32>
    %integer_pow3A = arith.mulf %sub3A_23, %sub3A_23 : vector<2000x128xf32>
    %reduce_sum3A_24 = arith.constant dense<0.000000e+00> : vector<2000xf32>
    %reduce_sum3A_25 = vector.multi_reduction <add>, %integer_pow3A, %reduce_sum3A_24 [1] : vector<2000x128xf32> to vector<2000xf32>
    %broadcast_in_dim3A_26 = vector.shape_cast %reduce_sum3A_25 : vector<2000xf32> to vector<2000x1xf32>
    %div3A_27 = arith.constant 1.280000e+02 : f32
    %div3A_28 = vector.broadcast %div3A_27 : f32 to vector<2000x1xf32>
    %div3A_29 = arith.divf %broadcast_in_dim3A_26, %div3A_28 : vector<2000x1xf32>
    %sub3A_30 = vector.broadcast %div3A_22 : vector<2000x1xf32> to vector<2000x128xf32>
    %sub3A_31 = arith.subf %add3A_13, %sub3A_30 : vector<2000x128xf32>
    %add3A_32 = arith.constant 9.99999974E-6 : f32
    %add3A_33 = vector.broadcast %add3A_32 : f32 to vector<2000x1xf32>
    %add3A_34 = arith.addf %div3A_29, %add3A_33 : vector<2000x1xf32>
    %sqrt3A = math.sqrt %add3A_34 : vector<2000x1xf32>
    %div3A_35 = vector.broadcast %sqrt3A : vector<2000x1xf32> to vector<2000x128xf32>
    %div3A_36 = arith.divf %sub3A_31, %div3A_35 : vector<2000x128xf32>
    %mul3A_37 = vector.broadcast %get3A_16 : vector<1x128xf32> to vector<2000x128xf32>
    %mul3A_38 = arith.mulf %div3A_36, %mul3A_37 : vector<2000x128xf32>
    %add3A_39 = vector.broadcast %get3A_19 : vector<1x128xf32> to vector<2000x128xf32>
    %add3A_40 = arith.addf %mul3A_38, %add3A_39 : vector<2000x128xf32>
    %max3A = arith.constant 0.000000e+00 : f32
    %max3A_41 = vector.broadcast %max3A : f32 to vector<2000x128xf32>
    %max3A_42 = arith.maximumf %add3A_40, %max3A_41 : vector<2000x128xf32>
    %reduce_sum3A_43 = arith.constant dense<0.000000e+00> : vector<128xf32>
    %reduce_sum3A_44 = vector.multi_reduction <add>, %max3A_42, %reduce_sum3A_43 [0] : vector<2000x128xf32> to vector<128xf32>
    %broadcast_in_dim3A_45 = vector.shape_cast %reduce_sum3A_44 : vector<128xf32> to vector<1x128xf32>
    %eq3A = arith.constant 0 : i32
    %eq3A_46 = arith.cmpi eq, %arg0, %eq3A : i32
    %convert_element_type3A = arith.extui %eq3A_46 : i1 to i32
    %cond3A = arith.constant 0 : i32
    %cond3A_47 = arith.cmpi ne, %convert_element_type3A, %cond3A : i32
    scf.if %cond3A_47 {
      %swap3A = arith.constant 0 : index
      %swap3A_57 = arith.constant 0 : index
      %swap3A_58 = vector.load %arg12[%swap3A, %swap3A_57] : memref<1x128xf32, #tpu.memory_space<vmem>>, vector<1x128xf32>
      tpu.vector_store %arg12[%swap3A, %swap3A_57], %broadcast_in_dim3A_45 {strides = array<i32>} : memref<1x128xf32, #tpu.memory_space<vmem>>, vector<1x128xf32>,
    } else {
    }
    %gt3A = arith.constant 0 : i32
    %gt3A_48 = arith.cmpi sgt, %arg0, %gt3A : i32
    %convert_element_type3A_49 = arith.extui %gt3A_48 : i1 to i32
    %cond3A_50 = arith.constant 0 : i32
    %cond3A_51 = arith.cmpi ne, %convert_element_type3A_49, %cond3A_50 : i32
    scf.if %cond3A_51 {
      %get3A_57 = arith.constant 0 : index
      %get3A_58 = arith.constant 0 : index
      %get3A_59 = vector.load %arg12[%get3A_57, %get3A_58] : memref<1x128xf32, #tpu.memory_space<vmem>>, vector<1x128xf32>
      %add3A_60 = arith.addf %get3A_59, %broadcast_in_dim3A_45 : vector<1x128xf32>
      %swap3A = arith.constant 0 : index
      %swap3A_61 = arith.constant 0 : index
      %swap3A_62 = vector.load %arg12[%swap3A, %swap3A_61] : memref<1x128xf32, #tpu.memory_space<vmem>>, vector<1x128xf32>
      tpu.vector_store %arg12[%swap3A, %swap3A_61], %add3A_60 {strides = array<i32>} : memref<1x128xf32, #tpu.memory_space<vmem>>, vector<1x128xf32>,
    } else {
    }
    %eq3A_52 = arith.constant 4 : i32
    %eq3A_53 = arith.cmpi eq, %arg0, %eq3A_52 : i32
    %convert_element_type3A_54 = arith.extui %eq3A_53 : i1 to i32
    %cond3A_55 = arith.constant 0 : i32
    %cond3A_56 = arith.cmpi ne, %convert_element_type3A_54, %cond3A_55 : i32
    scf.if %cond3A_56 {
      %get3A_57 = arith.constant 0 : index
      %get3A_58 = arith.constant 0 : index
      %get3A_59 = vector.load %arg12[%get3A_57, %get3A_58] : memref<1x128xf32, #tpu.memory_space<vmem>>, vector<1x128xf32>
      %mul3A_60 = arith.constant 9.99999974E-5 : f32
      %mul3A_61 = vector.broadcast %mul3A_60 : f32 to vector<1x128xf32>
      %mul3A_62 = arith.mulf %get3A_59, %mul3A_61 : vector<1x128xf32>
      %get3A_63 = arith.constant 0 : index
      %get3A_64 = arith.constant 0 : index
      %get3A_65 = vector.load %arg7[%get3A_63, %get3A_64] : memref<128x64xf32, #tpu.memory_space<vmem>>, vector<128x64xf32>
      %dot_general3A = arith.constant dense<0.000000e+00> : vector<1x64xf32>
      %dot_general3A_66 = tpu.matmul %mul3A_62, %get3A_65, %dot_general3A {dimension_numbers = #tpu.dot_dimension_numbers<[1], [0], [0], [1], [0, 0, 1, 1], [], []>, transpose_lhs_hint = false} : vector<1x128xf32>, vector<128x64xf32>, vector<1x64xf32> -> vector<1x64xf32>
      %get3A_67 = arith.constant 0 : index
      %get3A_68 = arith.constant 0 : index
      %get3A_69 = vector.load %arg8[%get3A_67, %get3A_68] : memref<1x64xf32, #tpu.memory_space<vmem>>, vector<1x64xf32>
      %add3A_70 = arith.addf %dot_general3A_66, %get3A_69 : vector<1x64xf32>
      %max3A_71 = arith.constant 0.000000e+00 : f32
      %max3A_72 = vector.broadcast %max3A_71 : f32 to vector<1x64xf32>
      %max3A_73 = arith.maximumf %add3A_70, %max3A_72 : vector<1x64xf32>
      %get3A_74 = arith.constant 0 : index
      %get3A_75 = arith.constant 0 : index
      %get3A_76 = vector.load %arg9[%get3A_74, %get3A_75] : memref<64x2xf32, #tpu.memory_space<vmem>>, vector<64x2xf32>
      %dot_general3A_77 = arith.constant dense<0.000000e+00> : vector<1x2xf32>
      %dot_general3A_78 = tpu.matmul %max3A_73, %get3A_76, %dot_general3A_77 {dimension_numbers = #tpu.dot_dimension_numbers<[1], [0], [0], [1], [0, 0, 1, 1], [], []>, transpose_lhs_hint = false} : vector<1x64xf32>, vector<64x2xf32>, vector<1x2xf32> -> vector<1x2xf32>
      %get3A_79 = arith.constant 0 : index
      %get3A_80 = arith.constant 0 : index
      %get3A_81 = vector.load %arg10[%get3A_79, %get3A_80] : memref<1x2xf32, #tpu.memory_space<vmem>>, vector<1x2xf32>
      %add3A_82 = arith.addf %dot_general3A_78, %get3A_81 : vector<1x2xf32>
      %swap3A = arith.constant 0 : index
      %swap3A_83 = arith.constant 0 : index
      %swap3A_84 = vector.load %arg11[%swap3A, %swap3A_83] : memref<1x2xf32, #tpu.memory_space<vmem>>, vector<1x2xf32>
      tpu.vector_store %arg11[%swap3A, %swap3A_83], %add3A_82 {strides = array<i32>} : memref<1x2xf32, #tpu.memory_space<vmem>>, vector<1x2xf32>,
    } else {
    }
    return
  }
  func.func @transform_0(%arg0: i32) -> (i32, i32) {
    %c0_i32 = arith.constant 0 : i32
    %c0_i32_0 = arith.constant 0 : i32
    return %arg0, %c0_i32 : i32, i32
  }
  func.func @transform_1(%arg0: i32) -> (i32, i32) {
    %c0_i32 = arith.constant 0 : i32
    %c0_i32_0 = arith.constant 0 : i32
    return %arg0, %c0_i32 : i32, i32
  }
  func.func @transform_2(%arg0: i32) -> (i32, i32) {
    %c0_i32 = arith.constant 0 : i32
    %c0_i32_0 = arith.constant 0 : i32
    return %arg0, %c0_i32 : i32, i32
  }
  func.func @transform_3(%arg0: i32) -> (i32, i32) {
    %c0_i32 = arith.constant 0 : i32
    %c0_i32_0 = arith.constant 0 : i32
    %c0_i32_1 = arith.constant 0 : i32
    return %c0_i32, %c0_i32_0 : i32, i32
  }
  func.func @transform_4(%arg0: i32) -> (i32, i32) {
    %c0_i32 = arith.constant 0 : i32
    %c0_i32_0 = arith.constant 0 : i32
    %c0_i32_1 = arith.constant 0 : i32
    return %c0_i32, %c0_i32_0 : i32, i32
  }
  func.func @transform_5(%arg0: i32) -> (i32, i32) {
    %c0_i32 = arith.constant 0 : i32
    %c0_i32_0 = arith.constant 0 : i32
    %c0_i32_1 = arith.constant 0 : i32
    return %c0_i32, %c0_i32_0 : i32, i32
  }
  func.func @transform_6(%arg0: i32) -> (i32, i32) {
    %c0_i32 = arith.constant 0 : i32
    %c0_i32_0 = arith.constant 0 : i32
    %c0_i32_1 = arith.constant 0 : i32
    return %c0_i32, %c0_i32_0 : i32, i32
  }
  func.func @transform_7(%arg0: i32) -> (i32, i32) {
    %c0_i32 = arith.constant 0 : i32
    %c0_i32_0 = arith.constant 0 : i32
    %c0_i32_1 = arith.constant 0 : i32
    return %c0_i32, %c0_i32_0 : i32, i32
  }
  func.func @transform_8(%arg0: i32) -> (i32, i32) {
    %c0_i32 = arith.constant 0 : i32
    %c0_i32_0 = arith.constant 0 : i32
    %c0_i32_1 = arith.constant 0 : i32
    return %c0_i32, %c0_i32_0 : i32, i32
  }
  func.func @transform_9(%arg0: i32) -> (i32, i32) {
    %c0_i32 = arith.constant 0 : i32
    %c0_i32_0 = arith.constant 0 : i32
    %c0_i32_1 = arith.constant 0 : i32
    return %c0_i32, %c0_i32_0 : i32, i32
  }
  func.func @transform_10(%arg0: i32) -> (i32, i32) {
    %c0_i32 = arith.constant 0 : i32
    %c0_i32_0 = arith.constant 0 : i32
    %c0_i32_1 = arith.constant 0 : i32
    return %c0_i32, %c0_i32_0 : i32, i32
  }
}

</mosaic_0001>

<sc_bundles>
// kernel: kernel.11.cloned.1.call-start
scs
__scs_entry_jumppad:
0x0: {  	(pc) =	sbr.rel $0x88, $3  }
0x1: {  	(tag) =	ssettag $0x0;
	lr =	simm.s32 $0x1  }
0x2: {  	[smem:$0x3F8F] =	sst lr;
	_ =	strace $0xD0000000  }
0x3: {  	_ = 	snop  }
0x4: {  	_ = 	snop  }
0x5: {  	_ = 	snop  }
0x6: {  	_ = 	snop  }
0x7: {  	_ = 	snop  }
__scs_overlays_trampoline_lowered:
0x8: {  	[smem:$0x3F9E] =	sst s0  }
0x9: {  	[smem:$0x3F9F] =	sst s1  }
0xa: {  	[smem:$0x3FA0] =	sst s2  }
0xb: {  	[smem:$0x3FA1] =	sst s3  }
0xc: {  	[smem:$0x3FA2] =	sst s4  }
0xd: {  	[smem:$0x3FA3] =	sst s5  }
0xe: {  	[smem:$0x3FA4] =	sst s6  }
0xf: {  	[smem:$0x3FA5] =	sst s7  }
0x10: {  	[smem:$0x3FA6] =	sst s8  }
0x11: {  	[smem:$0x3FA7] =	sst s9;
	s0 =	simm.s32 @!p0 $0x0  }
0x12: {  	s1 =	sld [smem:$0x3F8D];
	s0 =	simm.s32 @p0 $0x1  }
0x13: {  	[smem:$0x3FA8] =	sst s0;
	s0 =	simm.s32 @!p1 $0x0  }
0x14: {  	s2 =	sld [smem:$0x3F8C];
	s0 =	simm.s32 @p1 $0x1  }
0x15: {  	[smem:$0x3FA9] =	sst s0;
	s0 =	simm.s32 @!p2 $0x0  }
0x16: {  	s3 =	sld [smem:$0x3FDB];
	s0 =	simm.s32 @p2 $0x1  }
0x17: {  	s4 =	simm.s32 $0x1BF5;
	[smem:$0x3FAB] =	sst s0  }
0x18: {  	s0 =	sld [smem:$0x3F8E];
	_ =	swait.ge [sflag:s4], $0x0  }
0x19: {  	s7 =	sld [smem:$0x3F8F]  }
0x1a: {  	s8 =	sadd.s32 $0xFFFFE003, lr  }
0x1b: {  	s9 =	sadd.s32 $0xFFFFFEF7, lr;
	s5 =	simm.s32 $0xFFFFFFFF;
	p2 =	slt.u32 s8, $0xFFFFF086  }
0x1c: {  	p1 =	slt.u32 s9, $0xF7A;
	s5 =	simm.s32 @!p2 $0x0  }
0x1d: {  	s5 =	simm.s32 @p1 $0x1;
	p0 =	seq.s32 s7, s2  }
0x1e: {  	s7 =	smul.u32 @!p0 $0xF7A, s2;
	p2 =	seq.s32 @!p0 s5, $0x0  }
0x1f: {  	s9 =	smul.u32 $0xF7A, s1;
	s8 =	simm.s32 @!p0 $0x1BF5;
	p2 =	por !p2, p0  }
0x20: {  	[sflag:s8] =	ssyncset.s32 @!p0 $0xFFFFF086;
	s6 =	sadd.s32 @!p0 s3, s7;
	s7 =	simm.s32 @!p0 $0x108  }
0x21: {  	s3 =	sadd.s32 s3, s9;
	s6 =	sadd.s32 @!p0 $0x88, s6;
	s7 =	simm.s32 @p2 $0x1082  }
0x22: {  	[simem:s7], [sflag:s8] =	dma.local @!p0 [hbm:s6], $0xF7A  }
0x23: {  	s9 =	sor.u32 $0xD0000000, s2;
	s6 =	simm.s32 $0x108;
	_ =	swait.ge @!p0 [sflag:s8], $0x0  }
0x24: {  	s3 =	sadd.s32 $0x88, s3;
	s6 =	simm.s32 @!p1 $0x1082;
	[sflag:s4] =	ssyncset.s32 $0xFFFFF086  }
0x25: {  	[simem:s6], [sflag:s4] =	dma.local [hbm:s3], $0xF7A  }
0x26: {  	[smem:$0x3F8F] =	sst s1;
	(tag) =	ssettag s2;
	_ =	strace s9  }
0x27: {  	s1 =	sld [smem:$0x3F9F]  }
0x28: {  	s2 =	sld [smem:$0x3FA0]  }
0x29: {  	s4 =	sld [smem:$0x3FA2]  }
0x2a: {  	p0 =	seq.s32 s5, $0x0;
	s5 =	sld [smem:$0x3FA3]  }
0x2b: {  	s6 =	sld [smem:$0x3FA4]  }
0x2c: {  	s7 =	sld [smem:$0x3FA5]  }
0x2d: {  	s3 =	simm.s32 $0x108;
	s8 =	sld [smem:$0x3FA6]  }
0x2e: {  	s3 =	simm.s32 @!p0 $0x1082;
	s9 =	sld [smem:$0x3FA7]  }
0x2f: {  	lr =	sadd.s32 s0, s3;
	s0 =	sld [smem:$0x3F9E]  }
0x30: {  	s3 =	sld [smem:$0x3FA1]  }
0x31: {  	[smem:$0x3FAA] =	sst s10  }
0x32: {  	s10 =	sld [smem:$0x3FA8];
	_ =	sdelay $0x3  }
0x33: {  	p0 =	seq.s32 s10, $0x1;
	s10 =	sld [smem:$0x3FAA];
	_ =	sdelay $0x3  }
0x34: {  	[smem:$0x3FAA] =	sst s10  }
0x35: {  	s10 =	sld [smem:$0x3FA9];
	_ =	sdelay $0x3  }
0x36: {  	p1 =	seq.s32 s10, $0x1;
	s10 =	sld [smem:$0x3FAA];
	_ =	sdelay $0x3  }
0x37: {  	[smem:$0x3FAA] =	sst s10  }
0x38: {  	s10 =	sld [smem:$0x3FAB]  }
0x39: {  	_ = 	snop;
	(pc) =	sbr.ind lr, $3  }
0x3a: {  	_ = 	snop  }
0x3b: {  	_ = 	snop  }
0x3c: {  	p2 =	seq.s32 s10, $0x1;
	s10 =	sld [smem:$0x3FAA]  }
0x3d: {  	_ =	shalt  }
0x3e: {  	_ =	shalt  }
0x3f: {  	_ =	shalt  }
0x40: {  	_ =	shalt  }
0x41: {  	_ =	shalt  }
0x42: {  	_ =	shalt  }
0x43: {  	_ =	shalt  }
0x44: {  	_ =	shalt  }
0x45: {  	_ =	shalt  }
0x46: {  	_ =	shalt  }
0x47: {  	_ =	shalt  }
0x48: {  	_ =	shalt  }
0x49: {  	_ =	shalt  }
0x4a: {  	_ =	shalt  }
0x4b: {  	_ =	shalt  }
0x4c: {  	_ =	shalt  }
0x4d: {  	_ =	shalt  }
0x4e: {  	_ =	shalt  }
0x4f: {  	_ =	shalt  }
0x50: {  	_ =	shalt  }
0x51: {  	_ =	shalt  }
0x52: {  	_ =	shalt  }
0x53: {  	_ =	shalt  }
0x54: {  	_ =	shalt  }
0x55: {  	_ =	shalt  }
0x56: {  	_ =	shalt  }
0x57: {  	_ =	shalt  }
0x58: {  	_ =	shalt  }
0x59: {  	_ =	shalt  }
0x5a: {  	_ =	shalt  }
0x5b: {  	_ =	shalt  }
0x5c: {  	_ =	shalt  }
0x5d: {  	_ =	shalt  }
0x5e: {  	_ =	shalt  }
0x5f: {  	_ =	shalt  }
0x60: {  	_ =	shalt  }
0x61: {  	_ =	shalt  }
0x62: {  	_ =	shalt  }
0x63: {  	_ =	shalt  }
0x64: {  	_ =	shalt  }
0x65: {  	_ =	shalt  }
0x66: {  	_ =	shalt  }
0x67: {  	_ =	shalt  }
0x68: {  	_ =	shalt  }
0x69: {  	_ =	shalt  }
0x6a: {  	_ =	shalt  }
0x6b: {  	_ =	shalt  }
0x6c: {  	_ =	shalt  }
0x6d: {  	_ =	shalt  }
0x6e: {  	_ =	shalt  }
0x6f: {  	_ =	shalt  }
0x70: {  	_ =	shalt  }
0x71: {  	_ =	shalt  }
0x72: {  	_ =	shalt  }
0x73: {  	_ =	shalt  }
0x74: {  	_ =	shalt  }
0x75: {  	_ =	shalt  }
0x76: {  	_ =	shalt  }
0x77: {  	_ =	shalt  }
0x78: {  	_ =	shalt  }
0x79: {  	_ =	shalt  }
0x7a: {  	_ =	shalt  }
0x7b: {  	_ =	shalt  }
0x7c: {  	_ =	shalt  }
0x7d: {  	_ =	shalt  }
0x7e: {  	_ =	shalt  }
0x7f: {  	_ =	shalt  }
0x80: {  	_ =	shalt  }
0x81: {  	_ =	shalt  }
0x82: {  	_ =	shalt  }
0x83: {  	_ =	shalt  }
0x84: {  	_ =	shalt  }
0x85: {  	_ =	shalt  }
0x86: {  	_ =	shalt  }
0x87: {  	_ =	shalt  }
.Lfunc_end0:
.L_simem_size_0:
called_computation_lowered:
.L_overlay_start_0:
0x88: {  	s2 =	sld [smem:$0x3FD9]  }
0x89: {  	s3 =	sld [smem:$0x3FFE];
	_ =	sdelay $0x1  }
0x8a: {  	s1 =	srdreg.scid  }
0x8b: {  	s0 =	sand.u32 $0x1, s1  }
0x8c: {  	s16 =	sshll.u32 s0, $0xA;
	s2 =	sadd.s32 s3, s2  }
0x8d: {  	s2 =	sadd.s32 s2, s16  }
0x8e: {  	[smem:$0x3FB6] =	sst s2  }
0x8f: {  	_ = 	snop  }
0x90: {  	(tm) =	ssettm $0x1  }
0x91: {  	s17 =	sld [smem:$0x3FFB];
	_ =	sdelay $0x3  }
0x92: {  	_ =	strace s17  }
0x93: {  	s2 =	sld [smem:$0x3FFC];
	_ =	sdelay $0x3  }
0x94: {  	_ =	strace s2  }
0x95: {  	s2 =	sld [smem:$0x3FFD];
	_ =	sdelay $0x3  }
0x96: {  	_ =	strace s2  }
0x97: {  	_ =	strace $0x8FFFFFFF  }
0x98: {  	s18 =	sld [smem:$0x3FDB];
	_ =	sdelay $0x1  }
0x99: {  	s19 =	simm.s32 $_scs_section_size  }
0x9a: {  	s4 =	simm.s32 $_size__tile_overlayer_lowered;
	s5 =	simm.s32 $_tile_overlayer_lowered  }
0x9b: {  	s22 =	simm.s32 $0x1BFF;
	s21 =	sshll.u32 s5, $0x1;
	s2 =	sadd.s32 s19, s18  }
0x9c: {  	s6 =	simm.s32 $0x0;
	s20 =	sshll.u32 s4, $0x1;
	s4 =	sadd.s32 s21, s2  }
0x9d: {  	[timem:s6], [sflag:s22] =	dma.local [hbm:s4], s20  }
0x9e: {  	_ =	swait.ge [sflag:s22], s20  }
0x9f: {  	s3 =	ssub.s32 $0x0, s20;
	[sflag:s22] =	ssyncset.done $0x0  }
0xa0: {  	[sflag:s22] =	ssyncadd.s32 s3;
	_ =	sdelay $0x1  }
0xa1: {  	s23 =	simm.s32 $0x1B8B  }
0xa2: {  	_ =	swait.ge [sflag:s23], $0x1  }
0xa3: {  	[sflag:s23] =	ssyncset.done $0x0  }
0xa4: {  	s25 =	simm.s32 $0x1B8E;
	s24 =	sld [smem:$0x3FFE];
	[sflag:s23] =	ssyncadd.s32 $0xFFFFFFFF  }
0xa5: {  	s26 =	simm.s32 $execute0_lowered;
	[smem:$0x3FD2] =	sst s25  }
0xa6: {  	s4 =	sshll.u32 s26, $0x1;
	_ =	strace $0x80000046;
	[dreg:$0x1] =	wrdreg $0xFFFFFFFF  }
0xa7: {  	s28 =	simm.s32 $_size_execute0_lowered;
	s2 =	sadd.s32 s2, s4;
	[dreg:$0x0] =	wrdreg $0x0  }
0xa8: {  	s4 =	sshll.u32 s28, $0x1;
	[dreg:$0x2] =	wrdreg s2  }
0xa9: {  	[dreg:$0x3] =	wrdreg s4  }
0xaa: {  	[dreg:$0x4] =	wrdreg $0xC0  }
0xab: {  	_ =	task [dreg:s6], $0x5FFFF  }
0xac: {  	[dreg:$0x1] =	wrdreg $0xFFFFFFFF  }
0xad: {  	[dreg:$0x0] =	wrdreg $0x60  }
0xae: {  	[dreg:$0x2] =	wrdreg s24  }
0xaf: {  	[dreg:$0x3] =	wrdreg $0x9  }
0xb0: {  	_ =	task.clear_ibuf [dreg:s6], $0x4FFFF;
	_ =	strace $0x90000046  }
0xb1: {  	s29 =	simm.s32 $0x9;
	_ =	strace $0x80000048  }
0xb2: {  	_ =	swait.ge [sflag:s29], $0x1  }
0xb3: {  	[sflag:s29] =	ssyncadd.s32 $0xFFFFFFFF  }
0xb4: {  	_ =	strace $0x90000048  }
0xb5: {  	_ =	sfence  }
0xb6: {  	s30 =	sld [smem:$0x0];
	_ =	sdelay $0x2  }
0xb7: {  	s31 =	sshll.u32 s1, $0xD;
	s1 =	sshrl.u32 s1, $0x2  }
0xb8: {  	s3 =	sand.u32 $0x4000, s31;
	s1 =	sadd.s32 s1, s30  }
0xb9: {  	s0 =	sor.u32 s3, s0;
	s1 =	sshll.u32 s1, $0x11  }
0xba: {  	s0 =	sor.u32 s1, s0  }
0xbb: {  	s0 =	sadd.s32 $0x8F2B, s0  }
0xbc: {  	[sflag:s0] =	ssyncadd.remote.s32 $0x1  }
0xbd: {  	_ =	sfence.sel $0xFFFF  }
0xbe: {  	[dreg:$0x0] =	wrdreg $0xFFFFFFFF;
	(pc) =	sbr.abs _section_cstart, $3  }
0xbf: {  	[dreg:$0x1] =	wrdreg $0xFFFFFFFF  }
0xc0: {  	_ =	task.clear_ibuf [dreg:s6], $0x2FFFF;
	_ =	strace $0x9FFFFFFF  }
0xc1: {  	(tm) =	ssettm $0x7FFFFFFF  }
tec
execute0_lowered:
.L_overlay_start_1:
0x0: {  	(tag) =	ssettag $0x1  }
0x1: {  	s10 =	rddreg [dreg:$0x0];
	s2 =	simm.s32 $0x0  }
0x2: {  	[smem:$0x7FF] =	sst s2;
	s9 =	sadd.s32 $0x5840, s10  }
0x3: {  	s13 =	sadd.s32 $0x5850, s10;
	_ =	strace $0x80000047;
	[dreg:$0x9] =	wrdreg s9  }
0x4: {  	s14 =	sadd.s32 $0x5860, s10;
	[dreg:$0xa] =	wrdreg s13  }
0x5: {  	s15 =	sadd.s32 $0x5870, s10;
	[dreg:$0xb] =	wrdreg s14  }
0x6: {  	s16 =	sadd.s32 $0x5880, s10;
	[dreg:$0xc] =	wrdreg s15  }
0x7: {  	s17 =	sadd.s32 $0x5890, s10;
	[dreg:$0xd] =	wrdreg s16  }
0x8: {  	s18 =	sadd.s32 $0x58A0, s10;
	[dreg:$0xe] =	wrdreg s17  }
0x9: {  	s19 =	sadd.s32 $0x58B0, s10;
	[dreg:$0xf] =	wrdreg s18  }
0xa: {  	s20 =	sadd.s32 $0x58C0, s10;
	[dreg:$0x10] =	wrdreg s19  }
0xb: {  	s21 =	sadd.s32 $0x58D0, s10;
	[dreg:$0x11] =	wrdreg s20  }
0xc: {  	s0 =	srdreg.scid;
	s22 =	sadd.s32 $0x58E0, s10;
	[dreg:$0x12] =	wrdreg s21  }
0xd: {  	s8 =	stileid.u32;
	s23 =	sadd.s32 $0x58F0, s10;
	[dreg:$0x13] =	wrdreg s22  }
0xe: {  	s0 =	sand.u32 $0x1, s0;
	s24 =	sadd.s32 $0xF610, s10;
	[dreg:$0x14] =	wrdreg s23  }
0xf: {  	s3 =	sadd.s32 $0x5800, s10;
	s25 =	sadd.s32 $0xF620, s10;
	[dreg:$0x15] =	wrdreg s24  }
0x10: {  	s4 =	sadd.s32 $0xF600, s10;
	s26 =	sadd.s32 $0xF630, s10;
	[dreg:$0x16] =	wrdreg s25  }
0x11: {  	s12 =	smul.u32 $0x140, s8;
	s28 =	sadd.s32 $0xF640, s10;
	[dreg:$0x17] =	wrdreg s26  }
0x12: {  	s29 =	sadd.s32 $0xF650, s10;
	s1 =	sshll.u32 s0, $0x4;
	[dreg:$0x18] =	wrdreg s28  }
0x13: {  	s0 =	ssub.s32 $0x2, s0;
	[dreg:$0x19] =	wrdreg s29;
	s1 =	sor.u32 s8, s1  }
0x14: {  	s9 =	sadd.s32 $0xF6E0, s10;
	s7 =	sshrl.u32 s0, $0x1;
	s5 =	smul.u32 $0x680, s1  }
0x15: {  	s8 =	sadd.s32 $0x5830, s10;
	s6 =	sshll.u32 s1, $0x1;
	s11 =	smul.u32 $0x13C, s1  }
0x16: {  	s0 =	ssub.s32 s0, s7;
	s7 =	sadd.s32 $0x5820, s10;
	[dreg:$0x8] =	wrdreg s8  }
0x17: {  	s8 =	sadd.s32 $0xF6D0, s10;
	s30 =	sadd.s32 s6, s10;
	s0 =	smax.u32 s0, $0x1  }
0x18: {  	s6 =	sadd.s32 $0x5810, s10;
	[dreg:$0x7] =	wrdreg s7;
	s7 =	sadd.s32 $0xF6C0, s10  }
0x19: {  	s5 =	sadd.s32 s5, s10;
	s1 =	sadd.s32 $0x33400, s30;
	[dreg:$0x5] =	wrdreg s0  }
0x1a: {  	[dreg:$0x6] =	wrdreg s6;
	s30 =	sadd.s32 $0xF660, s10;
	s0 =	sadd.s32 $0xF680, s10  }
0x1b: {  	v3 =	vmov s12;
	s6 =	sadd.s32 $0xF6B0, s10;
	s13 =	sadd.s32 $0x13C, s11;
	s14 =	ssub.s32 s12, s11  }
0x1c: {  	v4 =	vadd.s32 $0x13C, v3;
	v0 =	vmov s11;
	s11 =	simm.s32 $0x2000;
	s12 =	simm.s32 $0x5400;
	[dreg:$0x4] =	wrdreg s1  }
0x1d: {  	v5 =	vimm.s32 $0x0;
	v3 =	vlaneseq.u32;
	v4 =	vbroadcast v4, $0x0;
	s31 =	sadd.s32 $0x19400, s5;
	s5 =	sadd.s32 $0x26400, s5;
	[dreg:$0x1a] =	wrdreg s30  }
0x1e: {  	v6 =	vor.u32 $0x10, v3;
	v7 =	vor.u32 $0x20, v3;
	s1 =	sadd.s32 $0xF690, s10;
	v1 =	vmov s13;
	s13 =	simm.s32 $0x5;
	[dreg:$0x2] =	wrdreg s31  }
0x1f: {  	v8 =	vor.u32 $0x30, v3;
	v9 =	vor.u32 $0x40, v3;
	v2 =	vmov s14;
	s14 =	simm.s32 $0x0;
	[dreg:$0x3] =	wrdreg s5;
	s31 =	sadd.s32 $0xF670, s10  }
0x20: {  	v10 =	vor.u32 $0x50, v3;
	v11 =	vor.u32 $0x60, v3;
	v12 =	vor.u32 $0x70, v3;
	s5 =	sadd.s32 $0xF6A0, s10;
	s10 =	sadd.s32 $0xF6F0, s10;
	[dreg:$0x1b] =	wrdreg s31  }
.LBB2_1:
0x21: {  	[tilespmem:s2], [sflag:$0x1] =	stream.linear.gather [hbm4b:s3+s2], $0x80, $0x38;
	[tilespmem:$0x8880] =	vst v63  }
0x22: {  	s15 =	rddreg [dreg:$0x6];
	s16 =	simm.s32 $0x100  }
0x23: {  	[tilespmem:s16], [sflag:$0x1] =	stream.linear.gather [hbm4b:s15+s2], $0x80, $0x38;
	[tilespmem:$0x8880] =	vst v63  }
0x24: {  	s23 =	rddreg [dreg:$0x7];
	s24 =	simm.s32 $0x200  }
0x25: {  	[tilespmem:s24], [sflag:$0x1] =	stream.linear.gather [hbm4b:s23+s2], $0x80, $0x38;
	[tilespmem:$0x8880] =	vst v63  }
0x26: {  	s25 =	rddreg [dreg:$0x8];
	s26 =	simm.s32 $0x300  }
0x27: {  	[tilespmem:s26], [sflag:$0x1] =	stream.linear.gather [hbm4b:s25+s2], $0x80, $0x38;
	[tilespmem:$0x8880] =	vst v63  }
0x28: {  	s28 =	rddreg [dreg:$0x9];
	s29 =	simm.s32 $0x400  }
0x29: {  	[tilespmem:s29], [sflag:$0x1] =	stream.linear.gather [hbm4b:s28+s2], $0x80, $0x38;
	[tilespmem:$0x8880] =	vst v63  }
0x2a: {  	s30 =	rddreg [dreg:$0xa];
	s31 =	simm.s32 $0x500  }
0x2b: {  	[tilespmem:s31], [sflag:$0x1] =	stream.linear.gather [hbm4b:s30+s2], $0x80, $0x38;
	[tilespmem:$0x8880] =	vst v63  }
0x2c: {  	s17 =	rddreg [dreg:$0xb];
	s18 =	simm.s32 $0x600  }
0x2d: {  	[tilespmem:s18], [sflag:$0x1] =	stream.linear.gather [hbm4b:s17+s2], $0x80, $0x38;
	[tilespmem:$0x8880] =	vst v63  }
0x2e: {  	s19 =	rddreg [dreg:$0xc];
	s20 =	simm.s32 $0x700  }
0x2f: {  	[tilespmem:s20], [sflag:$0x1] =	stream.linear.gather [hbm4b:s19+s2], $0x80, $0x38;
	[tilespmem:$0x8880] =	vst v63  }
0x30: {  	s21 =	rddreg [dreg:$0xd];
	s22 =	simm.s32 $0x800  }
0x31: {  	[tilespmem:s22], [sflag:$0x1] =	stream.linear.gather [hbm4b:s21+s2], $0x80, $0x38;
	[tilespmem:$0x8880] =	vst v63  }
0x32: {  	s23 =	rddreg [dreg:$0xe];
	s24 =	simm.s32 $0x900  }
0x33: {  	[tilespmem:s24], [sflag:$0x1] =	stream.linear.gather [hbm4b:s23+s2], $0x80, $0x38;
	[tilespmem:$0x8880] =	vst v63  }
0x34: {  	s25 =	rddreg [dreg:$0xf];
	s26 =	simm.s32 $0xA00  }
0x35: {  	[tilespmem:s26], [sflag:$0x1] =	stream.linear.gather [hbm4b:s25+s2], $0x80, $0x38;
	[tilespmem:$0x8880] =	vst v63  }
0x36: {  	s28 =	rddreg [dreg:$0x10];
	s29 =	simm.s32 $0xB00  }
0x37: {  	[tilespmem:s29], [sflag:$0x1] =	stream.linear.gather [hbm4b:s28+s2], $0x80, $0x38;
	[tilespmem:$0x8880] =	vst v63  }
0x38: {  	s30 =	rddreg [dreg:$0x11];
	s31 =	simm.s32 $0xC00  }
0x39: {  	[tilespmem:s31], [sflag:$0x1] =	stream.linear.gather [hbm4b:s30+s2], $0x80, $0x38;
	[tilespmem:$0x8880] =	vst v63  }
0x3a: {  	s16 =	rddreg [dreg:$0x12];
	s17 =	simm.s32 $0xD00  }
0x3b: {  	[tilespmem:s17], [sflag:$0x1] =	stream.linear.gather [hbm4b:s16+s2], $0x80, $0x38;
	[tilespmem:$0x8880] =	vst v63  }
0x3c: {  	s18 =	rddreg [dreg:$0x13];
	s19 =	simm.s32 $0xE00  }
0x3d: {  	[tilespmem:s19], [sflag:$0x1] =	stream.linear.gather [hbm4b:s18+s2], $0x80, $0x38;
	[tilespmem:$0x8880] =	vst v63  }
0x3e: {  	s20 =	rddreg [dreg:$0x14];
	s21 =	simm.s32 $0xF00  }
0x3f: {  	[tilespmem:s21], [sflag:$0x1] =	stream.linear.gather [hbm4b:s20+s2], $0x80, $0x38;
	[tilespmem:$0x8880] =	vst v63  }
0x40: {  	s22 =	simm.s32 $0x1000  }
0x41: {  	[tilespmem:s22], [sflag:$0x3] =	stream.linear.gather [hbm4b:s4+s2], $0x80, $0x38;
	[tilespmem:$0x8880] =	vst v63  }
0x42: {  	s23 =	rddreg [dreg:$0x15];
	s24 =	simm.s32 $0x1100  }
0x43: {  	[tilespmem:s24], [sflag:$0x3] =	stream.linear.gather [hbm4b:s23+s2], $0x80, $0x38;
	[tilespmem:$0x8880] =	vst v63  }
0x44: {  	s25 =	rddreg [dreg:$0x16];
	s26 =	simm.s32 $0x1200  }
0x45: {  	[tilespmem:s26], [sflag:$0x3] =	stream.linear.gather [hbm4b:s25+s2], $0x80, $0x38;
	[tilespmem:$0x8880] =	vst v63  }
0x46: {  	s28 =	rddreg [dreg:$0x17];
	s29 =	simm.s32 $0x1300  }
0x47: {  	[tilespmem:s29], [sflag:$0x3] =	stream.linear.gather [hbm4b:s28+s2], $0x80, $0x38;
	[tilespmem:$0x8880] =	vst v63  }
0x48: {  	s30 =	rddreg [dreg:$0x18];
	s31 =	simm.s32 $0x1400  }
0x49: {  	[tilespmem:s31], [sflag:$0x3] =	stream.linear.gather [hbm4b:s30+s2], $0x80, $0x38;
	[tilespmem:$0x8880] =	vst v63  }
0x4a: {  	s17 =	rddreg [dreg:$0x19];
	s18 =	simm.s32 $0x1500  }
0x4b: {  	[tilespmem:s18], [sflag:$0x3] =	stream.linear.gather [hbm4b:s17+s2], $0x80, $0x38;
	[tilespmem:$0x8880] =	vst v63  }
0x4c: {  	s19 =	rddreg [dreg:$0x1a];
	s20 =	simm.s32 $0x1600  }
0x4d: {  	[tilespmem:s20], [sflag:$0x3] =	stream.linear.gather [hbm4b:s19+s2], $0x80, $0x38;
	[tilespmem:$0x8880] =	vst v63  }
0x4e: {  	s21 =	rddreg [dreg:$0x1b];
	s22 =	simm.s32 $0x1700  }
0x4f: {  	[tilespmem:s22], [sflag:$0x3] =	stream.linear.gather [hbm4b:s21+s2], $0x80, $0x38;
	[tilespmem:$0x8880] =	vst v63  }
0x50: {  	s23 =	simm.s32 $0x1800  }
0x51: {  	[tilespmem:s23], [sflag:$0x3] =	stream.linear.gather [hbm4b:s0+s2], $0x80, $0x38;
	[tilespmem:$0x8880] =	vst v63  }
0x52: {  	s24 =	simm.s32 $0x1900  }
0x53: {  	[tilespmem:s24], [sflag:$0x3] =	stream.linear.gather [hbm4b:s1+s2], $0x80, $0x38;
	[tilespmem:$0x8880] =	vst v63  }
0x54: {  	s25 =	simm.s32 $0x1A00  }
0x55: {  	[tilespmem:s25], [sflag:$0x3] =	stream.linear.gather [hbm4b:s5+s2], $0x80, $0x38;
	[tilespmem:$0x8880] =	vst v63  }
0x56: {  	s26 =	simm.s32 $0x1B00  }
0x57: {  	[tilespmem:s26], [sflag:$0x3] =	stream.linear.gather [hbm4b:s6+s2], $0x80, $0x38;
	[tilespmem:$0x8880] =	vst v63  }
0x58: {  	s28 =	simm.s32 $0x1C00  }
0x59: {  	[tilespmem:s28], [sflag:$0x3] =	stream.linear.gather [hbm4b:s7+s2], $0x80, $0x38;
	[tilespmem:$0x8880] =	vst v63  }
0x5a: {  	s29 =	simm.s32 $0x1D00  }
0x5b: {  	[tilespmem:s29], [sflag:$0x3] =	stream.linear.gather [hbm4b:s8+s2], $0x80, $0x38;
	[tilespmem:$0x8880] =	vst v63  }
0x5c: {  	s30 =	simm.s32 $0x1E00  }
0x5d: {  	[tilespmem:s30], [sflag:$0x3] =	stream.linear.gather [hbm4b:s9+s2], $0x80, $0x38;
	[tilespmem:$0x8880] =	vst v63  }
0x5e: {  	s15 =	simm.s32 $0x0;
	s31 =	simm.s32 $0x1F00  }
0x5f: {  	v13 =	vimm.s32 $0x0;
	[tilespmem:s31], [sflag:$0x3] =	stream.linear.gather [hbm4b:s10+s2], $0x80, $0x38;
	[tilespmem:$0x8880] =	vst v63  }
.LBB2_3:
0x60: {  	s16 =	sand.u32 $0x1, s15  }
0x61: {  	s17 =	sadd.s32 $0x1, s16  }
0x62: {  	p0 =	seq.s32 s15, $0x9C;
	_ =	swait.ge [sflag:s17], $0x800  }
.Ltmp0:
0x63: {  	[sflag:s17] =	ssyncset.done $0x0;
	(pc) =	sbr.rel @p0 .LBB2_5-.Ltmp0, $4  }
0x64: {  	s31 =	sadd.s32 $0x3, s16;
	[sflag:s17] =	ssyncadd.s32 $0xFFFFF800  }
0x65: {  	_ =	swait.ge [sflag:s31], $0x800  }
0x66: {  	[sflag:s31] =	ssyncset.done $0x0  }
0x67: {  	s15 =	sadd.s32 $0x1, s15;
	[sflag:s31] =	ssyncadd.s32 $0xFFFFF800  }
0x68: {  	s18 =	sxor.u32 $0x1, s16;
	s19 =	sshll.u32 s15, $0x8  }
0x69: {  	s20 =	sadd.s32 $0x1, s18;
	s17 =	sshll.u32 s18, $0x7;
	s21 =	sadd.s32 s3, s19  }
0x6a: {  	[tilespmem:s17], [sflag:s20] =	stream.linear.gather [hbm4b:s21+s2], $0x80, $0x38;
	[tilespmem:$0x8880] =	vst v63  }
0x6b: {  	s22 =	sadd.s32 $0x10, s21;
	s23 =	sor.u32 $0x100, s17  }
0x6c: {  	[tilespmem:s23], [sflag:s20] =	stream.linear.gather [hbm4b:s22+s2], $0x80, $0x38;
	[tilespmem:$0x8880] =	vst v63  }
0x6d: {  	s28 =	sadd.s32 $0x20, s21;
	s29 =	sor.u32 $0x200, s17  }
0x6e: {  	[tilespmem:s29], [sflag:s20] =	stream.linear.gather [hbm4b:s28+s2], $0x80, $0x38;
	[tilespmem:$0x8880] =	vst v63  }
0x6f: {  	s30 =	sadd.s32 $0x30, s21;
	s31 =	sor.u32 $0x300, s17  }
0x70: {  	[tilespmem:s31], [sflag:s20] =	stream.linear.gather [hbm4b:s30+s2], $0x80, $0x38;
	[tilespmem:$0x8880] =	vst v63  }
0x71: {  	s24 =	sor.u32 $0x400, s17;
	s23 =	sadd.s32 $0x40, s21  }
0x72: {  	[tilespmem:s24], [sflag:s20] =	stream.linear.gather [hbm4b:s23+s2], $0x80, $0x38;
	[tilespmem:$0x8880] =	vst v63  }
0x73: {  	s25 =	sadd.s32 $0x50, s21;
	s26 =	sor.u32 $0x500, s17  }
0x74: {  	[tilespmem:s26], [sflag:s20] =	stream.linear.gather [hbm4b:s25+s2], $0x80, $0x38;
	[tilespmem:$0x8880] =	vst v63  }
0x75: {  	s28 =	sadd.s32 $0x60, s21;
	s29 =	sor.u32 $0x600, s17  }
0x76: {  	[tilespmem:s29], [sflag:s20] =	stream.linear.gather [hbm4b:s28+s2], $0x80, $0x38;
	[tilespmem:$0x8880] =	vst v63  }
0x77: {  	s30 =	sadd.s32 $0x70, s21;
	s31 =	sor.u32 $0x700, s17  }
0x78: {  	[tilespmem:s31], [sflag:s20] =	stream.linear.gather [hbm4b:s30+s2], $0x80, $0x38;
	[tilespmem:$0x8880] =	vst v63  }
0x79: {  	s23 =	sadd.s32 $0x80, s21;
	s24 =	sor.u32 $0x800, s17  }
0x7a: {  	[tilespmem:s24], [sflag:s20] =	stream.linear.gather [hbm4b:s23+s2], $0x80, $0x38;
	[tilespmem:$0x8880] =	vst v63  }
0x7b: {  	s25 =	sadd.s32 $0x90, s21;
	s26 =	sor.u32 $0x900, s17  }
0x7c: {  	[tilespmem:s26], [sflag:s20] =	stream.linear.gather [hbm4b:s25+s2], $0x80, $0x38;
	[tilespmem:$0x8880] =	vst v63  }
0x7d: {  	s28 =	sadd.s32 $0xA0, s21;
	s29 =	sor.u32 $0xA00, s17  }
0x7e: {  	[tilespmem:s29], [sflag:s20] =	stream.linear.gather [hbm4b:s28+s2], $0x80, $0x38;
	[tilespmem:$0x8880] =	vst v63  }
0x7f: {  	s30 =	sadd.s32 $0xB0, s21;
	s31 =	sor.u32 $0xB00, s17  }
0x80: {  	[tilespmem:s31], [sflag:s20] =	stream.linear.gather [hbm4b:s30+s2], $0x80, $0x38;
	[tilespmem:$0x8880] =	vst v63  }
0x81: {  	s24 =	sadd.s32 $0xC0, s21;
	s25 =	sor.u32 $0xC00, s17  }
0x82: {  	[tilespmem:s25], [sflag:s20] =	stream.linear.gather [hbm4b:s24+s2], $0x80, $0x38;
	[tilespmem:$0x8880] =	vst v63  }
0x83: {  	s26 =	sadd.s32 $0xD0, s21;
	s28 =	sor.u32 $0xD00, s17  }
0x84: {  	[tilespmem:s28], [sflag:s20] =	stream.linear.gather [hbm4b:s26+s2], $0x80, $0x38;
	[tilespmem:$0x8880] =	vst v63  }
0x85: {  	s29 =	sadd.s32 $0xE0, s21;
	s30 =	sor.u32 $0xE00, s17  }
0x86: {  	[tilespmem:s30], [sflag:s20] =	stream.linear.gather [hbm4b:s29+s2], $0x80, $0x38;
	[tilespmem:$0x8880] =	vst v63  }
0x87: {  	s21 =	sadd.s32 $0xF0, s21;
	s31 =	sor.u32 $0xF00, s17  }
0x88: {  	[tilespmem:s31], [sflag:s20] =	stream.linear.gather [hbm4b:s21+s2], $0x80, $0x38;
	[tilespmem:$0x8880] =	vst v63  }
0x89: {  	s18 =	sadd.s32 $0x3, s18;
	s19 =	sadd.s32 s4, s19;
	s22 =	sor.u32 $0x1000, s17  }
0x8a: {  	[tilespmem:s22], [sflag:s18] =	stream.linear.gather [hbm4b:s19+s2], $0x80, $0x38;
	[tilespmem:$0x8880] =	vst v63  }
0x8b: {  	s23 =	sadd.s32 $0x10, s19;
	s24 =	sor.u32 $0x1100, s17  }
0x8c: {  	[tilespmem:s24], [sflag:s18] =	stream.linear.gather [hbm4b:s23+s2], $0x80, $0x38;
	[tilespmem:$0x8880] =	vst v63  }
0x8d: {  	s25 =	sadd.s32 $0x20, s19;
	s26 =	sor.u32 $0x1200, s17  }
0x8e: {  	[tilespmem:s26], [sflag:s18] =	stream.linear.gather [hbm4b:s25+s2], $0x80, $0x38;
	[tilespmem:$0x8880] =	vst v63  }
0x8f: {  	s28 =	sadd.s32 $0x30, s19;
	s29 =	sor.u32 $0x1300, s17  }
0x90: {  	[tilespmem:s29], [sflag:s18] =	stream.linear.gather [hbm4b:s28+s2], $0x80, $0x38;
	[tilespmem:$0x8880] =	vst v63  }
0x91: {  	s30 =	sadd.s32 $0x40, s19;
	s31 =	sor.u32 $0x1400, s17  }
0x92: {  	[tilespmem:s31], [sflag:s18] =	stream.linear.gather [hbm4b:s30+s2], $0x80, $0x38;
	[tilespmem:$0x8880] =	vst v63  }
0x93: {  	s21 =	sadd.s32 $0x50, s19;
	s22 =	sor.u32 $0x1500, s17  }
0x94: {  	[tilespmem:s22], [sflag:s18] =	stream.linear.gather [hbm4b:s21+s2], $0x80, $0x38;
	[tilespmem:$0x8880] =	vst v63  }
0x95: {  	s23 =	sadd.s32 $0x60, s19;
	s24 =	sor.u32 $0x1600, s17  }
0x96: {  	[tilespmem:s24], [sflag:s18] =	stream.linear.gather [hbm4b:s23+s2], $0x80, $0x38;
	[tilespmem:$0x8880] =	vst v63  }
0x97: {  	s25 =	sadd.s32 $0x70, s19;
	s26 =	sor.u32 $0x1700, s17  }
0x98: {  	[tilespmem:s26], [sflag:s18] =	stream.linear.gather [hbm4b:s25+s2], $0x80, $0x38;
	[tilespmem:$0x8880] =	vst v63  }
0x99: {  	s28 =	sadd.s32 $0x80, s19;
	s29 =	sor.u32 $0x1800, s17  }
0x9a: {  	[tilespmem:s29], [sflag:s18] =	stream.linear.gather [hbm4b:s28+s2], $0x80, $0x38;
	[tilespmem:$0x8880] =	vst v63  }
0x9b: {  	s30 =	sadd.s32 $0x90, s19;
	s31 =	sor.u32 $0x1900, s17  }
0x9c: {  	[tilespmem:s31], [sflag:s18] =	stream.linear.gather [hbm4b:s30+s2], $0x80, $0x38;
	[tilespmem:$0x8880] =	vst v63  }
0x9d: {  	s21 =	sadd.s32 $0xA0, s19;
	s22 =	sor.u32 $0x1A00, s17  }
0x9e: {  	[tilespmem:s22], [sflag:s18] =	stream.linear.gather [hbm4b:s21+s2], $0x80, $0x38;
	[tilespmem:$0x8880] =	vst v63  }
0x9f: {  	s23 =	sadd.s32 $0xB0, s19;
	s24 =	sor.u32 $0x1B00, s17  }
0xa0: {  	[tilespmem:s24], [sflag:s18] =	stream.linear.gather [hbm4b:s23+s2], $0x80, $0x38;
	[tilespmem:$0x8880] =	vst v63  }
0xa1: {  	s25 =	sadd.s32 $0xC0, s19;
	s26 =	sor.u32 $0x1C00, s17  }
0xa2: {  	[tilespmem:s26], [sflag:s18] =	stream.linear.gather [hbm4b:s25+s2], $0x80, $0x38;
	[tilespmem:$0x8880] =	vst v63  }
0xa3: {  	s28 =	sadd.s32 $0xD0, s19;
	s29 =	sor.u32 $0x1D00, s17  }
0xa4: {  	[tilespmem:s29], [sflag:s18] =	stream.linear.gather [hbm4b:s28+s2], $0x80, $0x38;
	[tilespmem:$0x8880] =	vst v63  }
0xa5: {  	s30 =	sadd.s32 $0xE0, s19;
	s31 =	sor.u32 $0x1E00, s17  }
0xa6: {  	[tilespmem:s31], [sflag:s18] =	stream.linear.gather [hbm4b:s30+s2], $0x80, $0x38;
	[tilespmem:$0x8880] =	vst v63  }
0xa7: {  	s19 =	sadd.s32 $0xF0, s19;
	s17 =	sor.u32 $0x1F00, s17  }
0xa8: {  	[tilespmem:s17], [sflag:s18] =	stream.linear.gather [hbm4b:s19+s2], $0x80, $0x38;
	[tilespmem:$0x8880] =	vst v63  }
.LBB2_5:
0xa9: {  	s18 =	simm.s32 $0x0;
	s16 =	sshll.u32 s16, $0x7  }
0xaa: {  	s19 =	sand.u32 $0x40, s18;
	s17 =	sor.u32 $0x10, s16  }
0xab: {  	s21 =	sand.u32 $0xF00, s18;
	s18 =	sor.u32 $0x20, s16;
	s31 =	sor.u32 s16, s19  }
0xac: {  	s20 =	sor.u32 s17, s19;
	s23 =	sor.u32 s18, s19;
	s22 =	sor.u32 s21, s31  }
0xad: {  	s26 =	sor.u32 s21, s20;
	s20 =	sor.u32 $0x30, s16;
	s25 =	sor.u32 s21, s23;
	v21 =	vld [tilespmem:s22+$0x1000]  }
0xae: {  	s19 =	sor.u32 s20, s19;
	v25 =	vld [tilespmem:s25+$0x1000]  }
0xaf: {  	v18 =	vld [tilespmem:s26+$0x1000];
	s19 =	sor.u32 s21, s19  }
0xb0: {  	v20 =	vld [tilespmem:s19+$0x1000];
	_ =	sdelay $0x1  }
0xb1: {  	vm0 =	vge.s32 v21, v0;
	vm1 =	vlt.s32 v21, v1  }
0xb2: {  	vm2 =	vlt.s32 v25, v1;
	vm5 =	vmand vm0, vm1  }
0xb3: {  	vm0 =	vge.s32 v18, v0;
	vm1 =	vlt.s32 v18, v1;
	v14 =	vsel vm5, $0x1, v5  }
0xb4: {  	vm0 =	vmand vm0, vm1;
	vm1 =	vge.s32 v25, v0;
	vm3 =	vge.s32 v20, v0;
	(xrf0) =	vadd.scan.msk.s32 $0xffff, v14  }
0xb5: {  	v15 =	vsel vm0, $0x1, v5;
	vm2 =	vmand vm1, vm2;
	vm1 =	vlt.s32 v20, v1  }
0xb6: {  	(xrf0) =	vadd.scan.msk.s32 $0xffff, v15;
	v15 =	vsel vm2, $0x1, v5;
	vm1 =	vmand vm3, vm1  }
0xb7: {  	s23 =	simm.s32 $0x40;
	v14 =	vmpcnt.ones.xlane vm5;
	(xrf0) =	vadd.scan.msk.s32 $0xffff, v15;
	v19 =	vsel vm1, $0x1, v5  }
0xb8: {  	s24 =	simm.s32 $0x80;
	s28 =	sand.u32 $0x40, s23;
	v16 =	vmpcnt.ones.xlane vm0  }
0xb9: {  	s29 =	sand.u32 $0xF00, s24;
	v27 =	vld [tilespmem:s22+$0x0];
	s21 =	sor.u32 s16, s28;
	v17 =	vadd.s32 v13, v14;
	v15 =	vmpcnt.ones.xlane vm2;
	(xrf0) =	vadd.scan.msk.s32 $0xffff, v19  }
0xba: {  	s30 =	sor.u32 s17, s28;
	s21 =	sor.u32 s29, s21;
	v28 =	vadd.s32 v21, v2;
	v18 =	vadd.s32 v18, v2;
	v14 =	vld [tilespmem:s19+$0x0];
	v24 =	vadd.s32 v17, v16;
	v19, _, _ =	vpop (xrf0)  }
0xbb: {  	s31 =	sor.u32 s18, s28;
	vm4 =	vmmov vm5;
	s19 =	sor.u32 s29, s30;
	v29 =	vadd.s32 v24, v15;
	v15 =	vld [tilespmem:s21+$0x1000];
	v13 =	vadd.s32 v19, v13  }
0xbc: {  	s28 =	sor.u32 s20, s28;
	s22 =	sor.u32 s29, s31;
	v25 =	vadd.s32 v25, v2;
	vm0 =	vmmov vm0;
	v22, _, _ =	vpop (xrf0);
	v19 =	vld [tilespmem:s19+$0x1000];
	v23 =	vadd.s32 $0xFFFFFFFF, v13  }
0xbd: {  	s28 =	sor.u32 s29, s28;
	v20 =	vadd.s32 v20, v2;
	v16 =	vmpcnt.ones.xlane vm1;
	v13 =	vadd.s32 v22, v17;
	v22 =	vld [tilespmem:s22+$0x1000];
	v26, _, _ =	vpop (xrf0)  }
0xbe: {  	vm3 =	vmmov vm2;
	v17 =	vadd.s32 $0xFFFFFFFF, v13;
	v13 =	vld [tilespmem:s28+$0x1000];
	v24 =	vadd.s32 v26, v24  }
0xbf: {  	vm2 =	vmmov vm1;
	v16 =	vadd.s32 v29, v16;
	v26 =	vld [tilespmem:s25+$0x0];
	v30, _, _ =	vpop (xrf0);
	v24 =	vadd.s32 $0xFFFFFFFF, v24  }
0xc0: {  	v21 =	vld [tilespmem:s28+$0x0];
	vm1 =	vge.s32 v15, v0;
	vm6 =	vlt.s32 v15, v1;
	v29 =	vadd.s32 v30, v29  }
0xc1: {  	s25 =	simm.s32 $0x4;
	vm1 =	vmand vm1, vm6;
	vm6 =	vge.s32 v19, v0;
	vm7 =	vlt.s32 v19, v1;
	[tilespmem:v23+s11+$0x0] =	vst.idx.msk vm5, v27;
	v27 =	vld [tilespmem:s26+$0x0]  }
.LBB2_6:
0xc2: {  	s25 =	sadd.s32 $0x4, s25;
	v30 =	vsel vm1, $0x1, v5;
	vm5 =	vmand vm6, vm7;
	[tilespmem:v23+s12+$0x0] =	vst.idx.msk vm4, v28;
	v23 =	vadd.s32 $0xFFFFFFFF, v29;
	v28 =	vmovc v19;
	v29 =	vmovc v22  }
0xc3: {  	p0 =	slt.u32 s25, $0x7C;
	v19 =	vsel vm5, $0x1, v5;
	vm4 =	vge.s32 v29, v0;
	vm6 =	vlt.s32 v29, v1;
	(xrf0) =	vadd.scan.msk.s32 $0xffff, v30  }
0xc4: {  	vm4 =	vmand vm4, vm6;
	vm6 =	vlt.s32 v13, v1;
	(xrf0) =	vadd.scan.msk.s32 $0xffff, v19;
	[tilespmem:v24+s11+$0x0] =	vst.idx.msk vm3, v26  }
0xc5: {  	vm7 =	vge.s32 v13, v0;
	v19 =	vmpcnt.ones.xlane vm1;
	v22 =	vsel vm4, $0x1, v5;
	[tilespmem:v24+s12+$0x0] =	vst.idx.msk vm3, v25  }
0xc6: {  	s24 =	sadd.s32 $0x80, s24;
	s23 =	sadd.s32 $0x40, s23;
	v24 =	vmpcnt.ones.xlane vm5;
	vm6 =	vmand vm7, vm6;
	(xrf0) =	vadd.scan.msk.s32 $0xffff, v22;
	[tilespmem:v17+s11+$0x0] =	vst.idx.msk vm0, v27  }
0xc7: {  	s26 =	sand.u32 $0x40, s23;
	s28 =	sand.u32 $0xF00, s24;
	v26 =	vmpcnt.ones.xlane vm4;
	v22 =	vadd.s32 v16, v19;
	v25 =	vsel vm6, $0x1, v5;
	[tilespmem:v23+s11+$0x0] =	vst.idx.msk vm2, v14;
	v14 =	vmovc v21  }
0xc8: {  	s29 =	sor.u32 s16, s26;
	s30 =	sor.u32 s17, s26;
	s31 =	sor.u32 s18, s26;
	v21 =	vadd.s32 v22, v24;
	v24 =	vmpcnt.ones.xlane vm6;
	(xrf0) =	vadd.scan.msk.s32 $0xffff, v25;
	[tilespmem:v23+s12+$0x0] =	vst.idx.msk vm2, v20  }
0xc9: {  	s26 =	sor.u32 s20, s26;
	s30 =	sor.u32 s28, s30;
	vm3 =	vmmov vm4;
	v30 =	vadd.s32 v21, v26;
	v27 =	vld [tilespmem:s21+$0x0];
	s21 =	sor.u32 s28, s29;
	v19, _, _ =	vpop (xrf0);
	[tilespmem:v17+s12+$0x0] =	vst.idx.msk vm0, v18;
	vm0 =	vmmov vm5  }
0xca: {  	s26 =	sor.u32 s28, s26;
	vm2 =	vmmov vm6;
	s29 =	sor.u32 s28, s31;
	v31 =	vld [tilespmem:s21+$0x1000];
	v17 =	vadd.s32 v19, v16;
	v16 =	vadd.s32 v30, v24;
	v18, _, _ =	vpop (xrf0)  }
0xcb: {  	vm4 =	vmmov vm1;
	v19 =	vld [tilespmem:s30+$0x1000];
	v23 =	vadd.s32 $0xFFFFFFFF, v17;
	v17 =	vadd.s32 v18, v22  }
.Ltmp1:
0xcc: {  	v22 =	vld [tilespmem:s29+$0x1000];
	v17 =	vadd.s32 $0xFFFFFFFF, v17;
	v20, _, _ =	vpop (xrf0);
	(pc) =	sbr.rel @p0 .LBB2_6-.Ltmp1, $4  }
0xcd: {  	v18 =	vadd.s32 v28, v2;
	v21 =	vadd.s32 v20, v21;
	v20 =	vadd.s32 v13, v2;
	v13 =	vld [tilespmem:s26+$0x1000]  }
0xce: {  	v25 =	vadd.s32 v29, v2;
	v28 =	vadd.s32 v15, v2;
	v26 =	vld [tilespmem:s22+$0x0];
	v24 =	vadd.s32 $0xFFFFFFFF, v21;
	v15, _, _ =	vpop (xrf0);
	s22 =	smov.u32 s29  }
0xcf: {  	vm5 =	vge.s32 v31, v0;
	vm8 =	vlt.s32 v31, v1;
	v21 =	vld [tilespmem:s26+$0x0];
	v29 =	vadd.s32 v15, v30;
	v15 =	vmovc v31  }
0xd0: {  	vm6 =	vge.s32 v19, v0;
	vm7 =	vlt.s32 v19, v1;
	[tilespmem:v23+s11+$0x0] =	vst.idx.msk vm1, v27;
	vm1 =	vmand vm5, vm8;
	v27 =	vld [tilespmem:s19+$0x0];
	s19 =	smov.u32 s30  }
0xd1: {  	v30 =	vsel vm1, $0x1, v5  }
0xd2: {  	vm6 =	vmand vm6, vm7;
	vm5 =	vge.s32 v22, v0;
	vm14 =	vlt.s32 v22, v1;
	(xrf0) =	vadd.scan.msk.s32 $0xffff, v30  }
0xd3: {  	v46 =	vsel vm6, $0x1, v5;
	vm7 =	vmand vm5, vm14  }
0xd4: {  	vm15 =	vlt.s32 v13, v1;
	vm8 =	vge.s32 v13, v0;
	(xrf0) =	vadd.scan.msk.s32 $0xffff, v46;
	v47 =	vsel vm7, $0x1, v5  }
0xd5: {  	vm5 =	vmand vm8, vm15;
	(xrf0) =	vadd.scan.msk.s32 $0xffff, v47  }
0xd6: {  	v48 =	vsel vm5, $0x1, v5  }
0xd7: {  	v29 =	vadd.s32 $0xFFFFFFFF, v29;
	(xrf0) =	vadd.scan.msk.s32 $0xffff, v48  }
0xd8: {  	v49 =	vmpcnt.ones.xlane vm1;
	[tilespmem:v23+s12+$0x0] =	vst.idx.msk vm4, v28;
	v51, _, _ =	vpop (xrf0)  }
0xd9: {  	v50 =	vmpcnt.ones.xlane vm6;
	[tilespmem:v24+s11+$0x0] =	vst.idx.msk vm3, v26;
	v53 =	vadd.s32 v51, v16  }
0xda: {  	v55 =	vld [tilespmem:s21+$0x0];
	v52 =	vadd.s32 v16, v49;
	[tilespmem:v24+s12+$0x0] =	vst.idx.msk vm3, v25;
	v54, _, _ =	vpop (xrf0);
	v16 =	vadd.s32 $0xFFFFFFFF, v53  }
0xdb: {  	v57 =	vmpcnt.ones.xlane vm7;
	v23 =	vadd.s32 v52, v50;
	[tilespmem:v17+s11+$0x0] =	vst.idx.msk vm0, v27;
	v56, _, _ =	vpop (xrf0);
	v59 =	vadd.s32 v54, v52  }
0xdc: {  	v63 =	vld [tilespmem:s19+$0x0];
	[tilespmem:v29+s11+$0x0] =	vst.idx.msk vm2, v14;
	v25 =	vadd.s32 v56, v23;
	v61 =	vadd.s32 $0xFFFFFFFF, v59  }
0xdd: {  	v58 =	vadd.s32 v23, v57;
	v14 =	vld [tilespmem:s22+$0x0];
	[tilespmem:v17+s12+$0x0] =	vst.idx.msk vm0, v18;
	v60, _, _ =	vpop (xrf0);
	v25 =	vadd.s32 $0xFFFFFFFF, v25  }
0xde: {  	[tilespmem:v29+s12+$0x0] =	vst.idx.msk vm2, v20;
	v62 =	vadd.s32 v60, v58  }
0xdf: {  	v15 =	vadd.s32 v15, v2;
	v18 =	vadd.s32 $0xFFFFFFFF, v62;
	[tilespmem:v16+s11+$0x0] =	vst.idx.msk vm1, v55  }
0xe0: {  	[tilespmem:v16+s12+$0x0] =	vst.idx.msk vm1, v15  }
0xe1: {  	[tilespmem:v61+s11+$0x0] =	vst.idx.msk vm6, v63  }
0xe2: {  	v15 =	vadd.s32 v22, v2;
	[tilespmem:v25+s11+$0x0] =	vst.idx.msk vm7, v14  }
0xe3: {  	[tilespmem:v25+s12+$0x0] =	vst.idx.msk vm7, v15  }
0xe4: {  	v13 =	vadd.s32 v13, v2;
	v14 =	vmpcnt.ones.xlane vm5;
	[tilespmem:v18+s11+$0x0] =	vst.idx.msk vm5, v21  }
0xe5: {  	vm12 =	vmmov vm1;
	vm14 =	vmmov vm6;
	v15 =	vadd.s32 v19, v2;
	[tilespmem:v18+s12+$0x0] =	vst.idx.msk vm5, v13  }
0xe6: {  	vm13 =	vmmov vm7;
	vm15 =	vmmov vm5;
	v13 =	vadd.s32 v58, v14;
	[tilespmem:v61+s12+$0x0] =	vst.idx.msk vm6, v15  }
0xe7: {  	p0 =	seq.s32 s15, $0x9D  }
.Ltmp2:
0xe8: {  	_ = 	snop;
	(pc) =	sbr.rel @!p0 .LBB2_3-.Ltmp2, $1  }
0xe9: {  	_ =	sdelay $0x3  }
0xea: {  	v14 =	vadd.s32 v3, v13;
	_ =	sdelay $0x1  }
0xeb: {  	v15 =	vadd.s32 v6, v13;
	_ =	sdelay $0x1  }
0xec: {  	v16 =	vadd.s32 v7, v13  }
0xed: {  	[tilespmem:v14+s11+$0x0] =	vst.idx.msk $0xffff, v5  }
0xee: {  	[tilespmem:v14+s12+$0x0] =	vst.idx.msk $0xffff, v4;
	v14 =	vadd.s32 v8, v13  }
0xef: {  	[tilespmem:v15+s11+$0x0] =	vst.idx.msk $0xffff, v5  }
0xf0: {  	[tilespmem:v15+s12+$0x0] =	vst.idx.msk $0xffff, v4;
	v15 =	vadd.s32 v9, v13  }
0xf1: {  	[tilespmem:v16+s11+$0x0] =	vst.idx.msk $0xffff, v5  }
0xf2: {  	v63 =	vadd.s32 v10, v13;
	[tilespmem:v16+s12+$0x0] =	vst.idx.msk $0xffff, v4  }
0xf3: {  	[tilespmem:v14+s11+$0x0] =	vst.idx.msk $0xffff, v5  }
0xf4: {  	[tilespmem:v14+s12+$0x0] =	vst.idx.msk $0xffff, v4;
	v14 =	vadd.s32 v11, v13  }
0xf5: {  	[tilespmem:v15+s11+$0x0] =	vst.idx.msk $0xffff, v5  }
0xf6: {  	[tilespmem:v15+s12+$0x0] =	vst.idx.msk $0xffff, v4;
	v15 =	vadd.s32 v12, v13  }
0xf7: {  	[tilespmem:v63+s11+$0x0] =	vst.idx.msk $0xffff, v5  }
0xf8: {  	[tilespmem:v63+s12+$0x0] =	vst.idx.msk $0xffff, v4  }
0xf9: {  	[tilespmem:v14+s11+$0x0] =	vst.idx.msk $0xffff, v5  }
0xfa: {  	[tilespmem:v14+s12+$0x0] =	vst.idx.msk $0xffff, v4  }
0xfb: {  	[tilespmem:v15+s11+$0x0] =	vst.idx.msk $0xffff, v5  }
0xfc: {  	[tilespmem:v15+s12+$0x0] =	vst.idx.msk $0xffff, v4  }
0xfd: {  	s15 =	rddreg [dreg:$0x2];
	[tilespmem:$0x8800] =	vst v13  }
0xfe: {  	[hbm4b:s15+s2] =	stream.linear.scatter [tilespmem:s11], [sflag:$0x5], $0x3080, $0x38;
	[tilespmem:$0x8880] =	vst v63  }
0xff: {  	_ =	swait.ge [sflag:s13], $0x3080  }
0x100: {  	[sflag:s13] =	ssyncset.done $0x0  }
0x101: {  	s29 =	rddreg [dreg:$0x3];
	[sflag:s13] =	ssyncadd.s32 $0xFFFFCF80  }
0x102: {  	[hbm4b:s29+s2] =	stream.linear.scatter [tilespmem:s12], [sflag:$0x5], $0x3080, $0x38;
	[tilespmem:$0x8880] =	vst v63  }
0x103: {  	_ =	swait.ge [sflag:s13], $0x3080  }
0x104: {  	[sflag:s13] =	ssyncset.done $0x0  }
0x105: {  	s16 =	simm.s32 $0x8800;
	s30 =	rddreg [dreg:$0x4];
	[sflag:s13] =	ssyncadd.s32 $0xFFFFCF80  }
0x106: {  	[hbm4b:s30+s2] =	stream.linear.scatter [tilespmem:s16], [sflag:$0x5], $0x10, $0x38;
	[tilespmem:$0x8880] =	vst v63  }
0x107: {  	_ =	swait.ge [sflag:s13], $0x10  }
0x108: {  	s14 =	sadd.s32 $0x1, s14;
	s31 =	rddreg [dreg:$0x5]  }
0x109: {  	p0 =	sne.s32 s14, s31  }
.Ltmp3:
0x10a: {  	_ = 	snop;
	(pc) =	sbr.rel @p0 .LBB2_1-.Ltmp3, $3  }
0x10b: {  	_ =	sdelay $0x1  }
0x10c: {  	[sflag:s13] =	ssyncset.done $0x0  }
0x10d: {  	[sflag:s13] =	ssyncadd.s32 $0xFFFFFFF0  }
0x10e: {  	_ =	sfence.sel $0x180000  }
0x10f: {  	[bflag:$0x0] =	sbarrier.arrive $0xFFFF  }
0x110: {  	_ =	strace $0x90000047  }
0x111: {  	s0 =	stileid.u32;
	[bflag:$0x2] =	sbarrier.arrive $0xFFFF  }
0x112: {  	p0 =	sne.s32 s0, $0x0;
	s0 =	rddreg [dreg:$0x1]  }
0x113: {  	s0 =	sadd.s32 @!p0 $0x100000, s0  }
0x114: {  	[sflag:s0] =	ssyncadd.tile.s32 @!p0 $0x1;
	_ =	shalt  }
.Lfunc_end2:
_tile_overlayer_lowered:
.L_overlay_start_2:
0x115: {  	(tag) =	ssettag $0x2  }
0x116: {  	s0 =	rddreg [dreg:$0x0];
	s2 =	stileid.u32  }
0x117: {  	s1 =	rddreg [dreg:$0x1];
	p0 =	sne.s32 s2, $0x0  }
0x118: {  	s3 =	rddreg [dreg:$0x2];
	[bflag:$0x3] =	sbarrier.arrive $0xFFFF;
	s2 =	simm.s32 @!p0 $0x1C05  }
0x119: {  	[timem:s3], [sflag:s2] =	dma.local @!p0 [hbm:s0], s1  }
0x11a: {  	s0 =	simm.s32 @!p0 $0x5  }
0x11b: {  	_ =	swait.ge @!p0 [sflag:s0], s1  }
0x11c: {  	s1 =	ssub.s32 @!p0 $0x0, s1;
	[sflag:s0] =	ssyncset.done @!p0 $0x0  }
0x11d: {  	[sflag:s0] =	ssyncadd.s32 @!p0 s1  }
0x11e: {  	[bflag:$0x3] =	sbarrier.arrive $0xFFFF  }
0x11f: {  	_ =	shalt  }

// kernel: kernel.14.cloned.1.call-start
scs
__scs_entry_jumppad:
0x0: {  	(pc) =	sbr.rel $0x88, $3  }
0x1: {  	(tag) =	ssettag $0x0;
	lr =	simm.s32 $0x1  }
0x2: {  	[smem:$0x3F8F] =	sst lr;
	_ =	strace $0xD0000000  }
0x3: {  	_ = 	snop  }
0x4: {  	_ = 	snop  }
0x5: {  	_ = 	snop  }
0x6: {  	_ = 	snop  }
0x7: {  	_ = 	snop  }
__scs_overlays_trampoline_lowered:
0x8: {  	[smem:$0x3F9E] =	sst s0  }
0x9: {  	[smem:$0x3F9F] =	sst s1  }
0xa: {  	[smem:$0x3FA0] =	sst s2  }
0xb: {  	[smem:$0x3FA1] =	sst s3  }
0xc: {  	[smem:$0x3FA2] =	sst s4  }
0xd: {  	[smem:$0x3FA3] =	sst s5  }
0xe: {  	[smem:$0x3FA4] =	sst s6  }
0xf: {  	[smem:$0x3FA5] =	sst s7  }
0x10: {  	[smem:$0x3FA6] =	sst s8  }
0x11: {  	[smem:$0x3FA7] =	sst s9;
	s0 =	simm.s32 @!p0 $0x0  }
0x12: {  	s1 =	sld [smem:$0x3F8D];
	s0 =	simm.s32 @p0 $0x1  }
0x13: {  	[smem:$0x3FA8] =	sst s0;
	s0 =	simm.s32 @!p1 $0x0  }
0x14: {  	s2 =	sld [smem:$0x3F8C];
	s0 =	simm.s32 @p1 $0x1  }
0x15: {  	[smem:$0x3FA9] =	sst s0;
	s0 =	simm.s32 @!p2 $0x0  }
0x16: {  	s3 =	sld [smem:$0x3FDB];
	s0 =	simm.s32 @p2 $0x1  }
0x17: {  	s4 =	simm.s32 $0x1BF5;
	[smem:$0x3FAB] =	sst s0  }
0x18: {  	s0 =	sld [smem:$0x3F8E];
	_ =	swait.ge [sflag:s4], $0x0  }
0x19: {  	s7 =	sld [smem:$0x3F8F]  }
0x1a: {  	s8 =	sadd.s32 $0xFFFFE003, lr  }
0x1b: {  	s9 =	sadd.s32 $0xFFFFFEF7, lr;
	s5 =	simm.s32 $0xFFFFFFFF;
	p2 =	slt.u32 s8, $0xFFFFF086  }
0x1c: {  	p1 =	slt.u32 s9, $0xF7A;
	s5 =	simm.s32 @!p2 $0x0  }
0x1d: {  	s5 =	simm.s32 @p1 $0x1;
	p0 =	seq.s32 s7, s2  }
0x1e: {  	s7 =	smul.u32 @!p0 $0xF7A, s2;
	p2 =	seq.s32 @!p0 s5, $0x0  }
0x1f: {  	s9 =	smul.u32 $0xF7A, s1;
	s8 =	simm.s32 @!p0 $0x1BF5;
	p2 =	por !p2, p0  }
0x20: {  	[sflag:s8] =	ssyncset.s32 @!p0 $0xFFFFF086;
	s6 =	sadd.s32 @!p0 s3, s7;
	s7 =	simm.s32 @!p0 $0x108  }
0x21: {  	s3 =	sadd.s32 s3, s9;
	s6 =	sadd.s32 @!p0 $0x88, s6;
	s7 =	simm.s32 @p2 $0x1082  }
0x22: {  	[simem:s7], [sflag:s8] =	dma.local @!p0 [hbm:s6], $0xF7A  }
0x23: {  	s9 =	sor.u32 $0xD0000000, s2;
	s6 =	simm.s32 $0x108;
	_ =	swait.ge @!p0 [sflag:s8], $0x0  }
0x24: {  	s3 =	sadd.s32 $0x88, s3;
	s6 =	simm.s32 @!p1 $0x1082;
	[sflag:s4] =	ssyncset.s32 $0xFFFFF086  }
0x25: {  	[simem:s6], [sflag:s4] =	dma.local [hbm:s3], $0xF7A  }
0x26: {  	[smem:$0x3F8F] =	sst s1;
	(tag) =	ssettag s2;
	_ =	strace s9  }
0x27: {  	s1 =	sld [smem:$0x3F9F]  }
0x28: {  	s2 =	sld [smem:$0x3FA0]  }
0x29: {  	s4 =	sld [smem:$0x3FA2]  }
0x2a: {  	p0 =	seq.s32 s5, $0x0;
	s5 =	sld [smem:$0x3FA3]  }
0x2b: {  	s6 =	sld [smem:$0x3FA4]  }
0x2c: {  	s7 =	sld [smem:$0x3FA5]  }
0x2d: {  	s3 =	simm.s32 $0x108;
	s8 =	sld [smem:$0x3FA6]  }
0x2e: {  	s3 =	simm.s32 @!p0 $0x1082;
	s9 =	sld [smem:$0x3FA7]  }
0x2f: {  	lr =	sadd.s32 s0, s3;
	s0 =	sld [smem:$0x3F9E]  }
0x30: {  	s3 =	sld [smem:$0x3FA1]  }
0x31: {  	[smem:$0x3FAA] =	sst s10  }
0x32: {  	s10 =	sld [smem:$0x3FA8];
	_ =	sdelay $0x3  }
0x33: {  	p0 =	seq.s32 s10, $0x1;
	s10 =	sld [smem:$0x3FAA];
	_ =	sdelay $0x3  }
0x34: {  	[smem:$0x3FAA] =	sst s10  }
0x35: {  	s10 =	sld [smem:$0x3FA9];
	_ =	sdelay $0x3  }
0x36: {  	p1 =	seq.s32 s10, $0x1;
	s10 =	sld [smem:$0x3FAA];
	_ =	sdelay $0x3  }
0x37: {  	[smem:$0x3FAA] =	sst s10  }
0x38: {  	s10 =	sld [smem:$0x3FAB]  }
0x39: {  	_ = 	snop;
	(pc) =	sbr.ind lr, $3  }
0x3a: {  	_ = 	snop  }
0x3b: {  	_ = 	snop  }
0x3c: {  	p2 =	seq.s32 s10, $0x1;
	s10 =	sld [smem:$0x3FAA]  }
0x3d: {  	_ =	shalt  }
0x3e: {  	_ =	shalt  }
0x3f: {  	_ =	shalt  }
0x40: {  	_ =	shalt  }
0x41: {  	_ =	shalt  }
0x42: {  	_ =	shalt  }
0x43: {  	_ =	shalt  }
0x44: {  	_ =	shalt  }
0x45: {  	_ =	shalt  }
0x46: {  	_ =	shalt  }
0x47: {  	_ =	shalt  }
0x48: {  	_ =	shalt  }
0x49: {  	_ =	shalt  }
0x4a: {  	_ =	shalt  }
0x4b: {  	_ =	shalt  }
0x4c: {  	_ =	shalt  }
0x4d: {  	_ =	shalt  }
0x4e: {  	_ =	shalt  }
0x4f: {  	_ =	shalt  }
0x50: {  	_ =	shalt  }
0x51: {  	_ =	shalt  }
0x52: {  	_ =	shalt  }
0x53: {  	_ =	shalt  }
0x54: {  	_ =	shalt  }
0x55: {  	_ =	shalt  }
0x56: {  	_ =	shalt  }
0x57: {  	_ =	shalt  }
0x58: {  	_ =	shalt  }
0x59: {  	_ =	shalt  }
0x5a: {  	_ =	shalt  }
0x5b: {  	_ =	shalt  }
0x5c: {  	_ =	shalt  }
0x5d: {  	_ =	shalt  }
0x5e: {  	_ =	shalt  }
0x5f: {  	_ =	shalt  }
0x60: {  	_ =	shalt  }
0x61: {  	_ =	shalt  }
0x62: {  	_ =	shalt  }
0x63: {  	_ =	shalt  }
0x64: {  	_ =	shalt  }
0x65: {  	_ =	shalt  }
0x66: {  	_ =	shalt  }
0x67: {  	_ =	shalt  }
0x68: {  	_ =	shalt  }
0x69: {  	_ =	shalt  }
0x6a: {  	_ =	shalt  }
0x6b: {  	_ =	shalt  }
0x6c: {  	_ =	shalt  }
0x6d: {  	_ =	shalt  }
0x6e: {  	_ =	shalt  }
0x6f: {  	_ =	shalt  }
0x70: {  	_ =	shalt  }
0x71: {  	_ =	shalt  }
0x72: {  	_ =	shalt  }
0x73: {  	_ =	shalt  }
0x74: {  	_ =	shalt  }
0x75: {  	_ =	shalt  }
0x76: {  	_ =	shalt  }
0x77: {  	_ =	shalt  }
0x78: {  	_ =	shalt  }
0x79: {  	_ =	shalt  }
0x7a: {  	_ =	shalt  }
0x7b: {  	_ =	shalt  }
0x7c: {  	_ =	shalt  }
0x7d: {  	_ =	shalt  }
0x7e: {  	_ =	shalt  }
0x7f: {  	_ =	shalt  }
0x80: {  	_ =	shalt  }
0x81: {  	_ =	shalt  }
0x82: {  	_ =	shalt  }
0x83: {  	_ =	shalt  }
0x84: {  	_ =	shalt  }
0x85: {  	_ =	shalt  }
0x86: {  	_ =	shalt  }
0x87: {  	_ =	shalt  }
.Lfunc_end0:
.L_simem_size_0:
called_computation.1_lowered:
.L_overlay_start_0:
0x88: {  	s2 =	sld [smem:$0x3FD9]  }
0x89: {  	s3 =	sld [smem:$0x3FFE];
	_ =	sdelay $0x1  }
0x8a: {  	s1 =	srdreg.scid  }
0x8b: {  	s0 =	sand.u32 $0x1, s1  }
0x8c: {  	s16 =	sshll.u32 s0, $0xA;
	s2 =	sadd.s32 s3, s2  }
0x8d: {  	s2 =	sadd.s32 s2, s16  }
0x8e: {  	[smem:$0x3FB6] =	sst s2  }
0x8f: {  	_ = 	snop  }
0x90: {  	(tm) =	ssettm $0x1  }
0x91: {  	s17 =	sld [smem:$0x3FFB];
	_ =	sdelay $0x3  }
0x92: {  	_ =	strace s17  }
0x93: {  	s2 =	sld [smem:$0x3FFC];
	_ =	sdelay $0x3  }
0x94: {  	_ =	strace s2  }
0x95: {  	s2 =	sld [smem:$0x3FFD];
	_ =	sdelay $0x3  }
0x96: {  	_ =	strace s2  }
0x97: {  	_ =	strace $0x8FFFFFFF  }
0x98: {  	s18 =	sld [smem:$0x3FDB];
	_ =	sdelay $0x1  }
0x99: {  	s19 =	simm.s32 $_scs_section_size  }
0x9a: {  	s4 =	simm.s32 $_size__tile_overlayer_lowered;
	s5 =	simm.s32 $_tile_overlayer_lowered  }
0x9b: {  	s22 =	simm.s32 $0x1BFF;
	s21 =	sshll.u32 s5, $0x1;
	s2 =	sadd.s32 s19, s18  }
0x9c: {  	s6 =	simm.s32 $0x0;
	s20 =	sshll.u32 s4, $0x1;
	s4 =	sadd.s32 s21, s2  }
0x9d: {  	[timem:s6], [sflag:s22] =	dma.local [hbm:s4], s20  }
0x9e: {  	_ =	swait.ge [sflag:s22], s20  }
0x9f: {  	s3 =	ssub.s32 $0x0, s20;
	[sflag:s22] =	ssyncset.done $0x0  }
0xa0: {  	[sflag:s22] =	ssyncadd.s32 s3;
	_ =	sdelay $0x1  }
0xa1: {  	s23 =	simm.s32 $0x1B8B  }
0xa2: {  	_ =	swait.ge [sflag:s23], $0x1  }
0xa3: {  	[sflag:s23] =	ssyncset.done $0x0  }
0xa4: {  	s25 =	simm.s32 $0x1B8E;
	s24 =	sld [smem:$0x3FFE];
	[sflag:s23] =	ssyncadd.s32 $0xFFFFFFFF  }
0xa5: {  	s26 =	simm.s32 $execute0_lowered;
	[smem:$0x3FD2] =	sst s25  }
0xa6: {  	s4 =	sshll.u32 s26, $0x1;
	_ =	strace $0x80000049;
	[dreg:$0x1] =	wrdreg $0xFFFFFFFF  }
0xa7: {  	s28 =	simm.s32 $_size_execute0_lowered;
	s2 =	sadd.s32 s2, s4;
	[dreg:$0x0] =	wrdreg $0x0  }
0xa8: {  	s4 =	sshll.u32 s28, $0x1;
	[dreg:$0x2] =	wrdreg s2  }
0xa9: {  	[dreg:$0x3] =	wrdreg s4  }
0xaa: {  	[dreg:$0x4] =	wrdreg $0xC0  }
0xab: {  	_ =	task [dreg:s6], $0x5FFFF  }
0xac: {  	[dreg:$0x1] =	wrdreg $0xFFFFFFFF  }
0xad: {  	[dreg:$0x0] =	wrdreg $0x60  }
0xae: {  	[dreg:$0x2] =	wrdreg s24  }
0xaf: {  	[dreg:$0x3] =	wrdreg $0x74800  }
0xb0: {  	[dreg:$0x4] =	wrdreg $0x9  }
0xb1: {  	_ =	task.clear_ibuf [dreg:s6], $0x5FFFF;
	_ =	strace $0x90000049  }
0xb2: {  	s29 =	simm.s32 $0x9;
	_ =	strace $0x8000004B  }
0xb3: {  	_ =	swait.ge [sflag:s29], $0x1  }
0xb4: {  	[sflag:s29] =	ssyncadd.s32 $0xFFFFFFFF  }
0xb5: {  	_ =	strace $0x9000004B  }
0xb6: {  	_ =	sfence  }
0xb7: {  	s30 =	sld [smem:$0x0];
	_ =	sdelay $0x2  }
0xb8: {  	s31 =	sshll.u32 s1, $0xD;
	s1 =	sshrl.u32 s1, $0x2  }
0xb9: {  	s3 =	sand.u32 $0x4000, s31;
	s1 =	sadd.s32 s1, s30  }
0xba: {  	s0 =	sor.u32 s3, s0;
	s1 =	sshll.u32 s1, $0x11  }
0xbb: {  	s0 =	sor.u32 s1, s0  }
0xbc: {  	s0 =	sadd.s32 $0x8F2B, s0  }
0xbd: {  	[sflag:s0] =	ssyncadd.remote.s32 $0x1  }
0xbe: {  	_ =	sfence.sel $0xFFFF  }
0xbf: {  	[dreg:$0x0] =	wrdreg $0xFFFFFFFF;
	(pc) =	sbr.abs _section_cstart, $3  }
0xc0: {  	[dreg:$0x1] =	wrdreg $0xFFFFFFFF  }
0xc1: {  	_ =	task.clear_ibuf [dreg:s6], $0x2FFFF;
	_ =	strace $0x9FFFFFFF  }
0xc2: {  	(tm) =	ssettm $0x7FFFFFFF  }
0xc3: {  	_ =	shalt  }
tec
execute0_lowered:
.L_overlay_start_1:
0x0: {  	(tag) =	ssettag $0x1  }
0x1: {  	s0 =	srdreg.scid;
	s6 =	rddreg [dreg:$0x0]  }
0x2: {  	s2 =	rddreg [dreg:$0x1];
	s1 =	stileid.u32;
	s3 =	simm.s32 $0x0  }
0x3: {  	s14 =	simm.s32 $0x3480;
	s5 =	sand.u32 $0x1, s0;
	s0 =	rddreg [dreg:$0x2]  }
0x4: {  	s15 =	simm.s32 $0x80;
	s16 =	simm.s32 $0x0;
	[smem:$0x7FF] =	sst s3  }
0x5: {  	s11 =	smul.u32 $0x28000, s1;
	s12 =	sshll.u32 s1, $0x6;
	s4 =	sshll.u32 s5, $0x4  }
0x6: {  	_ =	strace $0x8000004A;
	s10 =	ssub.s32 $0x2, s5;
	s4 =	sor.u32 s1, s4  }
0x7: {  	s5 =	sadd.s32 $0x6C00, s6;
	s12 =	sor.u32 $0x1C01, s12;
	s7 =	smul.u32 $0x680, s4  }
0x8: {  	s31 =	sshrl.u32 s10, $0x1;
	s11 =	sshrl.u32 s11, $0x2;
	s9 =	smul.u32 $0x1400, s4  }
.Ltmp0:
0x9: {  	s8 =	sshll.u32 s4, $0x1;
	s4 =	sadd.s32 $0x5800, s6;
	(pc) =	sbr.rel .LBB2_1-.Ltmp0, $4  }
0xa: {  	s10 =	ssub.s32 s10, s31;
	s13 =	sadd.s32 s11, s2;
	s11 =	simm.s32 $0x3400  }
0xb: {  	s8 =	sadd.s32 s8, s6;
	s13 =	sshrl.u32 s13, $0x3;
	s7 =	sadd.s32 s7, s6  }
0xc: {  	s9 =	sadd.s32 s9, s6;
	s6 =	sadd.s32 $0x26400, s7;
	s7 =	sadd.s32 $0x33400, s8  }
0xd: {  	s8 =	sadd.s32 $0x33600, s9;
	s9 =	smax.u32 s10, $0x1;
	s10 =	simm.s32 $0x1  }
.LBB2_4:
0xe: {  	[sflag:s10] =	ssyncadd.s32 $0xFFFFC000  }
.LBB2_5:
0xf: {  	s16 =	sadd.s32 $0x1, s16  }
0x10: {  	p0 =	sne.s32 s16, s9  }
.Ltmp1:
0x11: {  	_ = 	snop;
	(pc) =	sbr.rel @!p0 .LBB2_6-.Ltmp1, $4  }
0x12: {  	[hbm:s8], [sflag:s12] =	dma.local [spmem:s13], $0x13C0  }
0x13: {  	_ =	swait.ge [sflag:s10], $0x13C0  }
0x14: {  	[sflag:s10] =	ssyncset.done $0x0  }
0x15: {  	[sflag:s10] =	ssyncadd.s32 $0xFFFFEC40  }
.LBB2_1:
0x16: {  	[tilespmem:s3], [sflag:$0x1] =	stream.linear.gather [hbm4b:s6+s3], $0x3080, $0x38;
	[tilespmem:$0x11480] =	vst v63  }
0x17: {  	_ =	swait.ge [sflag:s10], $0x3080  }
0x18: {  	[sflag:s10] =	ssyncset.done $0x0  }
0x19: {  	[sflag:s10] =	ssyncadd.s32 $0xFFFFCF80  }
0x1a: {  	[tilespmem:s11], [sflag:$0x1] =	stream.linear.gather [hbm4b:s7+s3], $0x10, $0x38;
	[tilespmem:$0x11480] =	vst v63  }
0x1b: {  	_ =	swait.ge [sflag:s10], $0x10  }
0x1c: {  	[sflag:s10] =	ssyncset.done $0x0  }
0x1d: {  	[sflag:s10] =	ssyncadd.s32 $0xFFFFFFF0  }
0x1e: {  	[spmem:s13], [sflag:s12] =	dma.local [hbm:s4], $0x1400  }
0x1f: {  	_ =	swait.ge [sflag:s10], $0x1400  }
0x20: {  	[sflag:s10] =	ssyncset.done $0x0  }
0x21: {  	[sflag:s10] =	ssyncadd.s32 $0xFFFFEC00  }
0x22: {  	[tilespmem:s14], [sflag:$0x1] =	stream.linear.gather [hbm4b:s5+s3], $0x4000, $0x38;
	[tilespmem:$0x11480] =	vst v63  }
0x23: {  	_ =	swait.ge [sflag:s10], $0x4000  }
0x24: {  	[sflag:s10] =	ssyncset.done $0x0  }
0x25: {  	[sflag:s10] =	ssyncadd.s32 $0xFFFFC000  }
0x26: {  	v0 =	vld [tilespmem:$0x3400];
	_ =	sdelay $0x4  }
0x27: {  	(v2sf) =	vpush v0, $0x0;
	_ =	sdelay $0xe  }
0x28: {  	s17 =	spop (v2sf)  }
0x29: {  	s17 =	sadd.s32 $0x7F, s17  }
0x2a: {  	s17 =	sshra.s32 s17, $0x7  }
0x2b: {  	p0 =	slt.s32 s17, $0x1  }
.Ltmp2:
0x2c: {  	_ = 	snop;
	(pc) =	sbr.rel @p0 .LBB2_5-.Ltmp2, $1  }
0x2d: {  	_ =	sdelay $0x3  }
0x2e: {  	p0 =	sne.s32 s17, $0x1  }
.Ltmp3:
0x2f: {  	_ = 	snop;
	(pc) =	sbr.rel @!p0 .LBB2_4-.Ltmp3, $4  }
0x30: {  	_ = 	snop  }
0x31: {  	[spmem:s2] =	stream.indirect.scatter.add.f32 [tilespmem:s14], [sflag:$0x1], $0x80, s3, s15, $0xb8;
	[tilespmem:$0x11480] =	vst v63  }
0x32: {  	_ =	swait.ge [sflag:s10], $0x4000  }
0x33: {  	s17 =	sadd.s32 $0xFFFFFFFF, s17;
	s18 =	simm.s32 $0x0;
	[sflag:s10] =	ssyncset.done $0x0  }
.LBB2_3:
0x34: {  	p0 =	sne.s32 s17, $0x1;
	[sflag:s10] =	ssyncadd.s32 $0xFFFFC000;
	s18 =	sadd.s32 $0x80, s18  }
.Ltmp4:
0x35: {  	s17 =	sadd.s32 $0xFFFFFFFF, s17;
	(pc) =	sbr.rel @p0 .LBB2_3-.Ltmp4, $4  }
0x36: {  	_ = 	snop  }
0x37: {  	[spmem:s2] =	stream.indirect.scatter.add.f32 [tilespmem:s14], [sflag:$0x1], $0x80, s18, s15, $0xb8;
	[tilespmem:$0x11480] =	vst v63  }
0x38: {  	_ =	swait.ge [sflag:s10], $0x4000  }
0x39: {  	[sflag:s10] =	ssyncset.done $0x0  }
.Ltmp5:
0x3a: {  	_ = 	snop;
	(pc) =	sbr.rel .LBB2_4-.Ltmp5, $1  }
0x3b: {  	_ =	sdelay $0x3  }
.LBB2_6:
0x3c: {  	_ =	sfence.sel $0x180000  }
0x3d: {  	[bflag:$0x0] =	sbarrier.arrive $0xFFFF  }
0x3e: {  	p0 =	sne.s32 s1, $0x0;
	_ =	strace $0x9000004A  }
0x3f: {  	s0 =	sadd.s32 @!p0 $0x100000, s0;
	[bflag:$0x2] =	sbarrier.arrive $0xFFFF  }
0x40: {  	[sflag:s0] =	ssyncadd.tile.s32 @!p0 $0x1;
	_ =	shalt  }
.Lfunc_end2:
_tile_overlayer_lowered:
.L_overlay_start_2:
0x41: {  	(tag) =	ssettag $0x2  }
0x42: {  	s0 =	rddreg [dreg:$0x0];
	s2 =	stileid.u32  }
0x43: {  	s1 =	rddreg [dreg:$0x1];
	p0 =	sne.s32 s2, $0x0  }
0x44: {  	s3 =	rddreg [dreg:$0x2];
	[bflag:$0x3] =	sbarrier.arrive $0xFFFF;
	s2 =	simm.s32 @!p0 $0x1C01  }
0x45: {  	[timem:s3], [sflag:s2] =	dma.local @!p0 [hbm:s0], s1  }
0x46: {  	s0 =	simm.s32 @!p0 $0x1  }
0x47: {  	_ =	swait.ge @!p0 [sflag:s0], s1  }
0x48: {  	s1 =	ssub.s32 @!p0 $0x0, s1;
	[sflag:s0] =	ssyncset.done @!p0 $0x0  }
0x49: {  	[sflag:s0] =	ssyncadd.s32 @!p0 s1  }
0x4a: {  	[bflag:$0x3] =	sbarrier.arrive $0xFFFF  }
0x4b: {  	_ =	shalt  }

// kernel: kernel.17.cloned.1.call-start
scs
__scs_entry_jumppad:
0x0: {  	(pc) =	sbr.rel $0x88, $3  }
0x1: {  	(tag) =	ssettag $0x0;
	lr =	simm.s32 $0x1  }
0x2: {  	[smem:$0x3F8F] =	sst lr;
	_ =	strace $0xD0000000  }
0x3: {  	_ = 	snop  }
0x4: {  	_ = 	snop  }
0x5: {  	_ = 	snop  }
0x6: {  	_ = 	snop  }
0x7: {  	_ = 	snop  }
__scs_overlays_trampoline_lowered:
0x8: {  	[smem:$0x3F9E] =	sst s0  }
0x9: {  	[smem:$0x3F9F] =	sst s1  }
0xa: {  	[smem:$0x3FA0] =	sst s2  }
0xb: {  	[smem:$0x3FA1] =	sst s3  }
0xc: {  	[smem:$0x3FA2] =	sst s4  }
0xd: {  	[smem:$0x3FA3] =	sst s5  }
0xe: {  	[smem:$0x3FA4] =	sst s6  }
0xf: {  	[smem:$0x3FA5] =	sst s7  }
0x10: {  	[smem:$0x3FA6] =	sst s8  }
0x11: {  	[smem:$0x3FA7] =	sst s9;
	s0 =	simm.s32 @!p0 $0x0  }
0x12: {  	s1 =	sld [smem:$0x3F8D];
	s0 =	simm.s32 @p0 $0x1  }
0x13: {  	[smem:$0x3FA8] =	sst s0;
	s0 =	simm.s32 @!p1 $0x0  }
0x14: {  	s2 =	sld [smem:$0x3F8C];
	s0 =	simm.s32 @p1 $0x1  }
0x15: {  	[smem:$0x3FA9] =	sst s0;
	s0 =	simm.s32 @!p2 $0x0  }
0x16: {  	s3 =	sld [smem:$0x3FDB];
	s0 =	simm.s32 @p2 $0x1  }
0x17: {  	s4 =	simm.s32 $0x1BF5;
	[smem:$0x3FAB] =	sst s0  }
0x18: {  	s0 =	sld [smem:$0x3F8E];
	_ =	swait.ge [sflag:s4], $0x0  }
0x19: {  	s7 =	sld [smem:$0x3F8F]  }
0x1a: {  	s8 =	sadd.s32 $0xFFFFE003, lr  }
0x1b: {  	s9 =	sadd.s32 $0xFFFFFEF7, lr;
	s5 =	simm.s32 $0xFFFFFFFF;
	p2 =	slt.u32 s8, $0xFFFFF086  }
0x1c: {  	p1 =	slt.u32 s9, $0xF7A;
	s5 =	simm.s32 @!p2 $0x0  }
0x1d: {  	s5 =	simm.s32 @p1 $0x1;
	p0 =	seq.s32 s7, s2  }
0x1e: {  	s7 =	smul.u32 @!p0 $0xF7A, s2;
	p2 =	seq.s32 @!p0 s5, $0x0  }
0x1f: {  	s9 =	smul.u32 $0xF7A, s1;
	s8 =	simm.s32 @!p0 $0x1BF5;
	p2 =	por !p2, p0  }
0x20: {  	[sflag:s8] =	ssyncset.s32 @!p0 $0xFFFFF086;
	s6 =	sadd.s32 @!p0 s3, s7;
	s7 =	simm.s32 @!p0 $0x108  }
0x21: {  	s3 =	sadd.s32 s3, s9;
	s6 =	sadd.s32 @!p0 $0x88, s6;
	s7 =	simm.s32 @p2 $0x1082  }
0x22: {  	[simem:s7], [sflag:s8] =	dma.local @!p0 [hbm:s6], $0xF7A  }
0x23: {  	s9 =	sor.u32 $0xD0000000, s2;
	s6 =	simm.s32 $0x108;
	_ =	swait.ge @!p0 [sflag:s8], $0x0  }
0x24: {  	s3 =	sadd.s32 $0x88, s3;
	s6 =	simm.s32 @!p1 $0x1082;
	[sflag:s4] =	ssyncset.s32 $0xFFFFF086  }
0x25: {  	[simem:s6], [sflag:s4] =	dma.local [hbm:s3], $0xF7A  }
0x26: {  	[smem:$0x3F8F] =	sst s1;
	(tag) =	ssettag s2;
	_ =	strace s9  }
0x27: {  	s1 =	sld [smem:$0x3F9F]  }
0x28: {  	s2 =	sld [smem:$0x3FA0]  }
0x29: {  	s4 =	sld [smem:$0x3FA2]  }
0x2a: {  	p0 =	seq.s32 s5, $0x0;
	s5 =	sld [smem:$0x3FA3]  }
0x2b: {  	s6 =	sld [smem:$0x3FA4]  }
0x2c: {  	s7 =	sld [smem:$0x3FA5]  }
0x2d: {  	s3 =	simm.s32 $0x108;
	s8 =	sld [smem:$0x3FA6]  }
0x2e: {  	s3 =	simm.s32 @!p0 $0x1082;
	s9 =	sld [smem:$0x3FA7]  }
0x2f: {  	lr =	sadd.s32 s0, s3;
	s0 =	sld [smem:$0x3F9E]  }
0x30: {  	s3 =	sld [smem:$0x3FA1]  }
0x31: {  	[smem:$0x3FAA] =	sst s10  }
0x32: {  	s10 =	sld [smem:$0x3FA8];
	_ =	sdelay $0x3  }
0x33: {  	p0 =	seq.s32 s10, $0x1;
	s10 =	sld [smem:$0x3FAA];
	_ =	sdelay $0x3  }
0x34: {  	[smem:$0x3FAA] =	sst s10  }
0x35: {  	s10 =	sld [smem:$0x3FA9];
	_ =	sdelay $0x3  }
0x36: {  	p1 =	seq.s32 s10, $0x1;
	s10 =	sld [smem:$0x3FAA];
	_ =	sdelay $0x3  }
0x37: {  	[smem:$0x3FAA] =	sst s10  }
0x38: {  	s10 =	sld [smem:$0x3FAB]  }
0x39: {  	_ = 	snop;
	(pc) =	sbr.ind lr, $3  }
0x3a: {  	_ = 	snop  }
0x3b: {  	_ = 	snop  }
0x3c: {  	p2 =	seq.s32 s10, $0x1;
	s10 =	sld [smem:$0x3FAA]  }
0x3d: {  	_ =	shalt  }
0x3e: {  	_ =	shalt  }
0x3f: {  	_ =	shalt  }
0x40: {  	_ =	shalt  }
0x41: {  	_ =	shalt  }
0x42: {  	_ =	shalt  }
0x43: {  	_ =	shalt  }
0x44: {  	_ =	shalt  }
0x45: {  	_ =	shalt  }
0x46: {  	_ =	shalt  }
0x47: {  	_ =	shalt  }
0x48: {  	_ =	shalt  }
0x49: {  	_ =	shalt  }
0x4a: {  	_ =	shalt  }
0x4b: {  	_ =	shalt  }
0x4c: {  	_ =	shalt  }
0x4d: {  	_ =	shalt  }
0x4e: {  	_ =	shalt  }
0x4f: {  	_ =	shalt  }
0x50: {  	_ =	shalt  }
0x51: {  	_ =	shalt  }
0x52: {  	_ =	shalt  }
0x53: {  	_ =	shalt  }
0x54: {  	_ =	shalt  }
0x55: {  	_ =	shalt  }
0x56: {  	_ =	shalt  }
0x57: {  	_ =	shalt  }
0x58: {  	_ =	shalt  }
0x59: {  	_ =	shalt  }
0x5a: {  	_ =	shalt  }
0x5b: {  	_ =	shalt  }
0x5c: {  	_ =	shalt  }
0x5d: {  	_ =	shalt  }
0x5e: {  	_ =	shalt  }
0x5f: {  	_ =	shalt  }
0x60: {  	_ =	shalt  }
0x61: {  	_ =	shalt  }
0x62: {  	_ =	shalt  }
0x63: {  	_ =	shalt  }
0x64: {  	_ =	shalt  }
0x65: {  	_ =	shalt  }
0x66: {  	_ =	shalt  }
0x67: {  	_ =	shalt  }
0x68: {  	_ =	shalt  }
0x69: {  	_ =	shalt  }
0x6a: {  	_ =	shalt  }
0x6b: {  	_ =	shalt  }
0x6c: {  	_ =	shalt  }
0x6d: {  	_ =	shalt  }
0x6e: {  	_ =	shalt  }
0x6f: {  	_ =	shalt  }
0x70: {  	_ =	shalt  }
0x71: {  	_ =	shalt  }
0x72: {  	_ =	shalt  }
0x73: {  	_ =	shalt  }
0x74: {  	_ =	shalt  }
0x75: {  	_ =	shalt  }
0x76: {  	_ =	shalt  }
0x77: {  	_ =	shalt  }
0x78: {  	_ =	shalt  }
0x79: {  	_ =	shalt  }
0x7a: {  	_ =	shalt  }
0x7b: {  	_ =	shalt  }
0x7c: {  	_ =	shalt  }
0x7d: {  	_ =	shalt  }
0x7e: {  	_ =	shalt  }
0x7f: {  	_ =	shalt  }
0x80: {  	_ =	shalt  }
0x81: {  	_ =	shalt  }
0x82: {  	_ =	shalt  }
0x83: {  	_ =	shalt  }
0x84: {  	_ =	shalt  }
0x85: {  	_ =	shalt  }
0x86: {  	_ =	shalt  }
0x87: {  	_ =	shalt  }
.Lfunc_end0:
.L_simem_size_0:
called_computation.2_lowered:
.L_overlay_start_0:
0x88: {  	s2 =	sld [smem:$0x3FD9]  }
0x89: {  	s3 =	sld [smem:$0x3FFE];
	_ =	sdelay $0x1  }
0x8a: {  	s1 =	srdreg.scid  }
0x8b: {  	s0 =	sand.u32 $0x1, s1  }
0x8c: {  	s16 =	sshll.u32 s0, $0xA;
	s2 =	sadd.s32 s3, s2  }
0x8d: {  	s2 =	sadd.s32 s2, s16  }
0x8e: {  	[smem:$0x3FB6] =	sst s2  }
0x8f: {  	_ = 	snop  }
0x90: {  	(tm) =	ssettm $0x1  }
0x91: {  	s17 =	sld [smem:$0x3FFB];
	_ =	sdelay $0x3  }
0x92: {  	_ =	strace s17  }
0x93: {  	s2 =	sld [smem:$0x3FFC];
	_ =	sdelay $0x3  }
0x94: {  	_ =	strace s2  }
0x95: {  	s2 =	sld [smem:$0x3FFD];
	_ =	sdelay $0x3  }
0x96: {  	_ =	strace s2  }
0x97: {  	_ =	strace $0x8FFFFFFF  }
0x98: {  	s18 =	sld [smem:$0x3FDB];
	_ =	sdelay $0x1  }
0x99: {  	s19 =	simm.s32 $_scs_section_size  }
0x9a: {  	s4 =	simm.s32 $_size__tile_overlayer_lowered;
	s5 =	simm.s32 $_tile_overlayer_lowered  }
0x9b: {  	s22 =	simm.s32 $0x1BFF;
	s21 =	sshll.u32 s5, $0x1;
	s2 =	sadd.s32 s19, s18  }
0x9c: {  	s6 =	simm.s32 $0x0;
	s20 =	sshll.u32 s4, $0x1;
	s4 =	sadd.s32 s21, s2  }
0x9d: {  	[timem:s6], [sflag:s22] =	dma.local [hbm:s4], s20  }
0x9e: {  	_ =	swait.ge [sflag:s22], s20  }
0x9f: {  	s3 =	ssub.s32 $0x0, s20;
	[sflag:s22] =	ssyncset.done $0x0  }
0xa0: {  	[sflag:s22] =	ssyncadd.s32 s3;
	_ =	sdelay $0x1  }
0xa1: {  	s23 =	simm.s32 $0x1B8B  }
0xa2: {  	_ =	swait.ge [sflag:s23], $0x1  }
0xa3: {  	[sflag:s23] =	ssyncset.done $0x0  }
0xa4: {  	s25 =	simm.s32 $0x1B8E;
	s24 =	sld [smem:$0x3FFE];
	[sflag:s23] =	ssyncadd.s32 $0xFFFFFFFF  }
0xa5: {  	s26 =	simm.s32 $execute0_lowered;
	[smem:$0x3FD2] =	sst s25  }
0xa6: {  	s4 =	sshll.u32 s26, $0x1;
	_ =	strace $0x8000004C;
	[dreg:$0x1] =	wrdreg $0xFFFFFFFF  }
0xa7: {  	s28 =	simm.s32 $_size_execute0_lowered;
	s2 =	sadd.s32 s2, s4;
	[dreg:$0x0] =	wrdreg $0x0  }
0xa8: {  	s4 =	sshll.u32 s28, $0x1;
	[dreg:$0x2] =	wrdreg s2  }
0xa9: {  	[dreg:$0x3] =	wrdreg s4  }
0xaa: {  	[dreg:$0x4] =	wrdreg $0xC0  }
0xab: {  	_ =	task [dreg:s6], $0x5FFFF  }
0xac: {  	[dreg:$0x1] =	wrdreg $0xFFFFFFFF  }
0xad: {  	[dreg:$0x0] =	wrdreg $0x60  }
0xae: {  	[dreg:$0x2] =	wrdreg s24  }
0xaf: {  	[dreg:$0x3] =	wrdreg $0xE8800  }
0xb0: {  	[dreg:$0x4] =	wrdreg $0x9  }
0xb1: {  	_ =	task.clear_ibuf [dreg:s6], $0x5FFFF;
	_ =	strace $0x9000004C  }
0xb2: {  	s29 =	simm.s32 $0x9;
	_ =	strace $0x8000004E  }
0xb3: {  	_ =	swait.ge [sflag:s29], $0x1  }
0xb4: {  	[sflag:s29] =	ssyncadd.s32 $0xFFFFFFFF  }
0xb5: {  	_ =	strace $0x9000004E  }
0xb6: {  	_ =	sfence  }
0xb7: {  	s30 =	sld [smem:$0x0];
	_ =	sdelay $0x2  }
0xb8: {  	s31 =	sshll.u32 s1, $0xD;
	s1 =	sshrl.u32 s1, $0x2  }
0xb9: {  	s3 =	sand.u32 $0x4000, s31;
	s1 =	sadd.s32 s1, s30  }
0xba: {  	s0 =	sor.u32 s3, s0;
	s1 =	sshll.u32 s1, $0x11  }
0xbb: {  	s0 =	sor.u32 s1, s0  }
0xbc: {  	s0 =	sadd.s32 $0x8F2B, s0  }
0xbd: {  	[sflag:s0] =	ssyncadd.remote.s32 $0x1  }
0xbe: {  	_ =	sfence.sel $0xFFFF  }
0xbf: {  	[dreg:$0x0] =	wrdreg $0xFFFFFFFF;
	(pc) =	sbr.abs _section_cstart, $3  }
0xc0: {  	[dreg:$0x1] =	wrdreg $0xFFFFFFFF  }
0xc1: {  	_ =	task.clear_ibuf [dreg:s6], $0x2FFFF;
	_ =	strace $0x9FFFFFFF  }
0xc2: {  	(tm) =	ssettm $0x7FFFFFFF  }
0xc3: {  	_ =	shalt  }
tec
execute0_lowered:
.L_overlay_start_1:
0x0: {  	(tag) =	ssettag $0x1  }
0x1: {  	s0 =	srdreg.scid;
	s6 =	rddreg [dreg:$0x0]  }
0x2: {  	s2 =	rddreg [dreg:$0x1];
	s1 =	stileid.u32  }
0x3: {  	s3 =	simm.s32 $0x0;
	s16 =	simm.s32 $0x6880;
	s17 =	simm.s32 $0x80  }
0x4: {  	s18 =	simm.s32 $0x0;
	s5 =	sand.u32 $0x1, s0;
	s0 =	rddreg [dreg:$0x2]  }
0x5: {  	[smem:$0x7FF] =	sst s3;
	s12 =	smul.u32 $0x28000, s1;
	s14 =	sshll.u32 s1, $0x6  }
0x6: {  	s4 =	sshll.u32 s5, $0x4;
	_ =	strace $0x8000004D;
	s10 =	ssub.s32 $0x2, s5  }
0x7: {  	s5 =	sadd.s32 $0x5800, s6;
	s14 =	sor.u32 $0x1C03, s14;
	s7 =	sor.u32 s1, s4  }
0x8: {  	s4 =	sadd.s32 $0x33600, s6;
	s11 =	sshrl.u32 s10, $0x1;
	s8 =	smul.u32 $0x680, s7  }
0x9: {  	s31 =	sshrl.u32 s12, $0x2;
	s9 =	sshll.u32 s7, $0x1;
	s7 =	smul.u32 $0x1400, s7  }
.Ltmp0:
0xa: {  	s12 =	simm.s32 $0x3400;
	s10 =	ssub.s32 s10, s11;
	(pc) =	sbr.rel .LBB2_1-.Ltmp0, $4  }
0xb: {  	s15 =	sadd.s32 s31, s2;
	s11 =	simm.s32 $0x3;
	s9 =	sadd.s32 s9, s6  }
0xc: {  	s10 =	smax.u32 s10, $0x1;
	s15 =	sshrl.u32 s15, $0x3;
	s8 =	sadd.s32 s8, s6  }
0xd: {  	s13 =	sadd.s32 s7, s6;
	s6 =	sadd.s32 $0x19400, s8;
	s7 =	sadd.s32 $0x26400, s8  }
0xe: {  	s8 =	sadd.s32 $0x33400, s9;
	s9 =	sadd.s32 $0x5A800, s13;
	s13 =	simm.s32 $0x6800  }
.LBB2_4:
0xf: {  	s23 =	simm.s32 $0x1  }
.LBB2_7:
0x10: {  	s21 =	sand.u32 $0x1, s23  }
0x11: {  	[sflag:s11] =	ssyncadd.s32 @p1 $0xFFFFC000;
	s22 =	sadd.s32 $0x1, s21  }
0x12: {  	s25 =	simm.s32 @!p0 $0x80;
	s23 =	sxor.u32 @!p0 $0x1, s21;
	_ =	swait.ge [sflag:s22], $0x4000  }
0x13: {  	s21 =	sshll.u32 s21, $0xE;
	s24 =	sshll.u32 @!p0 s23, $0xE;
	[sflag:s22] =	ssyncset.done $0x0  }
0x14: {  	s24 =	sadd.s32 @!p0 $0x6880, s24;
	[sflag:s22] =	ssyncadd.s32 $0xFFFFC000;
	s22 =	sadd.s32 @!p0 $0x1, s23  }
0x15: {  	[tilespmem:s24], [sflag:s22] =	stream.indirect.gather @!p0 [hbm4b:s4+s25], $0x80, s20, s25, $0xb8;
	[tilespmem:$0x18880] =	vst v63  }
0x16: {  	s31 =	sadd.s32 $0x6880, s21  }
0x17: {  	[spmem:s2] =	stream.indirect.scatter.add.f32 [tilespmem:s31], [sflag:$0x3], $0x80, s19, s17, $0xb8;
	[tilespmem:$0x18880] =	vst v63  }
0x18: {  	_ =	swait.ge [sflag:s11], $0x4000  }
0x19: {  	[sflag:s11] =	ssyncset.done $0x0  }
0x1a: {  	[sflag:s11] =	ssyncadd.s32 $0xFFFFC000  }
.LBB2_8:
0x1b: {  	s18 =	sadd.s32 $0x1, s18  }
0x1c: {  	p0 =	sne.s32 s18, s10  }
.Ltmp1:
0x1d: {  	_ = 	snop;
	(pc) =	sbr.rel @!p0 .LBB2_9-.Ltmp1, $4  }
0x1e: {  	[hbm:s9], [sflag:s14] =	dma.local [spmem:s15], $0x13C0  }
0x1f: {  	_ =	swait.ge [sflag:s11], $0x13C0  }
0x20: {  	[sflag:s11] =	ssyncset.done $0x0  }
0x21: {  	[sflag:s11] =	ssyncadd.s32 $0xFFFFEC40  }
.LBB2_1:
0x22: {  	[tilespmem:s3], [sflag:$0x3] =	stream.linear.gather [hbm4b:s6+s3], $0x3080, $0x38;
	[tilespmem:$0x18880] =	vst v63  }
0x23: {  	_ =	swait.ge [sflag:s11], $0x3080  }
0x24: {  	[sflag:s11] =	ssyncset.done $0x0  }
0x25: {  	[sflag:s11] =	ssyncadd.s32 $0xFFFFCF80  }
0x26: {  	[tilespmem:s12], [sflag:$0x3] =	stream.linear.gather [hbm4b:s7+s3], $0x3080, $0x38;
	[tilespmem:$0x18880] =	vst v63  }
0x27: {  	_ =	swait.ge [sflag:s11], $0x3080  }
0x28: {  	[sflag:s11] =	ssyncset.done $0x0  }
0x29: {  	[sflag:s11] =	ssyncadd.s32 $0xFFFFCF80  }
0x2a: {  	[tilespmem:s13], [sflag:$0x3] =	stream.linear.gather [hbm4b:s8+s3], $0x10, $0x38;
	[tilespmem:$0x18880] =	vst v63  }
0x2b: {  	_ =	swait.ge [sflag:s11], $0x10  }
0x2c: {  	[sflag:s11] =	ssyncset.done $0x0  }
0x2d: {  	[sflag:s11] =	ssyncadd.s32 $0xFFFFFFF0  }
0x2e: {  	[spmem:s15], [sflag:s14] =	dma.local [hbm:s5], $0x1400  }
0x2f: {  	_ =	swait.ge [sflag:s11], $0x1400  }
0x30: {  	[sflag:s11] =	ssyncset.done $0x0  }
0x31: {  	[sflag:s11] =	ssyncadd.s32 $0xFFFFEC00  }
0x32: {  	v0 =	vld [tilespmem:$0x6800];
	_ =	sdelay $0x4  }
0x33: {  	(v2sf) =	vpush v0, $0x0;
	_ =	sdelay $0xe  }
0x34: {  	s19 =	spop (v2sf)  }
0x35: {  	s19 =	sadd.s32 $0x7F, s19  }
0x36: {  	s21 =	sshra.s32 s19, $0x7  }
0x37: {  	p0 =	slt.s32 s21, $0x1  }
.Ltmp2:
0x38: {  	_ = 	snop;
	(pc) =	sbr.rel @p0 .LBB2_8-.Ltmp2, $1  }
0x39: {  	_ =	sdelay $0x3  }
0x3a: {  	p2 =	sne.s32 s21, $0x1  }
.Ltmp3:
0x3b: {  	_ = 	snop;
	(pc) =	sbr.rel @!p2 .LBB2_7-.Ltmp3, $4  }
0x3c: {  	s20 =	simm.s32 $0x80  }
0x3d: {  	s23 =	simm.s32 $0x0;
	s19 =	simm.s32 $0x3400;
	p0 =	sle.s32 s21, $0x1  }
0x3e: {  	[tilespmem:s16], [sflag:$0x1] =	stream.indirect.gather [hbm4b:s4+s20], $0x80, s23, s20, $0xb8;
	[tilespmem:$0x18880] =	vst v63  }
0x3f: {  	s22 =	simm.s32 $0x1;
	p1 =	por $0x0, $0x0;
	p0 =	por p0, p0  }
0x40: {  	s23 =	sand.u32 $0x1, s23  }
0x41: {  	s24 =	sadd.s32 $0x1, s23  }
0x42: {  	s28 =	simm.s32 @!p0 $0x80;
	s25 =	sxor.u32 @!p0 $0x1, s23;
	_ =	swait.ge [sflag:s24], $0x4000  }
0x43: {  	p2 =	sne.s32 s21, $0x2;
	s26 =	sshll.u32 @!p0 s25, $0xE;
	[sflag:s24] =	ssyncset.done $0x0  }
0x44: {  	s26 =	sadd.s32 @!p0 $0x6880, s26;
	[sflag:s24] =	ssyncadd.s32 $0xFFFFC000;
	s24 =	sadd.s32 @!p0 $0x1, s25  }
0x45: {  	[tilespmem:s26], [sflag:s24] =	stream.indirect.gather @!p0 [hbm4b:s4+s28], $0x80, s20, s28, $0xb8;
	[tilespmem:$0x18880] =	vst v63  }
.Ltmp4:
0x46: {  	s23 =	sshll.u32 s23, $0xE;
	(pc) =	sbr.rel @!p2 .LBB2_4-.Ltmp4, $4  }
0x47: {  	p6 =	sle.s32 s21, $0x2;
	p1 =	por $0x1, $0x1;
	s31 =	sadd.s32 $0x6880, s23  }
0x48: {  	[spmem:s2] =	stream.indirect.scatter.add.f32 [tilespmem:s31], [sflag:$0x3], $0x80, s19, s17, $0xb8;
	[tilespmem:$0x18880] =	vst v63  }
0x49: {  	s23 =	simm.s32 $0x2;
	p0 =	por p6, p6;
	_ =	swait.ge [sflag:s11], $0x4000  }
0x4a: {  	s20 =	simm.s32 $0x100;
	s19 =	simm.s32 $0x3480;
	[sflag:s11] =	ssyncset.done $0x0  }
.LBB2_5:
0x4b: {  	s24 =	sand.u32 $0x1, s22  }
0x4c: {  	[sflag:s11] =	ssyncadd.s32 $0xFFFFC000;
	s22 =	smov.u32 s23;
	s23 =	sadd.s32 $0x1, s23  }
0x4d: {  	p3 =	sge.s32 s23, s21;
	s25 =	sadd.s32 $0x1, s24;
	s26 =	sxor.u32 @!p0 $0x1, s24  }
0x4e: {  	p2 =	sne.s32 s21, s23;
	_ =	swait.ge [sflag:s25], $0x4000;
	s28 =	sshll.u32 @!p0 s26, $0xE  }
0x4f: {  	s29 =	simm.s32 @!p0 $0x80;
	[sflag:s25] =	ssyncset.done $0x0;
	s28 =	sadd.s32 @!p0 $0x6880, s28  }
0x50: {  	s24 =	sshll.u32 s24, $0xE;
	[sflag:s25] =	ssyncadd.s32 $0xFFFFC000;
	s25 =	sadd.s32 @!p0 $0x1, s26  }
0x51: {  	[tilespmem:s28], [sflag:s25] =	stream.indirect.gather @!p0 [hbm4b:s4+s29], $0x80, s20, s29, $0xb8;
	[tilespmem:$0x18880] =	vst v63  }
.Ltmp5:
0x52: {  	_ = 	snop;
	(pc) =	sbr.rel @p2 .LBB2_5-.Ltmp5, $4  }
0x53: {  	s24 =	sadd.s32 $0x6880, s24;
	p0 =	por p3, p3  }
0x54: {  	[spmem:s2] =	stream.indirect.scatter.add.f32 [tilespmem:s24], [sflag:$0x3], $0x80, s19, s17, $0xb8;
	[tilespmem:$0x18880] =	vst v63  }
0x55: {  	_ =	swait.ge [sflag:s11], $0x4000  }
0x56: {  	s20 =	sadd.s32 $0x80, s20;
	s19 =	sadd.s32 $0x80, s19;
	[sflag:s11] =	ssyncset.done $0x0  }
.Ltmp6:
0x57: {  	(pc) =	sbr.rel .LBB2_7-.Ltmp6, $2  }
0x58: {  	_ =	sdelay $0x2  }
0x59: {  	s23 =	smov.u32 s22  }
.LBB2_9:
0x5a: {  	_ =	sfence.sel $0x180000  }
0x5b: {  	[bflag:$0x0] =	sbarrier.arrive $0xFFFF  }
0x5c: {  	p0 =	sne.s32 s1, $0x0;
	_ =	strace $0x9000004D  }
0x5d: {  	s0 =	sadd.s32 @!p0 $0x100000, s0;
	[bflag:$0x2] =	sbarrier.arrive $0xFFFF  }
0x5e: {  	[sflag:s0] =	ssyncadd.tile.s32 @!p0 $0x1;
	_ =	shalt  }
.Lfunc_end2:
_tile_overlayer_lowered:
.L_overlay_start_2:
0x5f: {  	(tag) =	ssettag $0x2  }
0x60: {  	s0 =	rddreg [dreg:$0x0];
	s2 =	stileid.u32  }
0x61: {  	s1 =	rddreg [dreg:$0x1];
	p0 =	sne.s32 s2, $0x0  }
0x62: {  	s3 =	rddreg [dreg:$0x2];
	[bflag:$0x3] =	sbarrier.arrive $0xFFFF;
	s2 =	simm.s32 @!p0 $0x1C03  }
0x63: {  	[timem:s3], [sflag:s2] =	dma.local @!p0 [hbm:s0], s1  }
0x64: {  	s0 =	simm.s32 @!p0 $0x3  }
0x65: {  	_ =	swait.ge @!p0 [sflag:s0], s1  }
0x66: {  	s1 =	ssub.s32 @!p0 $0x0, s1;
	[sflag:s0] =	ssyncset.done @!p0 $0x0  }
0x67: {  	[sflag:s0] =	ssyncadd.s32 @!p0 s1  }
0x68: {  	[bflag:$0x3] =	sbarrier.arrive $0xFFFF  }
0x69: {  	_ =	shalt  }

// kernel: kernel.20.cloned.1.call-start
scs
__scs_entry_jumppad:
0x0: {  	(pc) =	sbr.rel $0x88, $3  }
0x1: {  	(tag) =	ssettag $0x0;
	lr =	simm.s32 $0x1  }
0x2: {  	[smem:$0x3F8F] =	sst lr;
	_ =	strace $0xD0000000  }
0x3: {  	_ = 	snop  }
0x4: {  	_ = 	snop  }
0x5: {  	_ = 	snop  }
0x6: {  	_ = 	snop  }
0x7: {  	_ = 	snop  }
__scs_overlays_trampoline_lowered:
0x8: {  	[smem:$0x3F9E] =	sst s0  }
0x9: {  	[smem:$0x3F9F] =	sst s1  }
0xa: {  	[smem:$0x3FA0] =	sst s2  }
0xb: {  	[smem:$0x3FA1] =	sst s3  }
0xc: {  	[smem:$0x3FA2] =	sst s4  }
0xd: {  	[smem:$0x3FA3] =	sst s5  }
0xe: {  	[smem:$0x3FA4] =	sst s6  }
0xf: {  	[smem:$0x3FA5] =	sst s7  }
0x10: {  	[smem:$0x3FA6] =	sst s8  }
0x11: {  	[smem:$0x3FA7] =	sst s9;
	s0 =	simm.s32 @!p0 $0x0  }
0x12: {  	s1 =	sld [smem:$0x3F8D];
	s0 =	simm.s32 @p0 $0x1  }
0x13: {  	[smem:$0x3FA8] =	sst s0;
	s0 =	simm.s32 @!p1 $0x0  }
0x14: {  	s2 =	sld [smem:$0x3F8C];
	s0 =	simm.s32 @p1 $0x1  }
0x15: {  	[smem:$0x3FA9] =	sst s0;
	s0 =	simm.s32 @!p2 $0x0  }
0x16: {  	s3 =	sld [smem:$0x3FDB];
	s0 =	simm.s32 @p2 $0x1  }
0x17: {  	s4 =	simm.s32 $0x1BF5;
	[smem:$0x3FAB] =	sst s0  }
0x18: {  	s0 =	sld [smem:$0x3F8E];
	_ =	swait.ge [sflag:s4], $0x0  }
0x19: {  	s7 =	sld [smem:$0x3F8F]  }
0x1a: {  	s8 =	sadd.s32 $0xFFFFE003, lr  }
0x1b: {  	s9 =	sadd.s32 $0xFFFFFEF7, lr;
	s5 =	simm.s32 $0xFFFFFFFF;
	p2 =	slt.u32 s8, $0xFFFFF086  }
0x1c: {  	p1 =	slt.u32 s9, $0xF7A;
	s5 =	simm.s32 @!p2 $0x0  }
0x1d: {  	s5 =	simm.s32 @p1 $0x1;
	p0 =	seq.s32 s7, s2  }
0x1e: {  	s7 =	smul.u32 @!p0 $0xF7A, s2;
	p2 =	seq.s32 @!p0 s5, $0x0  }
0x1f: {  	s9 =	smul.u32 $0xF7A, s1;
	s8 =	simm.s32 @!p0 $0x1BF5;
	p2 =	por !p2, p0  }
0x20: {  	[sflag:s8] =	ssyncset.s32 @!p0 $0xFFFFF086;
	s6 =	sadd.s32 @!p0 s3, s7;
	s7 =	simm.s32 @!p0 $0x108  }
0x21: {  	s3 =	sadd.s32 s3, s9;
	s6 =	sadd.s32 @!p0 $0x88, s6;
	s7 =	simm.s32 @p2 $0x1082  }
0x22: {  	[simem:s7], [sflag:s8] =	dma.local @!p0 [hbm:s6], $0xF7A  }
0x23: {  	s9 =	sor.u32 $0xD0000000, s2;
	s6 =	simm.s32 $0x108;
	_ =	swait.ge @!p0 [sflag:s8], $0x0  }
0x24: {  	s3 =	sadd.s32 $0x88, s3;
	s6 =	simm.s32 @!p1 $0x1082;
	[sflag:s4] =	ssyncset.s32 $0xFFFFF086  }
0x25: {  	[simem:s6], [sflag:s4] =	dma.local [hbm:s3], $0xF7A  }
0x26: {  	[smem:$0x3F8F] =	sst s1;
	(tag) =	ssettag s2;
	_ =	strace s9  }
0x27: {  	s1 =	sld [smem:$0x3F9F]  }
0x28: {  	s2 =	sld [smem:$0x3FA0]  }
0x29: {  	s4 =	sld [smem:$0x3FA2]  }
0x2a: {  	p0 =	seq.s32 s5, $0x0;
	s5 =	sld [smem:$0x3FA3]  }
0x2b: {  	s6 =	sld [smem:$0x3FA4]  }
0x2c: {  	s7 =	sld [smem:$0x3FA5]  }
0x2d: {  	s3 =	simm.s32 $0x108;
	s8 =	sld [smem:$0x3FA6]  }
0x2e: {  	s3 =	simm.s32 @!p0 $0x1082;
	s9 =	sld [smem:$0x3FA7]  }
0x2f: {  	lr =	sadd.s32 s0, s3;
	s0 =	sld [smem:$0x3F9E]  }
0x30: {  	s3 =	sld [smem:$0x3FA1]  }
0x31: {  	[smem:$0x3FAA] =	sst s10  }
0x32: {  	s10 =	sld [smem:$0x3FA8];
	_ =	sdelay $0x3  }
0x33: {  	p0 =	seq.s32 s10, $0x1;
	s10 =	sld [smem:$0x3FAA];
	_ =	sdelay $0x3  }
0x34: {  	[smem:$0x3FAA] =	sst s10  }
0x35: {  	s10 =	sld [smem:$0x3FA9];
	_ =	sdelay $0x3  }
0x36: {  	p1 =	seq.s32 s10, $0x1;
	s10 =	sld [smem:$0x3FAA];
	_ =	sdelay $0x3  }
0x37: {  	[smem:$0x3FAA] =	sst s10  }
0x38: {  	s10 =	sld [smem:$0x3FAB]  }
0x39: {  	_ = 	snop;
	(pc) =	sbr.ind lr, $3  }
0x3a: {  	_ = 	snop  }
0x3b: {  	_ = 	snop  }
0x3c: {  	p2 =	seq.s32 s10, $0x1;
	s10 =	sld [smem:$0x3FAA]  }
0x3d: {  	_ =	shalt  }
0x3e: {  	_ =	shalt  }
0x3f: {  	_ =	shalt  }
0x40: {  	_ =	shalt  }
0x41: {  	_ =	shalt  }
0x42: {  	_ =	shalt  }
0x43: {  	_ =	shalt  }
0x44: {  	_ =	shalt  }
0x45: {  	_ =	shalt  }
0x46: {  	_ =	shalt  }
0x47: {  	_ =	shalt  }
0x48: {  	_ =	shalt  }
0x49: {  	_ =	shalt  }
0x4a: {  	_ =	shalt  }
0x4b: {  	_ =	shalt  }
0x4c: {  	_ =	shalt  }
0x4d: {  	_ =	shalt  }
0x4e: {  	_ =	shalt  }
0x4f: {  	_ =	shalt  }
0x50: {  	_ =	shalt  }
0x51: {  	_ =	shalt  }
0x52: {  	_ =	shalt  }
0x53: {  	_ =	shalt  }
0x54: {  	_ =	shalt  }
0x55: {  	_ =	shalt  }
0x56: {  	_ =	shalt  }
0x57: {  	_ =	shalt  }
0x58: {  	_ =	shalt  }
0x59: {  	_ =	shalt  }
0x5a: {  	_ =	shalt  }
0x5b: {  	_ =	shalt  }
0x5c: {  	_ =	shalt  }
0x5d: {  	_ =	shalt  }
0x5e: {  	_ =	shalt  }
0x5f: {  	_ =	shalt  }
0x60: {  	_ =	shalt  }
0x61: {  	_ =	shalt  }
0x62: {  	_ =	shalt  }
0x63: {  	_ =	shalt  }
0x64: {  	_ =	shalt  }
0x65: {  	_ =	shalt  }
0x66: {  	_ =	shalt  }
0x67: {  	_ =	shalt  }
0x68: {  	_ =	shalt  }
0x69: {  	_ =	shalt  }
0x6a: {  	_ =	shalt  }
0x6b: {  	_ =	shalt  }
0x6c: {  	_ =	shalt  }
0x6d: {  	_ =	shalt  }
0x6e: {  	_ =	shalt  }
0x6f: {  	_ =	shalt  }
0x70: {  	_ =	shalt  }
0x71: {  	_ =	shalt  }
0x72: {  	_ =	shalt  }
0x73: {  	_ =	shalt  }
0x74: {  	_ =	shalt  }
0x75: {  	_ =	shalt  }
0x76: {  	_ =	shalt  }
0x77: {  	_ =	shalt  }
0x78: {  	_ =	shalt  }
0x79: {  	_ =	shalt  }
0x7a: {  	_ =	shalt  }
0x7b: {  	_ =	shalt  }
0x7c: {  	_ =	shalt  }
0x7d: {  	_ =	shalt  }
0x7e: {  	_ =	shalt  }
0x7f: {  	_ =	shalt  }
0x80: {  	_ =	shalt  }
0x81: {  	_ =	shalt  }
0x82: {  	_ =	shalt  }
0x83: {  	_ =	shalt  }
0x84: {  	_ =	shalt  }
0x85: {  	_ =	shalt  }
0x86: {  	_ =	shalt  }
0x87: {  	_ =	shalt  }
.Lfunc_end0:
.L_simem_size_0:
called_computation.3_lowered:
.L_overlay_start_0:
0x88: {  	s2 =	sld [smem:$0x3FD9]  }
0x89: {  	s3 =	sld [smem:$0x3FFE];
	_ =	sdelay $0x1  }
0x8a: {  	s1 =	srdreg.scid  }
0x8b: {  	s0 =	sand.u32 $0x1, s1  }
0x8c: {  	s16 =	sshll.u32 s0, $0xA;
	s2 =	sadd.s32 s3, s2  }
0x8d: {  	s2 =	sadd.s32 s2, s16  }
0x8e: {  	[smem:$0x3FB6] =	sst s2  }
0x8f: {  	_ = 	snop  }
0x90: {  	(tm) =	ssettm $0x1  }
0x91: {  	s17 =	sld [smem:$0x3FFB];
	_ =	sdelay $0x3  }
0x92: {  	_ =	strace s17  }
0x93: {  	s2 =	sld [smem:$0x3FFC];
	_ =	sdelay $0x3  }
0x94: {  	_ =	strace s2  }
0x95: {  	s2 =	sld [smem:$0x3FFD];
	_ =	sdelay $0x3  }
0x96: {  	_ =	strace s2  }
0x97: {  	_ =	strace $0x8FFFFFFF  }
0x98: {  	s18 =	sld [smem:$0x3FDB];
	_ =	sdelay $0x1  }
0x99: {  	s19 =	simm.s32 $_scs_section_size  }
0x9a: {  	s4 =	simm.s32 $_size__tile_overlayer_lowered;
	s5 =	simm.s32 $_tile_overlayer_lowered  }
0x9b: {  	s22 =	simm.s32 $0x1BFF;
	s21 =	sshll.u32 s5, $0x1;
	s2 =	sadd.s32 s19, s18  }
0x9c: {  	s6 =	simm.s32 $0x0;
	s20 =	sshll.u32 s4, $0x1;
	s4 =	sadd.s32 s21, s2  }
0x9d: {  	[timem:s6], [sflag:s22] =	dma.local [hbm:s4], s20  }
0x9e: {  	_ =	swait.ge [sflag:s22], s20  }
0x9f: {  	s3 =	ssub.s32 $0x0, s20;
	[sflag:s22] =	ssyncset.done $0x0  }
0xa0: {  	[sflag:s22] =	ssyncadd.s32 s3;
	_ =	sdelay $0x1  }
0xa1: {  	s23 =	simm.s32 $0x1B8B  }
0xa2: {  	_ =	swait.ge [sflag:s23], $0x1  }
0xa3: {  	[sflag:s23] =	ssyncset.done $0x0  }
0xa4: {  	s25 =	simm.s32 $0x1B8E;
	s24 =	sld [smem:$0x3FFE];
	[sflag:s23] =	ssyncadd.s32 $0xFFFFFFFF  }
0xa5: {  	s26 =	simm.s32 $execute0_lowered;
	[smem:$0x3FD2] =	sst s25  }
0xa6: {  	s4 =	sshll.u32 s26, $0x1;
	_ =	strace $0x8000004F;
	[dreg:$0x1] =	wrdreg $0xFFFFFFFF  }
0xa7: {  	s28 =	simm.s32 $_size_execute0_lowered;
	s2 =	sadd.s32 s2, s4;
	[dreg:$0x0] =	wrdreg $0x0  }
0xa8: {  	s4 =	sshll.u32 s28, $0x1;
	[dreg:$0x2] =	wrdreg s2  }
0xa9: {  	[dreg:$0x3] =	wrdreg s4  }
0xaa: {  	[dreg:$0x4] =	wrdreg $0xC0  }
0xab: {  	_ =	task [dreg:s6], $0x5FFFF  }
0xac: {  	[dreg:$0x1] =	wrdreg $0xFFFFFFFF  }
0xad: {  	[dreg:$0x0] =	wrdreg $0x60  }
0xae: {  	[dreg:$0x2] =	wrdreg s24  }
0xaf: {  	[dreg:$0x3] =	wrdreg $0xE8800  }
0xb0: {  	[dreg:$0x4] =	wrdreg $0x9  }
0xb1: {  	_ =	task.clear_ibuf [dreg:s6], $0x5FFFF;
	_ =	strace $0x9000004F  }
0xb2: {  	s29 =	simm.s32 $0x9;
	_ =	strace $0x80000051  }
0xb3: {  	_ =	swait.ge [sflag:s29], $0x1  }
0xb4: {  	[sflag:s29] =	ssyncadd.s32 $0xFFFFFFFF  }
0xb5: {  	_ =	strace $0x90000051  }
0xb6: {  	_ =	sfence  }
0xb7: {  	s30 =	sld [smem:$0x0];
	_ =	sdelay $0x2  }
0xb8: {  	s31 =	sshll.u32 s1, $0xD;
	s1 =	sshrl.u32 s1, $0x2  }
0xb9: {  	s3 =	sand.u32 $0x4000, s31;
	s1 =	sadd.s32 s1, s30  }
0xba: {  	s0 =	sor.u32 s3, s0;
	s1 =	sshll.u32 s1, $0x11  }
0xbb: {  	s0 =	sor.u32 s1, s0  }
0xbc: {  	s0 =	sadd.s32 $0x8F2B, s0  }
0xbd: {  	[sflag:s0] =	ssyncadd.remote.s32 $0x1  }
0xbe: {  	_ =	sfence.sel $0xFFFF  }
0xbf: {  	[dreg:$0x0] =	wrdreg $0xFFFFFFFF;
	(pc) =	sbr.abs _section_cstart, $3  }
0xc0: {  	[dreg:$0x1] =	wrdreg $0xFFFFFFFF  }
0xc1: {  	_ =	task.clear_ibuf [dreg:s6], $0x2FFFF;
	_ =	strace $0x9FFFFFFF  }
0xc2: {  	(tm) =	ssettm $0x7FFFFFFF  }
0xc3: {  	_ =	shalt  }
tec
execute0_lowered:
.L_overlay_start_1:
0x0: {  	(tag) =	ssettag $0x1  }
0x1: {  	s0 =	srdreg.scid;
	s6 =	rddreg [dreg:$0x0]  }
0x2: {  	s2 =	rddreg [dreg:$0x1];
	s1 =	stileid.u32  }
0x3: {  	s3 =	simm.s32 $0x0;
	s16 =	simm.s32 $0x6880;
	s17 =	simm.s32 $0x80  }
0x4: {  	s18 =	simm.s32 $0x0;
	s5 =	sand.u32 $0x1, s0;
	s0 =	rddreg [dreg:$0x2]  }
0x5: {  	[smem:$0x7FF] =	sst s3;
	s12 =	smul.u32 $0x28000, s1;
	s14 =	sshll.u32 s1, $0x6  }
0x6: {  	s4 =	sshll.u32 s5, $0x4;
	_ =	strace $0x80000050;
	s10 =	ssub.s32 $0x2, s5  }
0x7: {  	s5 =	sadd.s32 $0x5800, s6;
	s14 =	sor.u32 $0x1C03, s14;
	s7 =	sor.u32 s1, s4  }
0x8: {  	s4 =	sadd.s32 $0x33600, s6;
	s11 =	sshrl.u32 s10, $0x1;
	s8 =	smul.u32 $0x680, s7  }
0x9: {  	s31 =	sshrl.u32 s12, $0x2;
	s9 =	sshll.u32 s7, $0x1;
	s7 =	smul.u32 $0x1400, s7  }
.Ltmp0:
0xa: {  	s12 =	simm.s32 $0x3400;
	s10 =	ssub.s32 s10, s11;
	(pc) =	sbr.rel .LBB2_1-.Ltmp0, $4  }
0xb: {  	s15 =	sadd.s32 s31, s2;
	s11 =	simm.s32 $0x3;
	s9 =	sadd.s32 s9, s6  }
0xc: {  	s10 =	smax.u32 s10, $0x1;
	s15 =	sshrl.u32 s15, $0x3;
	s8 =	sadd.s32 s8, s6  }
0xd: {  	s13 =	sadd.s32 s7, s6;
	s6 =	sadd.s32 $0x19400, s8;
	s7 =	sadd.s32 $0x26400, s8  }
0xe: {  	s8 =	sadd.s32 $0x33400, s9;
	s9 =	sadd.s32 $0x5A800, s13;
	s13 =	simm.s32 $0x6800  }
.LBB2_4:
0xf: {  	s23 =	simm.s32 $0x1  }
.LBB2_7:
0x10: {  	s21 =	sand.u32 $0x1, s23  }
0x11: {  	[sflag:s11] =	ssyncadd.s32 @p1 $0xFFFFC000;
	s22 =	sadd.s32 $0x1, s21  }
0x12: {  	s25 =	simm.s32 @!p0 $0x80;
	s23 =	sxor.u32 @!p0 $0x1, s21;
	_ =	swait.ge [sflag:s22], $0x4000  }
0x13: {  	s21 =	sshll.u32 s21, $0xE;
	s24 =	sshll.u32 @!p0 s23, $0xE;
	[sflag:s22] =	ssyncset.done $0x0  }
0x14: {  	s24 =	sadd.s32 @!p0 $0x6880, s24;
	[sflag:s22] =	ssyncadd.s32 $0xFFFFC000;
	s22 =	sadd.s32 @!p0 $0x1, s23  }
0x15: {  	[tilespmem:s24], [sflag:s22] =	stream.indirect.gather @!p0 [hbm4b:s4+s25], $0x80, s20, s25, $0xb8;
	[tilespmem:$0x18880] =	vst v63  }
0x16: {  	s31 =	sadd.s32 $0x6880, s21  }
0x17: {  	[spmem:s2] =	stream.indirect.scatter.add.f32 [tilespmem:s31], [sflag:$0x3], $0x80, s19, s17, $0xb8;
	[tilespmem:$0x18880] =	vst v63  }
0x18: {  	_ =	swait.ge [sflag:s11], $0x4000  }
0x19: {  	[sflag:s11] =	ssyncset.done $0x0  }
0x1a: {  	[sflag:s11] =	ssyncadd.s32 $0xFFFFC000  }
.LBB2_8:
0x1b: {  	s18 =	sadd.s32 $0x1, s18  }
0x1c: {  	p0 =	sne.s32 s18, s10  }
.Ltmp1:
0x1d: {  	_ = 	snop;
	(pc) =	sbr.rel @!p0 .LBB2_9-.Ltmp1, $4  }
0x1e: {  	[hbm:s9], [sflag:s14] =	dma.local [spmem:s15], $0x13C0  }
0x1f: {  	_ =	swait.ge [sflag:s11], $0x13C0  }
0x20: {  	[sflag:s11] =	ssyncset.done $0x0  }
0x21: {  	[sflag:s11] =	ssyncadd.s32 $0xFFFFEC40  }
.LBB2_1:
0x22: {  	[tilespmem:s3], [sflag:$0x3] =	stream.linear.gather [hbm4b:s6+s3], $0x3080, $0x38;
	[tilespmem:$0x18880] =	vst v63  }
0x23: {  	_ =	swait.ge [sflag:s11], $0x3080  }
0x24: {  	[sflag:s11] =	ssyncset.done $0x0  }
0x25: {  	[sflag:s11] =	ssyncadd.s32 $0xFFFFCF80  }
0x26: {  	[tilespmem:s12], [sflag:$0x3] =	stream.linear.gather [hbm4b:s7+s3], $0x3080, $0x38;
	[tilespmem:$0x18880] =	vst v63  }
0x27: {  	_ =	swait.ge [sflag:s11], $0x3080  }
0x28: {  	[sflag:s11] =	ssyncset.done $0x0  }
0x29: {  	[sflag:s11] =	ssyncadd.s32 $0xFFFFCF80  }
0x2a: {  	[tilespmem:s13], [sflag:$0x3] =	stream.linear.gather [hbm4b:s8+s3], $0x10, $0x38;
	[tilespmem:$0x18880] =	vst v63  }
0x2b: {  	_ =	swait.ge [sflag:s11], $0x10  }
0x2c: {  	[sflag:s11] =	ssyncset.done $0x0  }
0x2d: {  	[sflag:s11] =	ssyncadd.s32 $0xFFFFFFF0  }
0x2e: {  	[spmem:s15], [sflag:s14] =	dma.local [hbm:s5], $0x1400  }
0x2f: {  	_ =	swait.ge [sflag:s11], $0x1400  }
0x30: {  	[sflag:s11] =	ssyncset.done $0x0  }
0x31: {  	[sflag:s11] =	ssyncadd.s32 $0xFFFFEC00  }
0x32: {  	v0 =	vld [tilespmem:$0x6800];
	_ =	sdelay $0x4  }
0x33: {  	(v2sf) =	vpush v0, $0x0;
	_ =	sdelay $0xe  }
0x34: {  	s19 =	spop (v2sf)  }
0x35: {  	s19 =	sadd.s32 $0x7F, s19  }
0x36: {  	s21 =	sshra.s32 s19, $0x7  }
0x37: {  	p0 =	slt.s32 s21, $0x1  }
.Ltmp2:
0x38: {  	_ = 	snop;
	(pc) =	sbr.rel @p0 .LBB2_8-.Ltmp2, $1  }
0x39: {  	_ =	sdelay $0x3  }
0x3a: {  	p2 =	sne.s32 s21, $0x1  }
.Ltmp3:
0x3b: {  	_ = 	snop;
	(pc) =	sbr.rel @!p2 .LBB2_7-.Ltmp3, $4  }
0x3c: {  	s20 =	simm.s32 $0x80  }
0x3d: {  	s23 =	simm.s32 $0x0;
	s19 =	simm.s32 $0x3400;
	p0 =	sle.s32 s21, $0x1  }
0x3e: {  	[tilespmem:s16], [sflag:$0x1] =	stream.indirect.gather [hbm4b:s4+s20], $0x80, s23, s20, $0xb8;
	[tilespmem:$0x18880] =	vst v63  }
0x3f: {  	s22 =	simm.s32 $0x1;
	p1 =	por $0x0, $0x0;
	p0 =	por p0, p0  }
0x40: {  	s23 =	sand.u32 $0x1, s23  }
0x41: {  	s24 =	sadd.s32 $0x1, s23  }
0x42: {  	s28 =	simm.s32 @!p0 $0x80;
	s25 =	sxor.u32 @!p0 $0x1, s23;
	_ =	swait.ge [sflag:s24], $0x4000  }
0x43: {  	p2 =	sne.s32 s21, $0x2;
	s26 =	sshll.u32 @!p0 s25, $0xE;
	[sflag:s24] =	ssyncset.done $0x0  }
0x44: {  	s26 =	sadd.s32 @!p0 $0x6880, s26;
	[sflag:s24] =	ssyncadd.s32 $0xFFFFC000;
	s24 =	sadd.s32 @!p0 $0x1, s25  }
0x45: {  	[tilespmem:s26], [sflag:s24] =	stream.indirect.gather @!p0 [hbm4b:s4+s28], $0x80, s20, s28, $0xb8;
	[tilespmem:$0x18880] =	vst v63  }
.Ltmp4:
0x46: {  	s23 =	sshll.u32 s23, $0xE;
	(pc) =	sbr.rel @!p2 .LBB2_4-.Ltmp4, $4  }
0x47: {  	p6 =	sle.s32 s21, $0x2;
	p1 =	por $0x1, $0x1;
	s31 =	sadd.s32 $0x6880, s23  }
0x48: {  	[spmem:s2] =	stream.indirect.scatter.add.f32 [tilespmem:s31], [sflag:$0x3], $0x80, s19, s17, $0xb8;
	[tilespmem:$0x18880] =	vst v63  }
0x49: {  	s23 =	simm.s32 $0x2;
	p0 =	por p6, p6;
	_ =	swait.ge [sflag:s11], $0x4000  }
0x4a: {  	s20 =	simm.s32 $0x100;
	s19 =	simm.s32 $0x3480;
	[sflag:s11] =	ssyncset.done $0x0  }
.LBB2_5:
0x4b: {  	s24 =	sand.u32 $0x1, s22  }
0x4c: {  	[sflag:s11] =	ssyncadd.s32 $0xFFFFC000;
	s22 =	smov.u32 s23;
	s23 =	sadd.s32 $0x1, s23  }
0x4d: {  	p3 =	sge.s32 s23, s21;
	s25 =	sadd.s32 $0x1, s24;
	s26 =	sxor.u32 @!p0 $0x1, s24  }
0x4e: {  	p2 =	sne.s32 s21, s23;
	_ =	swait.ge [sflag:s25], $0x4000;
	s28 =	sshll.u32 @!p0 s26, $0xE  }
0x4f: {  	s29 =	simm.s32 @!p0 $0x80;
	[sflag:s25] =	ssyncset.done $0x0;
	s28 =	sadd.s32 @!p0 $0x6880, s28  }
0x50: {  	s24 =	sshll.u32 s24, $0xE;
	[sflag:s25] =	ssyncadd.s32 $0xFFFFC000;
	s25 =	sadd.s32 @!p0 $0x1, s26  }
0x51: {  	[tilespmem:s28], [sflag:s25] =	stream.indirect.gather @!p0 [hbm4b:s4+s29], $0x80, s20, s29, $0xb8;
	[tilespmem:$0x18880] =	vst v63  }
.Ltmp5:
0x52: {  	_ = 	snop;
	(pc) =	sbr.rel @p2 .LBB2_5-.Ltmp5, $4  }
0x53: {  	s24 =	sadd.s32 $0x6880, s24;
	p0 =	por p3, p3  }
0x54: {  	[spmem:s2] =	stream.indirect.scatter.add.f32 [tilespmem:s24], [sflag:$0x3], $0x80, s19, s17, $0xb8;
	[tilespmem:$0x18880] =	vst v63  }
0x55: {  	_ =	swait.ge [sflag:s11], $0x4000  }
0x56: {  	s20 =	sadd.s32 $0x80, s20;
	s19 =	sadd.s32 $0x80, s19;
	[sflag:s11] =	ssyncset.done $0x0  }
.Ltmp6:
0x57: {  	(pc) =	sbr.rel .LBB2_7-.Ltmp6, $2  }
0x58: {  	_ =	sdelay $0x2  }
0x59: {  	s23 =	smov.u32 s22  }
.LBB2_9:
0x5a: {  	_ =	sfence.sel $0x180000  }
0x5b: {  	[bflag:$0x0] =	sbarrier.arrive $0xFFFF  }
0x5c: {  	p0 =	sne.s32 s1, $0x0;
	_ =	strace $0x90000050  }
0x5d: {  	s0 =	sadd.s32 @!p0 $0x100000, s0;
	[bflag:$0x2] =	sbarrier.arrive $0xFFFF  }
0x5e: {  	[sflag:s0] =	ssyncadd.tile.s32 @!p0 $0x1;
	_ =	shalt  }
.Lfunc_end2:
_tile_overlayer_lowered:
.L_overlay_start_2:
0x5f: {  	(tag) =	ssettag $0x2  }
0x60: {  	s0 =	rddreg [dreg:$0x0];
	s2 =	stileid.u32  }
0x61: {  	s1 =	rddreg [dreg:$0x1];
	p0 =	sne.s32 s2, $0x0  }
0x62: {  	s3 =	rddreg [dreg:$0x2];
	[bflag:$0x3] =	sbarrier.arrive $0xFFFF;
	s2 =	simm.s32 @!p0 $0x1C03  }
0x63: {  	[timem:s3], [sflag:s2] =	dma.local @!p0 [hbm:s0], s1  }
0x64: {  	s0 =	simm.s32 @!p0 $0x3  }
0x65: {  	_ =	swait.ge @!p0 [sflag:s0], s1  }
0x66: {  	s1 =	ssub.s32 @!p0 $0x0, s1;
	[sflag:s0] =	ssyncset.done @!p0 $0x0  }
0x67: {  	[sflag:s0] =	ssyncadd.s32 @!p0 s1  }
0x68: {  	[bflag:$0x3] =	sbarrier.arrive $0xFFFF  }
0x69: {  	_ =	shalt  }

// kernel: kernel.23.cloned.1.call-start
scs
__scs_entry_jumppad:
0x0: {  	(pc) =	sbr.rel $0x88, $3  }
0x1: {  	(tag) =	ssettag $0x0;
	lr =	simm.s32 $0x1  }
0x2: {  	[smem:$0x3F8F] =	sst lr;
	_ =	strace $0xD0000000  }
0x3: {  	_ = 	snop  }
0x4: {  	_ = 	snop  }
0x5: {  	_ = 	snop  }
0x6: {  	_ = 	snop  }
0x7: {  	_ = 	snop  }
__scs_overlays_trampoline_lowered:
0x8: {  	[smem:$0x3F9E] =	sst s0  }
0x9: {  	[smem:$0x3F9F] =	sst s1  }
0xa: {  	[smem:$0x3FA0] =	sst s2  }
0xb: {  	[smem:$0x3FA1] =	sst s3  }
0xc: {  	[smem:$0x3FA2] =	sst s4  }
0xd: {  	[smem:$0x3FA3] =	sst s5  }
0xe: {  	[smem:$0x3FA4] =	sst s6  }
0xf: {  	[smem:$0x3FA5] =	sst s7  }
0x10: {  	[smem:$0x3FA6] =	sst s8  }
0x11: {  	[smem:$0x3FA7] =	sst s9;
	s0 =	simm.s32 @!p0 $0x0  }
0x12: {  	s1 =	sld [smem:$0x3F8D];
	s0 =	simm.s32 @p0 $0x1  }
0x13: {  	[smem:$0x3FA8] =	sst s0;
	s0 =	simm.s32 @!p1 $0x0  }
0x14: {  	s2 =	sld [smem:$0x3F8C];
	s0 =	simm.s32 @p1 $0x1  }
0x15: {  	[smem:$0x3FA9] =	sst s0;
	s0 =	simm.s32 @!p2 $0x0  }
0x16: {  	s3 =	sld [smem:$0x3FDB];
	s0 =	simm.s32 @p2 $0x1  }
0x17: {  	s4 =	simm.s32 $0x1BF5;
	[smem:$0x3FAB] =	sst s0  }
0x18: {  	s0 =	sld [smem:$0x3F8E];
	_ =	swait.ge [sflag:s4], $0x0  }
0x19: {  	s7 =	sld [smem:$0x3F8F]  }
0x1a: {  	s8 =	sadd.s32 $0xFFFFE003, lr  }
0x1b: {  	s9 =	sadd.s32 $0xFFFFFEF7, lr;
	s5 =	simm.s32 $0xFFFFFFFF;
	p2 =	slt.u32 s8, $0xFFFFF086  }
0x1c: {  	p1 =	slt.u32 s9, $0xF7A;
	s5 =	simm.s32 @!p2 $0x0  }
0x1d: {  	s5 =	simm.s32 @p1 $0x1;
	p0 =	seq.s32 s7, s2  }
0x1e: {  	s7 =	smul.u32 @!p0 $0xF7A, s2;
	p2 =	seq.s32 @!p0 s5, $0x0  }
0x1f: {  	s9 =	smul.u32 $0xF7A, s1;
	s8 =	simm.s32 @!p0 $0x1BF5;
	p2 =	por !p2, p0  }
0x20: {  	[sflag:s8] =	ssyncset.s32 @!p0 $0xFFFFF086;
	s6 =	sadd.s32 @!p0 s3, s7;
	s7 =	simm.s32 @!p0 $0x108  }
0x21: {  	s3 =	sadd.s32 s3, s9;
	s6 =	sadd.s32 @!p0 $0x88, s6;
	s7 =	simm.s32 @p2 $0x1082  }
0x22: {  	[simem:s7], [sflag:s8] =	dma.local @!p0 [hbm:s6], $0xF7A  }
0x23: {  	s9 =	sor.u32 $0xD0000000, s2;
	s6 =	simm.s32 $0x108;
	_ =	swait.ge @!p0 [sflag:s8], $0x0  }
0x24: {  	s3 =	sadd.s32 $0x88, s3;
	s6 =	simm.s32 @!p1 $0x1082;
	[sflag:s4] =	ssyncset.s32 $0xFFFFF086  }
0x25: {  	[simem:s6], [sflag:s4] =	dma.local [hbm:s3], $0xF7A  }
0x26: {  	[smem:$0x3F8F] =	sst s1;
	(tag) =	ssettag s2;
	_ =	strace s9  }
0x27: {  	s1 =	sld [smem:$0x3F9F]  }
0x28: {  	s2 =	sld [smem:$0x3FA0]  }
0x29: {  	s4 =	sld [smem:$0x3FA2]  }
0x2a: {  	p0 =	seq.s32 s5, $0x0;
	s5 =	sld [smem:$0x3FA3]  }
0x2b: {  	s6 =	sld [smem:$0x3FA4]  }
0x2c: {  	s7 =	sld [smem:$0x3FA5]  }
0x2d: {  	s3 =	simm.s32 $0x108;
	s8 =	sld [smem:$0x3FA6]  }
0x2e: {  	s3 =	simm.s32 @!p0 $0x1082;
	s9 =	sld [smem:$0x3FA7]  }
0x2f: {  	lr =	sadd.s32 s0, s3;
	s0 =	sld [smem:$0x3F9E]  }
0x30: {  	s3 =	sld [smem:$0x3FA1]  }
0x31: {  	[smem:$0x3FAA] =	sst s10  }
0x32: {  	s10 =	sld [smem:$0x3FA8];
	_ =	sdelay $0x3  }
0x33: {  	p0 =	seq.s32 s10, $0x1;
	s10 =	sld [smem:$0x3FAA];
	_ =	sdelay $0x3  }
0x34: {  	[smem:$0x3FAA] =	sst s10  }
0x35: {  	s10 =	sld [smem:$0x3FA9];
	_ =	sdelay $0x3  }
0x36: {  	p1 =	seq.s32 s10, $0x1;
	s10 =	sld [smem:$0x3FAA];
	_ =	sdelay $0x3  }
0x37: {  	[smem:$0x3FAA] =	sst s10  }
0x38: {  	s10 =	sld [smem:$0x3FAB]  }
0x39: {  	_ = 	snop;
	(pc) =	sbr.ind lr, $3  }
0x3a: {  	_ = 	snop  }
0x3b: {  	_ = 	snop  }
0x3c: {  	p2 =	seq.s32 s10, $0x1;
	s10 =	sld [smem:$0x3FAA]  }
0x3d: {  	_ =	shalt  }
0x3e: {  	_ =	shalt  }
0x3f: {  	_ =	shalt  }
0x40: {  	_ =	shalt  }
0x41: {  	_ =	shalt  }
0x42: {  	_ =	shalt  }
0x43: {  	_ =	shalt  }
0x44: {  	_ =	shalt  }
0x45: {  	_ =	shalt  }
0x46: {  	_ =	shalt  }
0x47: {  	_ =	shalt  }
0x48: {  	_ =	shalt  }
0x49: {  	_ =	shalt  }
0x4a: {  	_ =	shalt  }
0x4b: {  	_ =	shalt  }
0x4c: {  	_ =	shalt  }
0x4d: {  	_ =	shalt  }
0x4e: {  	_ =	shalt  }
0x4f: {  	_ =	shalt  }
0x50: {  	_ =	shalt  }
0x51: {  	_ =	shalt  }
0x52: {  	_ =	shalt  }
0x53: {  	_ =	shalt  }
0x54: {  	_ =	shalt  }
0x55: {  	_ =	shalt  }
0x56: {  	_ =	shalt  }
0x57: {  	_ =	shalt  }
0x58: {  	_ =	shalt  }
0x59: {  	_ =	shalt  }
0x5a: {  	_ =	shalt  }
0x5b: {  	_ =	shalt  }
0x5c: {  	_ =	shalt  }
0x5d: {  	_ =	shalt  }
0x5e: {  	_ =	shalt  }
0x5f: {  	_ =	shalt  }
0x60: {  	_ =	shalt  }
0x61: {  	_ =	shalt  }
0x62: {  	_ =	shalt  }
0x63: {  	_ =	shalt  }
0x64: {  	_ =	shalt  }
0x65: {  	_ =	shalt  }
0x66: {  	_ =	shalt  }
0x67: {  	_ =	shalt  }
0x68: {  	_ =	shalt  }
0x69: {  	_ =	shalt  }
0x6a: {  	_ =	shalt  }
0x6b: {  	_ =	shalt  }
0x6c: {  	_ =	shalt  }
0x6d: {  	_ =	shalt  }
0x6e: {  	_ =	shalt  }
0x6f: {  	_ =	shalt  }
0x70: {  	_ =	shalt  }
0x71: {  	_ =	shalt  }
0x72: {  	_ =	shalt  }
0x73: {  	_ =	shalt  }
0x74: {  	_ =	shalt  }
0x75: {  	_ =	shalt  }
0x76: {  	_ =	shalt  }
0x77: {  	_ =	shalt  }
0x78: {  	_ =	shalt  }
0x79: {  	_ =	shalt  }
0x7a: {  	_ =	shalt  }
0x7b: {  	_ =	shalt  }
0x7c: {  	_ =	shalt  }
0x7d: {  	_ =	shalt  }
0x7e: {  	_ =	shalt  }
0x7f: {  	_ =	shalt  }
0x80: {  	_ =	shalt  }
0x81: {  	_ =	shalt  }
0x82: {  	_ =	shalt  }
0x83: {  	_ =	shalt  }
0x84: {  	_ =	shalt  }
0x85: {  	_ =	shalt  }
0x86: {  	_ =	shalt  }
0x87: {  	_ =	shalt  }
.Lfunc_end0:
.L_simem_size_0:
called_computation.4_lowered:
.L_overlay_start_0:
0x88: {  	s2 =	sld [smem:$0x3FD9]  }
0x89: {  	s3 =	sld [smem:$0x3FFE];
	_ =	sdelay $0x1  }
0x8a: {  	s1 =	srdreg.scid  }
0x8b: {  	s0 =	sand.u32 $0x1, s1  }
0x8c: {  	s16 =	sshll.u32 s0, $0xA;
	s2 =	sadd.s32 s3, s2  }
0x8d: {  	s2 =	sadd.s32 s2, s16  }
0x8e: {  	[smem:$0x3FB6] =	sst s2  }
0x8f: {  	_ = 	snop  }
0x90: {  	(tm) =	ssettm $0x1  }
0x91: {  	s17 =	sld [smem:$0x3FFB];
	_ =	sdelay $0x3  }
0x92: {  	_ =	strace s17  }
0x93: {  	s2 =	sld [smem:$0x3FFC];
	_ =	sdelay $0x3  }
0x94: {  	_ =	strace s2  }
0x95: {  	s2 =	sld [smem:$0x3FFD];
	_ =	sdelay $0x3  }
0x96: {  	_ =	strace s2  }
0x97: {  	_ =	strace $0x8FFFFFFF  }
0x98: {  	s18 =	sld [smem:$0x3FDB];
	_ =	sdelay $0x1  }
0x99: {  	s19 =	simm.s32 $_scs_section_size  }
0x9a: {  	s4 =	simm.s32 $_size__tile_overlayer_lowered;
	s5 =	simm.s32 $_tile_overlayer_lowered  }
0x9b: {  	s22 =	simm.s32 $0x1BFF;
	s21 =	sshll.u32 s5, $0x1;
	s2 =	sadd.s32 s19, s18  }
0x9c: {  	s6 =	simm.s32 $0x0;
	s20 =	sshll.u32 s4, $0x1;
	s4 =	sadd.s32 s21, s2  }
0x9d: {  	[timem:s6], [sflag:s22] =	dma.local [hbm:s4], s20  }
0x9e: {  	_ =	swait.ge [sflag:s22], s20  }
0x9f: {  	s3 =	ssub.s32 $0x0, s20;
	[sflag:s22] =	ssyncset.done $0x0  }
0xa0: {  	[sflag:s22] =	ssyncadd.s32 s3;
	_ =	sdelay $0x1  }
0xa1: {  	s23 =	simm.s32 $0x1B8B  }
0xa2: {  	_ =	swait.ge [sflag:s23], $0x1  }
0xa3: {  	[sflag:s23] =	ssyncset.done $0x0  }
0xa4: {  	s25 =	simm.s32 $0x1B8E;
	s24 =	sld [smem:$0x3FFE];
	[sflag:s23] =	ssyncadd.s32 $0xFFFFFFFF  }
0xa5: {  	s26 =	simm.s32 $execute0_lowered;
	[smem:$0x3FD2] =	sst s25  }
0xa6: {  	s4 =	sshll.u32 s26, $0x1;
	_ =	strace $0x80000052;
	[dreg:$0x1] =	wrdreg $0xFFFFFFFF  }
0xa7: {  	s28 =	simm.s32 $_size_execute0_lowered;
	s2 =	sadd.s32 s2, s4;
	[dreg:$0x0] =	wrdreg $0x0  }
0xa8: {  	s4 =	sshll.u32 s28, $0x1;
	[dreg:$0x2] =	wrdreg s2  }
0xa9: {  	[dreg:$0x3] =	wrdreg s4  }
0xaa: {  	[dreg:$0x4] =	wrdreg $0xC0  }
0xab: {  	_ =	task [dreg:s6], $0x5FFFF  }
0xac: {  	[dreg:$0x1] =	wrdreg $0xFFFFFFFF  }
0xad: {  	[dreg:$0x0] =	wrdreg $0x60  }
0xae: {  	[dreg:$0x2] =	wrdreg s24  }
0xaf: {  	[dreg:$0x3] =	wrdreg $0xE8800  }
0xb0: {  	[dreg:$0x4] =	wrdreg $0x9  }
0xb1: {  	_ =	task.clear_ibuf [dreg:s6], $0x5FFFF;
	_ =	strace $0x90000052  }
0xb2: {  	s29 =	simm.s32 $0x9;
	_ =	strace $0x80000054  }
0xb3: {  	_ =	swait.ge [sflag:s29], $0x1  }
0xb4: {  	[sflag:s29] =	ssyncadd.s32 $0xFFFFFFFF  }
0xb5: {  	_ =	strace $0x90000054  }
0xb6: {  	_ =	sfence  }
0xb7: {  	s30 =	sld [smem:$0x0];
	_ =	sdelay $0x2  }
0xb8: {  	s31 =	sshll.u32 s1, $0xD;
	s1 =	sshrl.u32 s1, $0x2  }
0xb9: {  	s3 =	sand.u32 $0x4000, s31;
	s1 =	sadd.s32 s1, s30  }
0xba: {  	s0 =	sor.u32 s3, s0;
	s1 =	sshll.u32 s1, $0x11  }
0xbb: {  	s0 =	sor.u32 s1, s0  }
0xbc: {  	s0 =	sadd.s32 $0x8F2B, s0  }
0xbd: {  	[sflag:s0] =	ssyncadd.remote.s32 $0x1  }
0xbe: {  	_ =	sfence.sel $0xFFFF  }
0xbf: {  	[dreg:$0x0] =	wrdreg $0xFFFFFFFF;
	(pc) =	sbr.abs _section_cstart, $3  }
0xc0: {  	[dreg:$0x1] =	wrdreg $0xFFFFFFFF  }
0xc1: {  	_ =	task.clear_ibuf [dreg:s6], $0x2FFFF;
	_ =	strace $0x9FFFFFFF  }
0xc2: {  	(tm) =	ssettm $0x7FFFFFFF  }
0xc3: {  	_ =	shalt  }
tec
execute0_lowered:
.L_overlay_start_1:
0x0: {  	(tag) =	ssettag $0x1  }
0x1: {  	s0 =	srdreg.scid;
	s6 =	rddreg [dreg:$0x0]  }
0x2: {  	s2 =	rddreg [dreg:$0x1];
	s1 =	stileid.u32  }
0x3: {  	s3 =	simm.s32 $0x0;
	s16 =	simm.s32 $0x6880;
	s17 =	simm.s32 $0x80  }
0x4: {  	s18 =	simm.s32 $0x0;
	s5 =	sand.u32 $0x1, s0;
	s0 =	rddreg [dreg:$0x2]  }
0x5: {  	[smem:$0x7FF] =	sst s3;
	s12 =	smul.u32 $0x28000, s1;
	s14 =	sshll.u32 s1, $0x6  }
0x6: {  	s4 =	sshll.u32 s5, $0x4;
	_ =	strace $0x80000053;
	s10 =	ssub.s32 $0x2, s5  }
0x7: {  	s5 =	sadd.s32 $0x5800, s6;
	s14 =	sor.u32 $0x1C03, s14;
	s7 =	sor.u32 s1, s4  }
0x8: {  	s4 =	sadd.s32 $0x33600, s6;
	s11 =	sshrl.u32 s10, $0x1;
	s8 =	smul.u32 $0x680, s7  }
0x9: {  	s31 =	sshrl.u32 s12, $0x2;
	s9 =	sshll.u32 s7, $0x1;
	s7 =	smul.u32 $0x1400, s7  }
.Ltmp0:
0xa: {  	s12 =	simm.s32 $0x3400;
	s10 =	ssub.s32 s10, s11;
	(pc) =	sbr.rel .LBB2_1-.Ltmp0, $4  }
0xb: {  	s15 =	sadd.s32 s31, s2;
	s11 =	simm.s32 $0x3;
	s9 =	sadd.s32 s9, s6  }
0xc: {  	s10 =	smax.u32 s10, $0x1;
	s15 =	sshrl.u32 s15, $0x3;
	s8 =	sadd.s32 s8, s6  }
0xd: {  	s13 =	sadd.s32 s7, s6;
	s6 =	sadd.s32 $0x19400, s8;
	s7 =	sadd.s32 $0x26400, s8  }
0xe: {  	s8 =	sadd.s32 $0x33400, s9;
	s9 =	sadd.s32 $0x5A800, s13;
	s13 =	simm.s32 $0x6800  }
.LBB2_4:
0xf: {  	s23 =	simm.s32 $0x1  }
.LBB2_7:
0x10: {  	s21 =	sand.u32 $0x1, s23  }
0x11: {  	[sflag:s11] =	ssyncadd.s32 @p1 $0xFFFFC000;
	s22 =	sadd.s32 $0x1, s21  }
0x12: {  	s25 =	simm.s32 @!p0 $0x80;
	s23 =	sxor.u32 @!p0 $0x1, s21;
	_ =	swait.ge [sflag:s22], $0x4000  }
0x13: {  	s21 =	sshll.u32 s21, $0xE;
	s24 =	sshll.u32 @!p0 s23, $0xE;
	[sflag:s22] =	ssyncset.done $0x0  }
0x14: {  	s24 =	sadd.s32 @!p0 $0x6880, s24;
	[sflag:s22] =	ssyncadd.s32 $0xFFFFC000;
	s22 =	sadd.s32 @!p0 $0x1, s23  }
0x15: {  	[tilespmem:s24], [sflag:s22] =	stream.indirect.gather @!p0 [hbm4b:s4+s25], $0x80, s20, s25, $0xb8;
	[tilespmem:$0x18880] =	vst v63  }
0x16: {  	s31 =	sadd.s32 $0x6880, s21  }
0x17: {  	[spmem:s2] =	stream.indirect.scatter.add.f32 [tilespmem:s31], [sflag:$0x3], $0x80, s19, s17, $0xb8;
	[tilespmem:$0x18880] =	vst v63  }
0x18: {  	_ =	swait.ge [sflag:s11], $0x4000  }
0x19: {  	[sflag:s11] =	ssyncset.done $0x0  }
0x1a: {  	[sflag:s11] =	ssyncadd.s32 $0xFFFFC000  }
.LBB2_8:
0x1b: {  	s18 =	sadd.s32 $0x1, s18  }
0x1c: {  	p0 =	sne.s32 s18, s10  }
.Ltmp1:
0x1d: {  	_ = 	snop;
	(pc) =	sbr.rel @!p0 .LBB2_9-.Ltmp1, $4  }
0x1e: {  	[hbm:s9], [sflag:s14] =	dma.local [spmem:s15], $0x13C0  }
0x1f: {  	_ =	swait.ge [sflag:s11], $0x13C0  }
0x20: {  	[sflag:s11] =	ssyncset.done $0x0  }
0x21: {  	[sflag:s11] =	ssyncadd.s32 $0xFFFFEC40  }
.LBB2_1:
0x22: {  	[tilespmem:s3], [sflag:$0x3] =	stream.linear.gather [hbm4b:s6+s3], $0x3080, $0x38;
	[tilespmem:$0x18880] =	vst v63  }
0x23: {  	_ =	swait.ge [sflag:s11], $0x3080  }
0x24: {  	[sflag:s11] =	ssyncset.done $0x0  }
0x25: {  	[sflag:s11] =	ssyncadd.s32 $0xFFFFCF80  }
0x26: {  	[tilespmem:s12], [sflag:$0x3] =	stream.linear.gather [hbm4b:s7+s3], $0x3080, $0x38;
	[tilespmem:$0x18880] =	vst v63  }
0x27: {  	_ =	swait.ge [sflag:s11], $0x3080  }
0x28: {  	[sflag:s11] =	ssyncset.done $0x0  }
0x29: {  	[sflag:s11] =	ssyncadd.s32 $0xFFFFCF80  }
0x2a: {  	[tilespmem:s13], [sflag:$0x3] =	stream.linear.gather [hbm4b:s8+s3], $0x10, $0x38;
	[tilespmem:$0x18880] =	vst v63  }
0x2b: {  	_ =	swait.ge [sflag:s11], $0x10  }
0x2c: {  	[sflag:s11] =	ssyncset.done $0x0  }
0x2d: {  	[sflag:s11] =	ssyncadd.s32 $0xFFFFFFF0  }
0x2e: {  	[spmem:s15], [sflag:s14] =	dma.local [hbm:s5], $0x1400  }
0x2f: {  	_ =	swait.ge [sflag:s11], $0x1400  }
0x30: {  	[sflag:s11] =	ssyncset.done $0x0  }
0x31: {  	[sflag:s11] =	ssyncadd.s32 $0xFFFFEC00  }
0x32: {  	v0 =	vld [tilespmem:$0x6800];
	_ =	sdelay $0x4  }
0x33: {  	(v2sf) =	vpush v0, $0x0;
	_ =	sdelay $0xe  }
0x34: {  	s19 =	spop (v2sf)  }
0x35: {  	s19 =	sadd.s32 $0x7F, s19  }
0x36: {  	s21 =	sshra.s32 s19, $0x7  }
0x37: {  	p0 =	slt.s32 s21, $0x1  }
.Ltmp2:
0x38: {  	_ = 	snop;
	(pc) =	sbr.rel @p0 .LBB2_8-.Ltmp2, $1  }
0x39: {  	_ =	sdelay $0x3  }
0x3a: {  	p2 =	sne.s32 s21, $0x1  }
.Ltmp3:
0x3b: {  	_ = 	snop;
	(pc) =	sbr.rel @!p2 .LBB2_7-.Ltmp3, $4  }
0x3c: {  	s20 =	simm.s32 $0x80  }
0x3d: {  	s23 =	simm.s32 $0x0;
	s19 =	simm.s32 $0x3400;
	p0 =	sle.s32 s21, $0x1  }
0x3e: {  	[tilespmem:s16], [sflag:$0x1] =	stream.indirect.gather [hbm4b:s4+s20], $0x80, s23, s20, $0xb8;
	[tilespmem:$0x18880] =	vst v63  }
0x3f: {  	s22 =	simm.s32 $0x1;
	p1 =	por $0x0, $0x0;
	p0 =	por p0, p0  }
0x40: {  	s23 =	sand.u32 $0x1, s23  }
0x41: {  	s24 =	sadd.s32 $0x1, s23  }
0x42: {  	s28 =	simm.s32 @!p0 $0x80;
	s25 =	sxor.u32 @!p0 $0x1, s23;
	_ =	swait.ge [sflag:s24], $0x4000  }
0x43: {  	p2 =	sne.s32 s21, $0x2;
	s26 =	sshll.u32 @!p0 s25, $0xE;
	[sflag:s24] =	ssyncset.done $0x0  }
0x44: {  	s26 =	sadd.s32 @!p0 $0x6880, s26;
	[sflag:s24] =	ssyncadd.s32 $0xFFFFC000;
	s24 =	sadd.s32 @!p0 $0x1, s25  }
0x45: {  	[tilespmem:s26], [sflag:s24] =	stream.indirect.gather @!p0 [hbm4b:s4+s28], $0x80, s20, s28, $0xb8;
	[tilespmem:$0x18880] =	vst v63  }
.Ltmp4:
0x46: {  	s23 =	sshll.u32 s23, $0xE;
	(pc) =	sbr.rel @!p2 .LBB2_4-.Ltmp4, $4  }
0x47: {  	p6 =	sle.s32 s21, $0x2;
	p1 =	por $0x1, $0x1;
	s31 =	sadd.s32 $0x6880, s23  }
0x48: {  	[spmem:s2] =	stream.indirect.scatter.add.f32 [tilespmem:s31], [sflag:$0x3], $0x80, s19, s17, $0xb8;
	[tilespmem:$0x18880] =	vst v63  }
0x49: {  	s23 =	simm.s32 $0x2;
	p0 =	por p6, p6;
	_ =	swait.ge [sflag:s11], $0x4000  }
0x4a: {  	s20 =	simm.s32 $0x100;
	s19 =	simm.s32 $0x3480;
	[sflag:s11] =	ssyncset.done $0x0  }
.LBB2_5:
0x4b: {  	s24 =	sand.u32 $0x1, s22  }
0x4c: {  	[sflag:s11] =	ssyncadd.s32 $0xFFFFC000;
	s22 =	smov.u32 s23;
	s23 =	sadd.s32 $0x1, s23  }
0x4d: {  	p3 =	sge.s32 s23, s21;
	s25 =	sadd.s32 $0x1, s24;
	s26 =	sxor.u32 @!p0 $0x1, s24  }
0x4e: {  	p2 =	sne.s32 s21, s23;
	_ =	swait.ge [sflag:s25], $0x4000;
	s28 =	sshll.u32 @!p0 s26, $0xE  }
0x4f: {  	s29 =	simm.s32 @!p0 $0x80;
	[sflag:s25] =	ssyncset.done $0x0;
	s28 =	sadd.s32 @!p0 $0x6880, s28  }
0x50: {  	s24 =	sshll.u32 s24, $0xE;
	[sflag:s25] =	ssyncadd.s32 $0xFFFFC000;
	s25 =	sadd.s32 @!p0 $0x1, s26  }
0x51: {  	[tilespmem:s28], [sflag:s25] =	stream.indirect.gather @!p0 [hbm4b:s4+s29], $0x80, s20, s29, $0xb8;
	[tilespmem:$0x18880] =	vst v63  }
.Ltmp5:
0x52: {  	_ = 	snop;
	(pc) =	sbr.rel @p2 .LBB2_5-.Ltmp5, $4  }
0x53: {  	s24 =	sadd.s32 $0x6880, s24;
	p0 =	por p3, p3  }
0x54: {  	[spmem:s2] =	stream.indirect.scatter.add.f32 [tilespmem:s24], [sflag:$0x3], $0x80, s19, s17, $0xb8;
	[tilespmem:$0x18880] =	vst v63  }
0x55: {  	_ =	swait.ge [sflag:s11], $0x4000  }
0x56: {  	s20 =	sadd.s32 $0x80, s20;
	s19 =	sadd.s32 $0x80, s19;
	[sflag:s11] =	ssyncset.done $0x0  }
.Ltmp6:
0x57: {  	(pc) =	sbr.rel .LBB2_7-.Ltmp6, $2  }
0x58: {  	_ =	sdelay $0x2  }
0x59: {  	s23 =	smov.u32 s22  }
.LBB2_9:
0x5a: {  	_ =	sfence.sel $0x180000  }
0x5b: {  	[bflag:$0x0] =	sbarrier.arrive $0xFFFF  }
0x5c: {  	p0 =	sne.s32 s1, $0x0;
	_ =	strace $0x90000053  }
0x5d: {  	s0 =	sadd.s32 @!p0 $0x100000, s0;
	[bflag:$0x2] =	sbarrier.arrive $0xFFFF  }
0x5e: {  	[sflag:s0] =	ssyncadd.tile.s32 @!p0 $0x1;
	_ =	shalt  }
.Lfunc_end2:
_tile_overlayer_lowered:
.L_overlay_start_2:
0x5f: {  	(tag) =	ssettag $0x2  }
0x60: {  	s0 =	rddreg [dreg:$0x0];
	s2 =	stileid.u32  }
0x61: {  	s1 =	rddreg [dreg:$0x1];
	p0 =	sne.s32 s2, $0x0  }
0x62: {  	s3 =	rddreg [dreg:$0x2];
	[bflag:$0x3] =	sbarrier.arrive $0xFFFF;
	s2 =	simm.s32 @!p0 $0x1C03  }
0x63: {  	[timem:s3], [sflag:s2] =	dma.local @!p0 [hbm:s0], s1  }
0x64: {  	s0 =	simm.s32 @!p0 $0x3  }
0x65: {  	_ =	swait.ge @!p0 [sflag:s0], s1  }
0x66: {  	s1 =	ssub.s32 @!p0 $0x0, s1;
	[sflag:s0] =	ssyncset.done @!p0 $0x0  }
0x67: {  	[sflag:s0] =	ssyncadd.s32 @!p0 s1  }
0x68: {  	[bflag:$0x3] =	sbarrier.arrive $0xFFFF  }
0x69: {  	_ =	shalt  }

</sc_bundles>
